<compile_context>
chip_gen: v7x
topology: tpu7x:2x2x1
jax: 0.10.2.dev20260603
libtpu: 0.0.44.dev20260713+nightly
codegen_flags: <defaults>
</compile_context>

<pallas_src>
import jax
import jax.numpy as jnp
from jax import lax
from jax.experimental import pallas as pl
from jax.experimental.pallas import tpu as pltpu
from jax.experimental.pallas import tpu_sc as plsc

N_NODES = 10000
N_EDGES = 320000
D = 128
NPAD = 10240
NDIS = 10016
DEAD = 10008
NC = 2
NS = 16
NW = NC * NS
CHUNK = 128
NCH = 80
EPT = NCH * CHUNK
E_PAD = NW * EPT
NSLOT = 2
ISLOT = 4
DSLOT = 4
TOTCH = NW * NCH
CH_C0 = 1280
CH_C1 = TOTCH - CH_C0

_MESH = plsc.VectorSubcoreMesh(core_axis_name="c", subcore_axis_name="s")
_SC_PARAMS = pltpu.CompilerParams(needs_layout_passes=False)


def _deg_body(dst_hbm, zs_hbm, deg_hbm, deg_sp, didx, ones_v,
              s0, s1, s2, s3):
  cid = lax.axis_index("c")
  sid = lax.axis_index("s")
  wid = cid * NS + sid
  sems = (s0, s1, s2, s3)

  pltpu.sync_copy(zs_hbm.at[pl.ds(sid * 640, 640)],
                  deg_sp.at[pl.ds(sid * 640, 640)])
  pltpu.sync_copy(dst_hbm.at[pl.ds(wid * EPT, EPT)], didx)
  for i in range(8):
    ones_v[pl.ds(i * 16, 16)] = jnp.full((16,), 1.0, jnp.float32)
  plsc.subcore_barrier()

  def body(j, carry):
    descs = []
    for p in range(DSLOT):
      descs.append(pltpu.async_copy(
          ones_v, deg_sp.at[didx.at[pl.ds((j * DSLOT + p) * CHUNK, CHUNK)]],
          sems[p], add=True))
    for d in descs:
      d.wait()
    return carry

  lax.fori_loop(0, NCH // DSLOT, body, 0)

  plsc.subcore_barrier()
  pltpu.sync_copy(deg_sp.at[pl.ds(sid * 640, 640)],
                  deg_hbm.at[cid, pl.ds(sid * 640, 640)])


_deg = pl.kernel(
    _deg_body,
    out_type=jax.ShapeDtypeStruct((NC, NPAD), jnp.float32),
    mesh=_MESH,
    compiler_params=_SC_PARAMS,
    scratch_types=[
        pltpu.VMEM_SHARED((NPAD,), jnp.float32),
        pltpu.VMEM((EPT,), jnp.int32),
        pltpu.VMEM((CHUNK,), jnp.float32),
        pltpu.SemaphoreType.DMA,
        pltpu.SemaphoreType.DMA,
        pltpu.SemaphoreType.DMA,
        pltpu.SemaphoreType.DMA,
    ],
)


def _proj_body(x_ref, w_ref, degp_ref, g_ref, dis_ref):
  deg = degp_ref[0] + degp_ref[1] + 1.0
  dis = lax.rsqrt(deg)
  dis_ref[...] = dis
  h = jnp.dot(x_ref[...], w_ref[...], preferred_element_type=jnp.float32)
  g_ref[...] = dis * h


def _proj(x, W1, degp):
  bm = 2000
  return pl.pallas_call(
      _proj_body,
      grid=(N_NODES // bm,),
      in_specs=[
          pl.BlockSpec((bm, D), lambda i: (i, 0)),
          pl.BlockSpec((D, D), lambda i: (0, 0)),
          pl.BlockSpec((NC, bm, 1), lambda i: (0, i, 0)),
      ],
      out_specs=[
          pl.BlockSpec((bm, D), lambda i: (i, 0)),
          pl.BlockSpec((bm, 1), lambda i: (i, 0)),
      ],
      out_shape=[
          jax.ShapeDtypeStruct((N_NODES, D), jnp.float32),
          jax.ShapeDtypeStruct((N_NODES, 1), jnp.float32),
      ],
  )(x, W1, degp)


def _edge_body(src_hbm, dst_hbm, dis_hbm, g_hbm, zrow_hbm, zs_hbm,
               sp_hbm, accp_hbm,
               acc_sp, s_sp, dis_v, srcb, dstb, val_v, row_v,
               g0, g1, t0, t1, i0, i1, i2, i3, asem):
  cid = lax.axis_index("c")
  sid = lax.axis_index("s")
  wid = cid * NS + sid
  base = wid * EPT
  gsem = (g0, g1)
  ssem = (t0, t1)
  isem = (i0, i1, i2, i3)

  pltpu.sync_copy(zrow_hbm.at[pl.ds(sid * 640, 640)],
                  acc_sp.at[pl.ds(sid * 640, 640)])
  pltpu.sync_copy(zs_hbm.at[pl.ds(sid * 640, 640)],
                  s_sp.at[pl.ds(sid * 640, 640)])
  pltpu.sync_copy(dis_hbm, dis_v)
  plsc.subcore_barrier()

  def issue_idx(c, q):
    pltpu.async_copy(src_hbm.at[pl.ds(base + c * CHUNK, CHUNK)],
                     srcb.at[q], isem[q])
    pltpu.async_copy(dst_hbm.at[pl.ds(base + c * CHUNK, CHUNK)],
                     dstb.at[q], isem[q])

  def wait_idx(c, q):
    pltpu.make_async_copy(src_hbm.at[pl.ds(base + c * CHUNK, CHUNK)],
                          srcb.at[q], isem[q]).wait()
    pltpu.make_async_copy(dst_hbm.at[pl.ds(base + c * CHUNK, CHUNK)],
                          dstb.at[q], isem[q]).wait()

  def issue_gather(q, p):
    pltpu.async_copy(g_hbm.at[srcb.at[q, pl.ds(0, 64)]],
                     row_v.at[p, pl.ds(0, 64)], gsem[p])
    pltpu.async_copy(g_hbm.at[srcb.at[q, pl.ds(64, 64)]],
                     row_v.at[p, pl.ds(64, 64)], gsem[p])

  def wait_gather(q, p):
    pltpu.make_async_copy(g_hbm.at[srcb.at[q, pl.ds(0, 64)]],
                          row_v.at[p, pl.ds(0, 64)], gsem[p]).wait()
    pltpu.make_async_copy(g_hbm.at[srcb.at[q, pl.ds(64, 64)]],
                          row_v.at[p, pl.ds(64, 64)], gsem[p]).wait()

  for q in range(ISLOT):
    issue_idx(q, q)
  for p in range(NSLOT):
    wait_idx(p, p)
    issue_gather(p, p)

  def body(j, carry):
    for u in range(ISLOT):
      c = j * ISLOT + u
      p = u % NSLOT
      q = u
      wait_gather(q, p)
      sdesc = pltpu.async_copy(
          row_v.at[p, pl.ds(0, 64)],
          acc_sp.at[dstb.at[q, pl.ds(0, 64)]], ssem[p], add=True)
      sdesc2 = pltpu.async_copy(
          row_v.at[p, pl.ds(64, 64)],
          acc_sp.at[dstb.at[q, pl.ds(64, 64)]], ssem[p], add=True)
      dstb_row = dstb.at[q]
      for k in range(8):
        dv = dstb_row[pl.ds(k * 16, 16)]
        val_v[pl.ds(k * 16, 16)] = plsc.load_gather(dis_v, [dv])
      asdesc = pltpu.async_copy(val_v, s_sp.at[srcb.at[q]], asem,
                                add=True)
      sdesc.wait()
      sdesc2.wait()

      @pl.when(c + NSLOT < NCH)
      def _():
        qn = (u + NSLOT) % ISLOT
        wait_idx(c + NSLOT, qn)
        issue_gather(qn, p)

      asdesc.wait()

      @pl.when(c + ISLOT < NCH)
      def _():
        issue_idx(c + ISLOT, q)
    return carry

  lax.fori_loop(0, NCH // ISLOT, body, 0)

  plsc.subcore_barrier()
  pltpu.sync_copy(acc_sp.at[pl.ds(sid * 640, 640)],
                  accp_hbm.at[cid, pl.ds(sid * 640, 640)])
  pltpu.sync_copy(s_sp.at[pl.ds(sid * 640, 640)],
                  sp_hbm.at[cid, pl.ds(sid * 640, 640)])


_edge_pass = pl.kernel(
    _edge_body,
    out_type=(
        jax.ShapeDtypeStruct((NC, NPAD), jnp.float32),
        jax.ShapeDtypeStruct((NC, NPAD, D), jnp.float32),
    ),
    mesh=_MESH,
    compiler_params=_SC_PARAMS,
    scratch_types=[
        pltpu.VMEM_SHARED((NPAD, D), jnp.float32),
        pltpu.VMEM_SHARED((NPAD,), jnp.float32),
        pltpu.VMEM((NDIS,), jnp.float32),
        pltpu.VMEM((ISLOT, CHUNK), jnp.int32),
        pltpu.VMEM((ISLOT, CHUNK), jnp.int32),
        pltpu.VMEM((CHUNK,), jnp.float32),
        pltpu.VMEM((NSLOT, CHUNK, D), jnp.float32),
        pltpu.SemaphoreType.DMA,
        pltpu.SemaphoreType.DMA,
        pltpu.SemaphoreType.DMA,
        pltpu.SemaphoreType.DMA,
        pltpu.SemaphoreType.DMA,
        pltpu.SemaphoreType.DMA,
        pltpu.SemaphoreType.DMA,
        pltpu.SemaphoreType.DMA,
        pltpu.SemaphoreType.DMA,
    ],
)


def _head_body(dis_ref, g_ref, accp_ref, sp_ref, b1_ref, w2_ref, b2_ref,
               wfc_ref, bfc_ref, out_ref, vacc):
  i = pl.program_id(0)
  dis = dis_ref[...]
  acc = accp_ref[0] + accp_ref[1]
  z1 = dis * (acc + g_ref[...]) + b1_ref[...]
  r1 = jnp.maximum(z1, 0.0)
  s = sp_ref[0] + sp_ref[1]
  w = dis * (dis + s)
  contrib = jnp.sum(w * r1, axis=0, keepdims=True)

  @pl.when(i == 0)
  def _():
    vacc[...] = jnp.zeros_like(vacc)

  vacc[...] += contrib

  @pl.when(i == pl.num_programs(0) - 1)
  def _():
    pooled = jnp.dot(vacc[...] * (1.0 / N_NODES), w2_ref[...],
                     preferred_element_type=jnp.float32) + b2_ref[...]
    out_ref[...] = jnp.dot(pooled, wfc_ref[...],
                           preferred_element_type=jnp.float32) + bfc_ref[...]


def _head(dis_col, g, accp, sp, b1, W2, b2, Wfc, bfc):
  bm = 2000
  return pl.pallas_call(
      _head_body,
      grid=(N_NODES // bm,),
      in_specs=[
          pl.BlockSpec((bm, 1), lambda i: (i, 0)),
          pl.BlockSpec((bm, D), lambda i: (i, 0)),
          pl.BlockSpec((NC, bm, D), lambda i: (0, i, 0)),
          pl.BlockSpec((NC, bm, 1), lambda i: (0, i, 0)),
          pl.BlockSpec((1, D), lambda i: (0, 0)),
          pl.BlockSpec((D, D), lambda i: (0, 0)),
          pl.BlockSpec((1, D), lambda i: (0, 0)),
          pl.BlockSpec((D, D), lambda i: (0, 0)),
          pl.BlockSpec((1, D), lambda i: (0, 0)),
      ],
      out_specs=pl.BlockSpec((1, D), lambda i: (0, 0)),
      out_shape=jax.ShapeDtypeStruct((1, D), jnp.float32),
      scratch_shapes=[pltpu.VMEM((1, D), jnp.float32)],
  )(dis_col, g, accp, sp, b1, W2, b2, Wfc, bfc)


def kernel(x, edge_index, W1, b1, W2, b2, Wfc, bfc):
  src = edge_index[0].astype(jnp.int32)
  dst = edge_index[1].astype(jnp.int32)
  npad_e = E_PAD - N_EDGES
  src_p = jnp.concatenate([src, jnp.zeros((npad_e,), jnp.int32)])
  dst_p = jnp.concatenate([dst, jnp.full((npad_e,), DEAD, jnp.int32)])
  zrow = jnp.zeros((NPAD, D), jnp.float32)
  zs = jnp.zeros((NPAD,), jnp.float32)

  degp = _deg(dst_p, zs)
  g, dis_col = _proj(x, W1, degp.reshape(NC, NPAD, 1))
  dis_pad = jnp.concatenate(
      [dis_col.reshape(N_NODES), jnp.zeros((NDIS - N_NODES,), jnp.float32)])
  sp, accp = _edge_pass(src_p, dst_p, dis_pad, g, zrow, zs)
  sp_col = sp.reshape(NC, NPAD, 1)
  b1r = b1.reshape(1, D)
  b2r = b2.reshape(1, D)
  bfcr = bfc.reshape(1, D)
  return _head(dis_col, g, accp, sp_col, b1r, W2, b2r, Wfc, bfcr)

# --- scband reference (transcript-rebuilt; emitter-appended) ---
"""Pipeline reference for scband-unsupervised-model-19911468384638 (READ-ONLY COPY).

The authoritative reference and input builder live on the scoring server;
editing this copy changes nothing except your own understanding.
"""

import jax, jax.numpy as jnp
import numpy as np

N_NODES = 10000
N_EDGES = 320000
D_IN = 128
D_PROJ = 128
D_HID = 128


def setup_inputs(seed: int = 0) -> dict:
    key = jax.random.key(seed)
    k = jax.random.split(key, 9)
    x = jax.random.normal(k[0], (N_NODES, D_IN), dtype=jnp.float32)
    edge_index = jax.random.randint(k[1], (2, N_EDGES), 0, N_NODES, dtype=jnp.int64 if jax.config.jax_enable_x64 else jnp.int32)
    W1 = jax.random.normal(k[2], (D_IN, D_PROJ), dtype=jnp.float32) * 0.05
    b1 = jnp.zeros((D_PROJ,), dtype=jnp.float32)
    W2 = jax.random.normal(k[3], (D_PROJ, D_HID), dtype=jnp.float32) * 0.05
    b2 = jnp.zeros((D_HID,), dtype=jnp.float32)
    Wfc = jax.random.normal(k[4], (D_HID, D_HID), dtype=jnp.float32) * 0.05
    bfc = jnp.zeros((D_HID,), dtype=jnp.float32)
    return {"x": x, "edge_index": edge_index, "W1": W1, "b1": b1, "W2": W2, "b2": b2, "Wfc": Wfc, "bfc": bfc}


def _gcn_conv(x, edge_index, W, b):
    # PyG GCNConv: add self-loops, symmetric normalization D^-1/2 (A+I) D^-1/2, linear transform, bias
    N = x.shape[0]
    loop = jnp.arange(N, dtype=edge_index.dtype)
    src = jnp.concatenate([edge_index[0], loop])
    dst = jnp.concatenate([edge_index[1], loop])
    ew = jnp.ones(src.shape[0], dtype=x.dtype)
    deg = jnp.zeros((N,), dtype=x.dtype).at[dst].add(ew)
    dis = jnp.where(deg > 0, jax.lax.rsqrt(jnp.maximum(deg, 1e-12)), 0.0)
    norm = dis[src] * dis[dst]
    h = x @ W
    msg = h[src] * norm[:, None]
    out = jnp.zeros((N, W.shape[1]), dtype=x.dtype).at[dst].add(msg)
    return out + b


def reference(x, edge_index, W1, b1, W2, b2, Wfc, bfc):
    z = _gcn_conv(x, edge_index, W1, b1)
    z = jax.nn.relu(z)
    z = _gcn_conv(z, edge_index, W2, b2)
    # global_mean_pool with batch=None -> mean over all nodes, keepdim
    pooled = jnp.mean(z, axis=0, keepdims=True)
    return pooled @ Wfc + bfc

if __name__ == "__main__":
    import jax
    _d = setup_inputs()
    print(jax.jit(kernel)(*tuple(_d.values())))

</pallas_src>

<mosaic_0001>
#map = affine_map<(d0, d1) -> (0)>
#map1 = affine_map<(d0, d1) -> (0, 0)>
#map2 = affine_map<(d0, d1) -> (0, 0, 0)>
module attributes {stable_mosaic.version = 14 : i64} {
  func.func @_edge_body(%arg0: i32, %arg1: i32, %arg2: memref<327680xi32, #tpu.memory_space<hbm>>, %arg3: memref<327680xi32, #tpu.memory_space<hbm>>, %arg4: memref<10016xf32, #tpu.memory_space<hbm>>, %arg5: memref<10000x128xf32, #tpu.memory_space<hbm>>, %arg6: memref<10240x128xf32, #tpu.memory_space<hbm>>, %arg7: memref<10240xf32, #tpu.memory_space<hbm>>, %arg8: memref<2x10240xf32, #tpu.memory_space<hbm>>, %arg9: memref<2x10240x128xf32, #tpu.memory_space<hbm>>, %arg10: memref<10240x128xf32, #tpu.memory_space<vmem_shared>>, %arg11: memref<10240xf32, #tpu.memory_space<vmem_shared>>, %arg12: memref<10016xf32, #tpu.memory_space<vmem>>, %arg13: memref<4x128xi32, #tpu.memory_space<vmem>>, %arg14: memref<4x128xi32, #tpu.memory_space<vmem>>, %arg15: memref<128xf32, #tpu.memory_space<vmem>>, %arg16: memref<2x128x128xf32, #tpu.memory_space<vmem>>, %arg17: memref<!tpu.dma_semaphore, #tpu.memory_space<semaphore_mem>>, %arg18: memref<!tpu.dma_semaphore, #tpu.memory_space<semaphore_mem>>, %arg19: memref<!tpu.dma_semaphore, #tpu.memory_space<semaphore_mem>>, %arg20: memref<!tpu.dma_semaphore, #tpu.memory_space<semaphore_mem>>, %arg21: memref<!tpu.dma_semaphore, #tpu.memory_space<semaphore_mem>>, %arg22: memref<!tpu.dma_semaphore, #tpu.memory_space<semaphore_mem>>, %arg23: memref<!tpu.dma_semaphore, #tpu.memory_space<semaphore_mem>>, %arg24: memref<!tpu.dma_semaphore, #tpu.memory_space<semaphore_mem>>, %arg25: memref<!tpu.dma_semaphore, #tpu.memory_space<semaphore_mem>>) attributes {dimension_semantics = [#tpu.dimension_semantics<core_parallel>, #tpu.dimension_semantics<subcore_parallel>], iteration_bounds = array<i64: 2, 16>, scalar_prefetch = 0 : i64, scratch_operands = 16 : i64, tpu.core_type = #tpu.core_type<sc_vector_subcore>, window_params = [{transform_indices = #map}, {transform_indices = #map}, {transform_indices = #map}, {transform_indices = #map1}, {transform_indices = #map1}, {transform_indices = #map}, {transform_indices = #map1}, {transform_indices = #map2}]} {
    %mul3A = arith.constant 16 : i32
    %mul3A_0 = arith.muli %arg0, %mul3A : i32
    %add3A = arith.addi %mul3A_0, %arg1 : i32
    %mul3A_1 = arith.constant 10240 : i32
    %mul3A_2 = arith.muli %add3A, %mul3A_1 : i32
    %mul3A_3 = arith.constant 640 : i32
    %mul3A_4 = arith.muli %arg1, %mul3A_3 : i32
    %mul3A_5 = arith.constant 640 : i32
    %mul3A_6 = arith.muli %arg1, %mul3A_5 : i32
    "tpu.region"() ({
      %run_scoped3A = tpu.sem_alloc : memref<!tpu.dma_semaphore, #tpu.memory_space<semaphore_mem>>
      %dma_start3A_203 = arith.constant 0 : i32
      %dma_start3A_204 = tpu.memref_slice %arg10[%mul3A_6, %dma_start3A_203] : memref<10240x128xf32, #tpu.memory_space<vmem_shared>> -> memref<640x128xf32, #tpu.memory_space<vmem_shared>>
      %dma_start3A_205 = arith.constant 0 : i32
      %dma_start3A_206 = tpu.memref_slice %arg6[%mul3A_4, %dma_start3A_205] : memref<10240x128xf32, #tpu.memory_space<hbm>> -> memref<640x128xf32, #tpu.memory_space<hbm>>
      tpu.enqueue_dma source(%dma_start3A_206 : memref<640x128xf32, #tpu.memory_space<hbm>>) target(%dma_start3A_204 : memref<640x128xf32, #tpu.memory_space<vmem_shared>>) target_semaphore(%run_scoped3A : memref<!tpu.dma_semaphore, #tpu.memory_space<semaphore_mem>>)
      %dma_wait3A_207 = arith.constant 0 : i32
      %dma_wait3A_208 = tpu.memref_slice %arg10[%mul3A_6, %dma_wait3A_207] : memref<10240x128xf32, #tpu.memory_space<vmem_shared>> -> memref<640x128xf32, #tpu.memory_space<vmem_shared>>
      %dma_wait3A_209 = arith.constant 0 : i32
      %dma_wait3A_210 = tpu.memref_slice %arg6[%mul3A_4, %dma_wait3A_209] : memref<10240x128xf32, #tpu.memory_space<hbm>> -> memref<640x128xf32, #tpu.memory_space<hbm>>
      tpu.wait_dma2 semaphore(%run_scoped3A : memref<!tpu.dma_semaphore, #tpu.memory_space<semaphore_mem>>) src(%dma_wait3A_210 : memref<640x128xf32, #tpu.memory_space<hbm>>) dst(%dma_wait3A_208 : memref<640x128xf32, #tpu.memory_space<vmem_shared>>)
      tpu.yield
    }) : () -> ()
    %mul3A_7 = arith.constant 640 : i32
    %mul3A_8 = arith.muli %arg1, %mul3A_7 : i32
    %mul3A_9 = arith.constant 640 : i32
    %mul3A_10 = arith.muli %arg1, %mul3A_9 : i32
    "tpu.region"() ({
      %run_scoped3A = tpu.sem_alloc : memref<!tpu.dma_semaphore, #tpu.memory_space<semaphore_mem>>
      %dma_start3A_203 = tpu.memref_slice %arg11[%mul3A_10] : memref<10240xf32, #tpu.memory_space<vmem_shared>> -> memref<640xf32, #tpu.memory_space<vmem_shared>>
      %dma_start3A_204 = tpu.memref_slice %arg7[%mul3A_8] : memref<10240xf32, #tpu.memory_space<hbm>> -> memref<640xf32, #tpu.memory_space<hbm>>
      tpu.enqueue_dma source(%dma_start3A_204 : memref<640xf32, #tpu.memory_space<hbm>>) target(%dma_start3A_203 : memref<640xf32, #tpu.memory_space<vmem_shared>>) target_semaphore(%run_scoped3A : memref<!tpu.dma_semaphore, #tpu.memory_space<semaphore_mem>>)
      %dma_wait3A_205 = tpu.memref_slice %arg11[%mul3A_10] : memref<10240xf32, #tpu.memory_space<vmem_shared>> -> memref<640xf32, #tpu.memory_space<vmem_shared>>
      %dma_wait3A_206 = tpu.memref_slice %arg7[%mul3A_8] : memref<10240xf32, #tpu.memory_space<hbm>> -> memref<640xf32, #tpu.memory_space<hbm>>
      tpu.wait_dma2 semaphore(%run_scoped3A : memref<!tpu.dma_semaphore, #tpu.memory_space<semaphore_mem>>) src(%dma_wait3A_206 : memref<640xf32, #tpu.memory_space<hbm>>) dst(%dma_wait3A_205 : memref<640xf32, #tpu.memory_space<vmem_shared>>)
      tpu.yield
    }) : () -> ()
    "tpu.region"() ({
      %run_scoped3A = tpu.sem_alloc : memref<!tpu.dma_semaphore, #tpu.memory_space<semaphore_mem>>
      tpu.enqueue_dma source(%arg4 : memref<10016xf32, #tpu.memory_space<hbm>>) target(%arg12 : memref<10016xf32, #tpu.memory_space<vmem>>) target_semaphore(%run_scoped3A : memref<!tpu.dma_semaphore, #tpu.memory_space<semaphore_mem>>)
      tpu.wait_dma2 semaphore(%run_scoped3A : memref<!tpu.dma_semaphore, #tpu.memory_space<semaphore_mem>>) src(%arg4 : memref<10016xf32, #tpu.memory_space<hbm>>) dst(%arg12 : memref<10016xf32, #tpu.memory_space<vmem>>)
      tpu.yield
    }) : () -> ()
    %barrier3A = arith.constant 0 : index
    tpu.barrier barrier_id(%barrier3A)
    %add3A_11 = arith.constant 0 : i32
    %add3A_12 = arith.addi %mul3A_2, %add3A_11 : i32
    %dma_start3A = arith.constant 0 : i32
    %dma_start3A_13 = arith.constant 0 : i32
    %dma_start3A_14 = tpu.memref_slice %arg13[%dma_start3A, %dma_start3A_13] : memref<4x128xi32, #tpu.memory_space<vmem>> -> memref<1x128xi32, #tpu.memory_space<vmem>>
    %dma_start3A_15 = tpu.memref_squeeze %dma_start3A_14 : memref<1x128xi32, #tpu.memory_space<vmem>> -> memref<128xi32, #tpu.memory_space<vmem>>
    %dma_start3A_16 = tpu.memref_slice %arg2[%add3A_12] : memref<327680xi32, #tpu.memory_space<hbm>> -> memref<128xi32, #tpu.memory_space<hbm>>
    %dma_start3A_17 = arith.constant 0 : i32
    %dma_start3A_18 = tpu.memref_slice %arg13[%dma_start3A, %dma_start3A_17] : memref<4x128xi32, #tpu.memory_space<vmem>> -> memref<1x128xi32, #tpu.memory_space<vmem>>
    %dma_start3A_19 = tpu.memref_squeeze %dma_start3A_18 : memref<1x128xi32, #tpu.memory_space<vmem>> -> memref<128xi32, #tpu.memory_space<vmem>>
    %dma_start3A_20 = tpu.memref_slice %arg2[%add3A_12] : memref<327680xi32, #tpu.memory_space<hbm>> -> memref<128xi32, #tpu.memory_space<hbm>>
    tpu.enqueue_dma source(%dma_start3A_20 : memref<128xi32, #tpu.memory_space<hbm>>) target(%dma_start3A_19 : memref<128xi32, #tpu.memory_space<vmem>>) target_semaphore(%arg21 : memref<!tpu.dma_semaphore, #tpu.memory_space<semaphore_mem>>)
    %add3A_21 = arith.constant 0 : i32
    %add3A_22 = arith.addi %mul3A_2, %add3A_21 : i32
    %dma_start3A_23 = arith.constant 0 : i32
    %dma_start3A_24 = arith.constant 0 : i32
    %dma_start3A_25 = tpu.memref_slice %arg14[%dma_start3A_23, %dma_start3A_24] : memref<4x128xi32, #tpu.memory_space<vmem>> -> memref<1x128xi32, #tpu.memory_space<vmem>>
    %dma_start3A_26 = tpu.memref_squeeze %dma_start3A_25 : memref<1x128xi32, #tpu.memory_space<vmem>> -> memref<128xi32, #tpu.memory_space<vmem>>
    %dma_start3A_27 = tpu.memref_slice %arg3[%add3A_22] : memref<327680xi32, #tpu.memory_space<hbm>> -> memref<128xi32, #tpu.memory_space<hbm>>
    %dma_start3A_28 = arith.constant 0 : i32
    %dma_start3A_29 = tpu.memref_slice %arg14[%dma_start3A_23, %dma_start3A_28] : memref<4x128xi32, #tpu.memory_space<vmem>> -> memref<1x128xi32, #tpu.memory_space<vmem>>
    %dma_start3A_30 = tpu.memref_squeeze %dma_start3A_29 : memref<1x128xi32, #tpu.memory_space<vmem>> -> memref<128xi32, #tpu.memory_space<vmem>>
    %dma_start3A_31 = tpu.memref_slice %arg3[%add3A_22] : memref<327680xi32, #tpu.memory_space<hbm>> -> memref<128xi32, #tpu.memory_space<hbm>>
    tpu.enqueue_dma source(%dma_start3A_31 : memref<128xi32, #tpu.memory_space<hbm>>) target(%dma_start3A_30 : memref<128xi32, #tpu.memory_space<vmem>>) target_semaphore(%arg21 : memref<!tpu.dma_semaphore, #tpu.memory_space<semaphore_mem>>)
    %add3A_32 = arith.constant 128 : i32
    %add3A_33 = arith.addi %mul3A_2, %add3A_32 : i32
    %dma_start3A_34 = arith.constant 1 : i32
    %dma_start3A_35 = arith.constant 0 : i32
    %dma_start3A_36 = tpu.memref_slice %arg13[%dma_start3A_34, %dma_start3A_35] : memref<4x128xi32, #tpu.memory_space<vmem>> -> memref<1x128xi32, #tpu.memory_space<vmem>>
    %dma_start3A_37 = tpu.memref_squeeze %dma_start3A_36 : memref<1x128xi32, #tpu.memory_space<vmem>> -> memref<128xi32, #tpu.memory_space<vmem>>
    %dma_start3A_38 = tpu.memref_slice %arg2[%add3A_33] : memref<327680xi32, #tpu.memory_space<hbm>> -> memref<128xi32, #tpu.memory_space<hbm>>
    %dma_start3A_39 = arith.constant 0 : i32
    %dma_start3A_40 = tpu.memref_slice %arg13[%dma_start3A_34, %dma_start3A_39] : memref<4x128xi32, #tpu.memory_space<vmem>> -> memref<1x128xi32, #tpu.memory_space<vmem>>
    %dma_start3A_41 = tpu.memref_squeeze %dma_start3A_40 : memref<1x128xi32, #tpu.memory_space<vmem>> -> memref<128xi32, #tpu.memory_space<vmem>>
    %dma_start3A_42 = tpu.memref_slice %arg2[%add3A_33] : memref<327680xi32, #tpu.memory_space<hbm>> -> memref<128xi32, #tpu.memory_space<hbm>>
    tpu.enqueue_dma source(%dma_start3A_42 : memref<128xi32, #tpu.memory_space<hbm>>) target(%dma_start3A_41 : memref<128xi32, #tpu.memory_space<vmem>>) target_semaphore(%arg22 : memref<!tpu.dma_semaphore, #tpu.memory_space<semaphore_mem>>)
    %add3A_43 = arith.constant 128 : i32
    %add3A_44 = arith.addi %mul3A_2, %add3A_43 : i32
    %dma_start3A_45 = arith.constant 1 : i32
    %dma_start3A_46 = arith.constant 0 : i32
    %dma_start3A_47 = tpu.memref_slice %arg14[%dma_start3A_45, %dma_start3A_46] : memref<4x128xi32, #tpu.memory_space<vmem>> -> memref<1x128xi32, #tpu.memory_space<vmem>>
    %dma_start3A_48 = tpu.memref_squeeze %dma_start3A_47 : memref<1x128xi32, #tpu.memory_space<vmem>> -> memref<128xi32, #tpu.memory_space<vmem>>
    %dma_start3A_49 = tpu.memref_slice %arg3[%add3A_44] : memref<327680xi32, #tpu.memory_space<hbm>> -> memref<128xi32, #tpu.memory_space<hbm>>
    %dma_start3A_50 = arith.constant 0 : i32
    %dma_start3A_51 = tpu.memref_slice %arg14[%dma_start3A_45, %dma_start3A_50] : memref<4x128xi32, #tpu.memory_space<vmem>> -> memref<1x128xi32, #tpu.memory_space<vmem>>
    %dma_start3A_52 = tpu.memref_squeeze %dma_start3A_51 : memref<1x128xi32, #tpu.memory_space<vmem>> -> memref<128xi32, #tpu.memory_space<vmem>>
    %dma_start3A_53 = tpu.memref_slice %arg3[%add3A_44] : memref<327680xi32, #tpu.memory_space<hbm>> -> memref<128xi32, #tpu.memory_space<hbm>>
    tpu.enqueue_dma source(%dma_start3A_53 : memref<128xi32, #tpu.memory_space<hbm>>) target(%dma_start3A_52 : memref<128xi32, #tpu.memory_space<vmem>>) target_semaphore(%arg22 : memref<!tpu.dma_semaphore, #tpu.memory_space<semaphore_mem>>)
    %add3A_54 = arith.constant 256 : i32
    %add3A_55 = arith.addi %mul3A_2, %add3A_54 : i32
    %dma_start3A_56 = arith.constant 2 : i32
    %dma_start3A_57 = arith.constant 0 : i32
    %dma_start3A_58 = tpu.memref_slice %arg13[%dma_start3A_56, %dma_start3A_57] : memref<4x128xi32, #tpu.memory_space<vmem>> -> memref<1x128xi32, #tpu.memory_space<vmem>>
    %dma_start3A_59 = tpu.memref_squeeze %dma_start3A_58 : memref<1x128xi32, #tpu.memory_space<vmem>> -> memref<128xi32, #tpu.memory_space<vmem>>
    %dma_start3A_60 = tpu.memref_slice %arg2[%add3A_55] : memref<327680xi32, #tpu.memory_space<hbm>> -> memref<128xi32, #tpu.memory_space<hbm>>
    %dma_start3A_61 = arith.constant 0 : i32
    %dma_start3A_62 = tpu.memref_slice %arg13[%dma_start3A_56, %dma_start3A_61] : memref<4x128xi32, #tpu.memory_space<vmem>> -> memref<1x128xi32, #tpu.memory_space<vmem>>
    %dma_start3A_63 = tpu.memref_squeeze %dma_start3A_62 : memref<1x128xi32, #tpu.memory_space<vmem>> -> memref<128xi32, #tpu.memory_space<vmem>>
    %dma_start3A_64 = tpu.memref_slice %arg2[%add3A_55] : memref<327680xi32, #tpu.memory_space<hbm>> -> memref<128xi32, #tpu.memory_space<hbm>>
    tpu.enqueue_dma source(%dma_start3A_64 : memref<128xi32, #tpu.memory_space<hbm>>) target(%dma_start3A_63 : memref<128xi32, #tpu.memory_space<vmem>>) target_semaphore(%arg23 : memref<!tpu.dma_semaphore, #tpu.memory_space<semaphore_mem>>)
    %add3A_65 = arith.constant 256 : i32
    %add3A_66 = arith.addi %mul3A_2, %add3A_65 : i32
    %dma_start3A_67 = arith.constant 2 : i32
    %dma_start3A_68 = arith.constant 0 : i32
    %dma_start3A_69 = tpu.memref_slice %arg14[%dma_start3A_67, %dma_start3A_68] : memref<4x128xi32, #tpu.memory_space<vmem>> -> memref<1x128xi32, #tpu.memory_space<vmem>>
    %dma_start3A_70 = tpu.memref_squeeze %dma_start3A_69 : memref<1x128xi32, #tpu.memory_space<vmem>> -> memref<128xi32, #tpu.memory_space<vmem>>
    %dma_start3A_71 = tpu.memref_slice %arg3[%add3A_66] : memref<327680xi32, #tpu.memory_space<hbm>> -> memref<128xi32, #tpu.memory_space<hbm>>
    %dma_start3A_72 = arith.constant 0 : i32
    %dma_start3A_73 = tpu.memref_slice %arg14[%dma_start3A_67, %dma_start3A_72] : memref<4x128xi32, #tpu.memory_space<vmem>> -> memref<1x128xi32, #tpu.memory_space<vmem>>
    %dma_start3A_74 = tpu.memref_squeeze %dma_start3A_73 : memref<1x128xi32, #tpu.memory_space<vmem>> -> memref<128xi32, #tpu.memory_space<vmem>>
    %dma_start3A_75 = tpu.memref_slice %arg3[%add3A_66] : memref<327680xi32, #tpu.memory_space<hbm>> -> memref<128xi32, #tpu.memory_space<hbm>>
    tpu.enqueue_dma source(%dma_start3A_75 : memref<128xi32, #tpu.memory_space<hbm>>) target(%dma_start3A_74 : memref<128xi32, #tpu.memory_space<vmem>>) target_semaphore(%arg23 : memref<!tpu.dma_semaphore, #tpu.memory_space<semaphore_mem>>)
    %add3A_76 = arith.constant 384 : i32
    %add3A_77 = arith.addi %mul3A_2, %add3A_76 : i32
    %dma_start3A_78 = arith.constant 3 : i32
    %dma_start3A_79 = arith.constant 0 : i32
    %dma_start3A_80 = tpu.memref_slice %arg13[%dma_start3A_78, %dma_start3A_79] : memref<4x128xi32, #tpu.memory_space<vmem>> -> memref<1x128xi32, #tpu.memory_space<vmem>>
    %dma_start3A_81 = tpu.memref_squeeze %dma_start3A_80 : memref<1x128xi32, #tpu.memory_space<vmem>> -> memref<128xi32, #tpu.memory_space<vmem>>
    %dma_start3A_82 = tpu.memref_slice %arg2[%add3A_77] : memref<327680xi32, #tpu.memory_space<hbm>> -> memref<128xi32, #tpu.memory_space<hbm>>
    %dma_start3A_83 = arith.constant 0 : i32
    %dma_start3A_84 = tpu.memref_slice %arg13[%dma_start3A_78, %dma_start3A_83] : memref<4x128xi32, #tpu.memory_space<vmem>> -> memref<1x128xi32, #tpu.memory_space<vmem>>
    %dma_start3A_85 = tpu.memref_squeeze %dma_start3A_84 : memref<1x128xi32, #tpu.memory_space<vmem>> -> memref<128xi32, #tpu.memory_space<vmem>>
    %dma_start3A_86 = tpu.memref_slice %arg2[%add3A_77] : memref<327680xi32, #tpu.memory_space<hbm>> -> memref<128xi32, #tpu.memory_space<hbm>>
    tpu.enqueue_dma source(%dma_start3A_86 : memref<128xi32, #tpu.memory_space<hbm>>) target(%dma_start3A_85 : memref<128xi32, #tpu.memory_space<vmem>>) target_semaphore(%arg24 : memref<!tpu.dma_semaphore, #tpu.memory_space<semaphore_mem>>)
    %add3A_87 = arith.constant 384 : i32
    %add3A_88 = arith.addi %mul3A_2, %add3A_87 : i32
    %dma_start3A_89 = arith.constant 3 : i32
    %dma_start3A_90 = arith.constant 0 : i32
    %dma_start3A_91 = tpu.memref_slice %arg14[%dma_start3A_89, %dma_start3A_90] : memref<4x128xi32, #tpu.memory_space<vmem>> -> memref<1x128xi32, #tpu.memory_space<vmem>>
    %dma_start3A_92 = tpu.memref_squeeze %dma_start3A_91 : memref<1x128xi32, #tpu.memory_space<vmem>> -> memref<128xi32, #tpu.memory_space<vmem>>
    %dma_start3A_93 = tpu.memref_slice %arg3[%add3A_88] : memref<327680xi32, #tpu.memory_space<hbm>> -> memref<128xi32, #tpu.memory_space<hbm>>
    %dma_start3A_94 = arith.constant 0 : i32
    %dma_start3A_95 = tpu.memref_slice %arg14[%dma_start3A_89, %dma_start3A_94] : memref<4x128xi32, #tpu.memory_space<vmem>> -> memref<1x128xi32, #tpu.memory_space<vmem>>
    %dma_start3A_96 = tpu.memref_squeeze %dma_start3A_95 : memref<1x128xi32, #tpu.memory_space<vmem>> -> memref<128xi32, #tpu.memory_space<vmem>>
    %dma_start3A_97 = tpu.memref_slice %arg3[%add3A_88] : memref<327680xi32, #tpu.memory_space<hbm>> -> memref<128xi32, #tpu.memory_space<hbm>>
    tpu.enqueue_dma source(%dma_start3A_97 : memref<128xi32, #tpu.memory_space<hbm>>) target(%dma_start3A_96 : memref<128xi32, #tpu.memory_space<vmem>>) target_semaphore(%arg24 : memref<!tpu.dma_semaphore, #tpu.memory_space<semaphore_mem>>)
    %add3A_98 = arith.constant 0 : i32
    %add3A_99 = arith.addi %mul3A_2, %add3A_98 : i32
    %dma_wait3A = arith.constant 0 : i32
    %dma_wait3A_100 = arith.constant 0 : i32
    %dma_wait3A_101 = tpu.memref_slice %arg13[%dma_wait3A, %dma_wait3A_100] : memref<4x128xi32, #tpu.memory_space<vmem>> -> memref<1x128xi32, #tpu.memory_space<vmem>>
    %dma_wait3A_102 = tpu.memref_squeeze %dma_wait3A_101 : memref<1x128xi32, #tpu.memory_space<vmem>> -> memref<128xi32, #tpu.memory_space<vmem>>
    %dma_wait3A_103 = tpu.memref_slice %arg2[%add3A_99] : memref<327680xi32, #tpu.memory_space<hbm>> -> memref<128xi32, #tpu.memory_space<hbm>>
    %dma_wait3A_104 = arith.constant 0 : i32
    %dma_wait3A_105 = tpu.memref_slice %arg13[%dma_wait3A, %dma_wait3A_104] : memref<4x128xi32, #tpu.memory_space<vmem>> -> memref<1x128xi32, #tpu.memory_space<vmem>>
    %dma_wait3A_106 = tpu.memref_squeeze %dma_wait3A_105 : memref<1x128xi32, #tpu.memory_space<vmem>> -> memref<128xi32, #tpu.memory_space<vmem>>
    %dma_wait3A_107 = tpu.memref_slice %arg2[%add3A_99] : memref<327680xi32, #tpu.memory_space<hbm>> -> memref<128xi32, #tpu.memory_space<hbm>>
    tpu.wait_dma2 semaphore(%arg21 : memref<!tpu.dma_semaphore, #tpu.memory_space<semaphore_mem>>) src(%dma_wait3A_107 : memref<128xi32, #tpu.memory_space<hbm>>) dst(%dma_wait3A_106 : memref<128xi32, #tpu.memory_space<vmem>>)
    %add3A_108 = arith.constant 0 : i32
    %add3A_109 = arith.addi %mul3A_2, %add3A_108 : i32
    %dma_wait3A_110 = arith.constant 0 : i32
    %dma_wait3A_111 = arith.constant 0 : i32
    %dma_wait3A_112 = tpu.memref_slice %arg14[%dma_wait3A_110, %dma_wait3A_111] : memref<4x128xi32, #tpu.memory_space<vmem>> -> memref<1x128xi32, #tpu.memory_space<vmem>>
    %dma_wait3A_113 = tpu.memref_squeeze %dma_wait3A_112 : memref<1x128xi32, #tpu.memory_space<vmem>> -> memref<128xi32, #tpu.memory_space<vmem>>
    %dma_wait3A_114 = tpu.memref_slice %arg3[%add3A_109] : memref<327680xi32, #tpu.memory_space<hbm>> -> memref<128xi32, #tpu.memory_space<hbm>>
    %dma_wait3A_115 = arith.constant 0 : i32
    %dma_wait3A_116 = tpu.memref_slice %arg14[%dma_wait3A_110, %dma_wait3A_115] : memref<4x128xi32, #tpu.memory_space<vmem>> -> memref<1x128xi32, #tpu.memory_space<vmem>>
    %dma_wait3A_117 = tpu.memref_squeeze %dma_wait3A_116 : memref<1x128xi32, #tpu.memory_space<vmem>> -> memref<128xi32, #tpu.memory_space<vmem>>
    %dma_wait3A_118 = tpu.memref_slice %arg3[%add3A_109] : memref<327680xi32, #tpu.memory_space<hbm>> -> memref<128xi32, #tpu.memory_space<hbm>>
    tpu.wait_dma2 semaphore(%arg21 : memref<!tpu.dma_semaphore, #tpu.memory_space<semaphore_mem>>) src(%dma_wait3A_118 : memref<128xi32, #tpu.memory_space<hbm>>) dst(%dma_wait3A_117 : memref<128xi32, #tpu.memory_space<vmem>>)
    %dma_start3A_119 = arith.constant 0 : i32
    %dma_start3A_120 = arith.constant 0 : i32
    %dma_start3A_121 = arith.constant 0 : i32
    %dma_start3A_122 = arith.constant 0 : i32
    %dma_start3A_123 = tpu.memref_slice %arg16[%dma_start3A_120, %dma_start3A_121, %dma_start3A_122] : memref<2x128x128xf32, #tpu.memory_space<vmem>> -> memref<1x64x128xf32, #tpu.memory_space<vmem>>
    %dma_start3A_124 = tpu.memref_squeeze %dma_start3A_123 : memref<1x64x128xf32, #tpu.memory_space<vmem>> -> memref<64x128xf32, #tpu.memory_space<vmem>>
    %dma_start3A_125 = arith.constant 0 : i32
    %dma_start3A_126 = tpu.memref_slice %arg13[%dma_start3A_119, %dma_start3A_125] : memref<4x128xi32, #tpu.memory_space<vmem>> -> memref<1x64xi32, #tpu.memory_space<vmem>>
    %dma_start3A_127 = tpu.memref_squeeze %dma_start3A_126 : memref<1x64xi32, #tpu.memory_space<vmem>> -> memref<64xi32, #tpu.memory_space<vmem>>
    %dma_start3A_128 = arith.constant 0 : i32
    %dma_start3A_129 = arith.constant 0 : i32
    %dma_start3A_130 = tpu.memref_slice %arg5[%dma_start3A_128, %dma_start3A_129] : memref<10000x128xf32, #tpu.memory_space<hbm>> -> memref<10000x128xf32, #tpu.memory_space<hbm>>
    tpu.enqueue_indirect_dma source(%dma_start3A_130 : memref<10000x128xf32, #tpu.memory_space<hbm>>) target(%dma_start3A_124 : memref<64x128xf32, #tpu.memory_space<vmem>>) offsets(%dma_start3A_127 : memref<64xi32, #tpu.memory_space<vmem>>) semaphore(%arg17 : memref<!tpu.dma_semaphore, #tpu.memory_space<semaphore_mem>>)
    %dma_start3A_131 = arith.constant 0 : i32
    %dma_start3A_132 = arith.constant 0 : i32
    %dma_start3A_133 = arith.constant 64 : i32
    %dma_start3A_134 = arith.constant 0 : i32
    %dma_start3A_135 = tpu.memref_slice %arg16[%dma_start3A_132, %dma_start3A_133, %dma_start3A_134] : memref<2x128x128xf32, #tpu.memory_space<vmem>> -> memref<1x64x128xf32, #tpu.memory_space<vmem>>
    %dma_start3A_136 = tpu.memref_squeeze %dma_start3A_135 : memref<1x64x128xf32, #tpu.memory_space<vmem>> -> memref<64x128xf32, #tpu.memory_space<vmem>>
    %dma_start3A_137 = arith.constant 64 : i32
    %dma_start3A_138 = tpu.memref_slice %arg13[%dma_start3A_131, %dma_start3A_137] : memref<4x128xi32, #tpu.memory_space<vmem>> -> memref<1x64xi32, #tpu.memory_space<vmem>>
    %dma_start3A_139 = tpu.memref_squeeze %dma_start3A_138 : memref<1x64xi32, #tpu.memory_space<vmem>> -> memref<64xi32, #tpu.memory_space<vmem>>
    %dma_start3A_140 = arith.constant 0 : i32
    %dma_start3A_141 = arith.constant 0 : i32
    %dma_start3A_142 = tpu.memref_slice %arg5[%dma_start3A_140, %dma_start3A_141] : memref<10000x128xf32, #tpu.memory_space<hbm>> -> memref<10000x128xf32, #tpu.memory_space<hbm>>
    tpu.enqueue_indirect_dma source(%dma_start3A_142 : memref<10000x128xf32, #tpu.memory_space<hbm>>) target(%dma_start3A_136 : memref<64x128xf32, #tpu.memory_space<vmem>>) offsets(%dma_start3A_139 : memref<64xi32, #tpu.memory_space<vmem>>) semaphore(%arg17 : memref<!tpu.dma_semaphore, #tpu.memory_space<semaphore_mem>>)
    %add3A_143 = arith.constant 128 : i32
    %add3A_144 = arith.addi %mul3A_2, %add3A_143 : i32
    %dma_wait3A_145 = arith.constant 1 : i32
    %dma_wait3A_146 = arith.constant 0 : i32
    %dma_wait3A_147 = tpu.memref_slice %arg13[%dma_wait3A_145, %dma_wait3A_146] : memref<4x128xi32, #tpu.memory_space<vmem>> -> memref<1x128xi32, #tpu.memory_space<vmem>>
    %dma_wait3A_148 = tpu.memref_squeeze %dma_wait3A_147 : memref<1x128xi32, #tpu.memory_space<vmem>> -> memref<128xi32, #tpu.memory_space<vmem>>
    %dma_wait3A_149 = tpu.memref_slice %arg2[%add3A_144] : memref<327680xi32, #tpu.memory_space<hbm>> -> memref<128xi32, #tpu.memory_space<hbm>>
    %dma_wait3A_150 = arith.constant 0 : i32
    %dma_wait3A_151 = tpu.memref_slice %arg13[%dma_wait3A_145, %dma_wait3A_150] : memref<4x128xi32, #tpu.memory_space<vmem>> -> memref<1x128xi32, #tpu.memory_space<vmem>>
    %dma_wait3A_152 = tpu.memref_squeeze %dma_wait3A_151 : memref<1x128xi32, #tpu.memory_space<vmem>> -> memref<128xi32, #tpu.memory_space<vmem>>
    %dma_wait3A_153 = tpu.memref_slice %arg2[%add3A_144] : memref<327680xi32, #tpu.memory_space<hbm>> -> memref<128xi32, #tpu.memory_space<hbm>>
    tpu.wait_dma2 semaphore(%arg22 : memref<!tpu.dma_semaphore, #tpu.memory_space<semaphore_mem>>) src(%dma_wait3A_153 : memref<128xi32, #tpu.memory_space<hbm>>) dst(%dma_wait3A_152 : memref<128xi32, #tpu.memory_space<vmem>>)
    %add3A_154 = arith.constant 128 : i32
    %add3A_155 = arith.addi %mul3A_2, %add3A_154 : i32
    %dma_wait3A_156 = arith.constant 1 : i32
    %dma_wait3A_157 = arith.constant 0 : i32
    %dma_wait3A_158 = tpu.memref_slice %arg14[%dma_wait3A_156, %dma_wait3A_157] : memref<4x128xi32, #tpu.memory_space<vmem>> -> memref<1x128xi32, #tpu.memory_space<vmem>>
    %dma_wait3A_159 = tpu.memref_squeeze %dma_wait3A_158 : memref<1x128xi32, #tpu.memory_space<vmem>> -> memref<128xi32, #tpu.memory_space<vmem>>
    %dma_wait3A_160 = tpu.memref_slice %arg3[%add3A_155] : memref<327680xi32, #tpu.memory_space<hbm>> -> memref<128xi32, #tpu.memory_space<hbm>>
    %dma_wait3A_161 = arith.constant 0 : i32
    %dma_wait3A_162 = tpu.memref_slice %arg14[%dma_wait3A_156, %dma_wait3A_161] : memref<4x128xi32, #tpu.memory_space<vmem>> -> memref<1x128xi32, #tpu.memory_space<vmem>>
    %dma_wait3A_163 = tpu.memref_squeeze %dma_wait3A_162 : memref<1x128xi32, #tpu.memory_space<vmem>> -> memref<128xi32, #tpu.memory_space<vmem>>
    %dma_wait3A_164 = tpu.memref_slice %arg3[%add3A_155] : memref<327680xi32, #tpu.memory_space<hbm>> -> memref<128xi32, #tpu.memory_space<hbm>>
    tpu.wait_dma2 semaphore(%arg22 : memref<!tpu.dma_semaphore, #tpu.memory_space<semaphore_mem>>) src(%dma_wait3A_164 : memref<128xi32, #tpu.memory_space<hbm>>) dst(%dma_wait3A_163 : memref<128xi32, #tpu.memory_space<vmem>>)
    %dma_start3A_165 = arith.constant 1 : i32
    %dma_start3A_166 = arith.constant 1 : i32
    %dma_start3A_167 = arith.constant 0 : i32
    %dma_start3A_168 = arith.constant 0 : i32
    %dma_start3A_169 = tpu.memref_slice %arg16[%dma_start3A_166, %dma_start3A_167, %dma_start3A_168] : memref<2x128x128xf32, #tpu.memory_space<vmem>> -> memref<1x64x128xf32, #tpu.memory_space<vmem>>
    %dma_start3A_170 = tpu.memref_squeeze %dma_start3A_169 : memref<1x64x128xf32, #tpu.memory_space<vmem>> -> memref<64x128xf32, #tpu.memory_space<vmem>>
    %dma_start3A_171 = arith.constant 0 : i32
    %dma_start3A_172 = tpu.memref_slice %arg13[%dma_start3A_165, %dma_start3A_171] : memref<4x128xi32, #tpu.memory_space<vmem>> -> memref<1x64xi32, #tpu.memory_space<vmem>>
    %dma_start3A_173 = tpu.memref_squeeze %dma_start3A_172 : memref<1x64xi32, #tpu.memory_space<vmem>> -> memref<64xi32, #tpu.memory_space<vmem>>
    %dma_start3A_174 = arith.constant 0 : i32
    %dma_start3A_175 = arith.constant 0 : i32
    %dma_start3A_176 = tpu.memref_slice %arg5[%dma_start3A_174, %dma_start3A_175] : memref<10000x128xf32, #tpu.memory_space<hbm>> -> memref<10000x128xf32, #tpu.memory_space<hbm>>
    tpu.enqueue_indirect_dma source(%dma_start3A_176 : memref<10000x128xf32, #tpu.memory_space<hbm>>) target(%dma_start3A_170 : memref<64x128xf32, #tpu.memory_space<vmem>>) offsets(%dma_start3A_173 : memref<64xi32, #tpu.memory_space<vmem>>) semaphore(%arg18 : memref<!tpu.dma_semaphore, #tpu.memory_space<semaphore_mem>>)
    %dma_start3A_177 = arith.constant 1 : i32
    %dma_start3A_178 = arith.constant 1 : i32
    %dma_start3A_179 = arith.constant 64 : i32
    %dma_start3A_180 = arith.constant 0 : i32
    %dma_start3A_181 = tpu.memref_slice %arg16[%dma_start3A_178, %dma_start3A_179, %dma_start3A_180] : memref<2x128x128xf32, #tpu.memory_space<vmem>> -> memref<1x64x128xf32, #tpu.memory_space<vmem>>
    %dma_start3A_182 = tpu.memref_squeeze %dma_start3A_181 : memref<1x64x128xf32, #tpu.memory_space<vmem>> -> memref<64x128xf32, #tpu.memory_space<vmem>>
    %dma_start3A_183 = arith.constant 64 : i32
    %dma_start3A_184 = tpu.memref_slice %arg13[%dma_start3A_177, %dma_start3A_183] : memref<4x128xi32, #tpu.memory_space<vmem>> -> memref<1x64xi32, #tpu.memory_space<vmem>>
    %dma_start3A_185 = tpu.memref_squeeze %dma_start3A_184 : memref<1x64xi32, #tpu.memory_space<vmem>> -> memref<64xi32, #tpu.memory_space<vmem>>
    %dma_start3A_186 = arith.constant 0 : i32
    %dma_start3A_187 = arith.constant 0 : i32
    %dma_start3A_188 = tpu.memref_slice %arg5[%dma_start3A_186, %dma_start3A_187] : memref<10000x128xf32, #tpu.memory_space<hbm>> -> memref<10000x128xf32, #tpu.memory_space<hbm>>
    tpu.enqueue_indirect_dma source(%dma_start3A_188 : memref<10000x128xf32, #tpu.memory_space<hbm>>) target(%dma_start3A_182 : memref<64x128xf32, #tpu.memory_space<vmem>>) offsets(%dma_start3A_185 : memref<64xi32, #tpu.memory_space<vmem>>) semaphore(%arg18 : memref<!tpu.dma_semaphore, #tpu.memory_space<semaphore_mem>>)
    %scan3A = arith.constant 0 : i32
    %scan3A_189 = arith.constant 0 : i32
    %scan3A_190 = arith.constant 20 : i32
    %scan3A_191 = arith.addi %scan3A_189, %scan3A_190 : i32
    %scan3A_192 = arith.constant 1 : i32
    scf.for %scan3A_203 = %scan3A_189 to %scan3A_191 step %scan3A_192  : i32 {
      %mul3A_204 = arith.constant 4 : i32
      %mul3A_205 = arith.muli %scan3A_203, %mul3A_204 : i32
      %add3A_206 = arith.constant 0 : i32
      %add3A_207 = arith.addi %mul3A_205, %add3A_206 : i32
      %dma_wait3A_208 = arith.constant 0 : i32
      %dma_wait3A_209 = arith.constant 0 : i32
      %dma_wait3A_210 = arith.constant 0 : i32
      %dma_wait3A_211 = arith.constant 0 : i32
      %dma_wait3A_212 = tpu.memref_slice %arg16[%dma_wait3A_209, %dma_wait3A_210, %dma_wait3A_211] : memref<2x128x128xf32, #tpu.memory_space<vmem>> -> memref<1x64x128xf32, #tpu.memory_space<vmem>>
      %dma_wait3A_213 = tpu.memref_squeeze %dma_wait3A_212 : memref<1x64x128xf32, #tpu.memory_space<vmem>> -> memref<64x128xf32, #tpu.memory_space<vmem>>
      %dma_wait3A_214 = arith.constant 0 : i32
      %dma_wait3A_215 = tpu.memref_slice %arg13[%dma_wait3A_208, %dma_wait3A_214] : memref<4x128xi32, #tpu.memory_space<vmem>> -> memref<1x64xi32, #tpu.memory_space<vmem>>
      %dma_wait3A_216 = tpu.memref_squeeze %dma_wait3A_215 : memref<1x64xi32, #tpu.memory_space<vmem>> -> memref<64xi32, #tpu.memory_space<vmem>>
      %dma_wait3A_217 = arith.constant 0 : i32
      %dma_wait3A_218 = arith.constant 0 : i32
      %dma_wait3A_219 = tpu.memref_slice %arg5[%dma_wait3A_217, %dma_wait3A_218] : memref<10000x128xf32, #tpu.memory_space<hbm>> -> memref<10000x128xf32, #tpu.memory_space<hbm>>
      tpu.wait_indirect_dma semaphore(%arg17 : memref<!tpu.dma_semaphore, #tpu.memory_space<semaphore_mem>>) src(%dma_wait3A_219 : memref<10000x128xf32, #tpu.memory_space<hbm>>) dst(%dma_wait3A_213 : memref<64x128xf32, #tpu.memory_space<vmem>>)
      %dma_wait3A_220 = arith.constant 0 : i32
      %dma_wait3A_221 = arith.constant 0 : i32
      %dma_wait3A_222 = arith.constant 64 : i32
      %dma_wait3A_223 = arith.constant 0 : i32
      %dma_wait3A_224 = tpu.memref_slice %arg16[%dma_wait3A_221, %dma_wait3A_222, %dma_wait3A_223] : memref<2x128x128xf32, #tpu.memory_space<vmem>> -> memref<1x64x128xf32, #tpu.memory_space<vmem>>
      %dma_wait3A_225 = tpu.memref_squeeze %dma_wait3A_224 : memref<1x64x128xf32, #tpu.memory_space<vmem>> -> memref<64x128xf32, #tpu.memory_space<vmem>>
      %dma_wait3A_226 = arith.constant 64 : i32
      %dma_wait3A_227 = tpu.memref_slice %arg13[%dma_wait3A_220, %dma_wait3A_226] : memref<4x128xi32, #tpu.memory_space<vmem>> -> memref<1x64xi32, #tpu.memory_space<vmem>>
      %dma_wait3A_228 = tpu.memref_squeeze %dma_wait3A_227 : memref<1x64xi32, #tpu.memory_space<vmem>> -> memref<64xi32, #tpu.memory_space<vmem>>
      %dma_wait3A_229 = arith.constant 0 : i32
      %dma_wait3A_230 = arith.constant 0 : i32
      %dma_wait3A_231 = tpu.memref_slice %arg5[%dma_wait3A_229, %dma_wait3A_230] : memref<10000x128xf32, #tpu.memory_space<hbm>> -> memref<10000x128xf32, #tpu.memory_space<hbm>>
      tpu.wait_indirect_dma semaphore(%arg17 : memref<!tpu.dma_semaphore, #tpu.memory_space<semaphore_mem>>) src(%dma_wait3A_231 : memref<10000x128xf32, #tpu.memory_space<hbm>>) dst(%dma_wait3A_225 : memref<64x128xf32, #tpu.memory_space<vmem>>)
      %dma_start3A_232 = arith.constant 0 : i32
      %dma_start3A_233 = arith.constant 0 : i32
      %dma_start3A_234 = arith.constant 0 : i32
      %dma_start3A_235 = arith.constant 0 : i32
      %dma_start3A_236 = tpu.memref_slice %arg16[%dma_start3A_232, %dma_start3A_234, %dma_start3A_235] : memref<2x128x128xf32, #tpu.memory_space<vmem>> -> memref<1x64x128xf32, #tpu.memory_space<vmem>>
      %dma_start3A_237 = tpu.memref_squeeze %dma_start3A_236 : memref<1x64x128xf32, #tpu.memory_space<vmem>> -> memref<64x128xf32, #tpu.memory_space<vmem>>
      %dma_start3A_238 = arith.constant 0 : i32
      %dma_start3A_239 = tpu.memref_slice %arg14[%dma_start3A_233, %dma_start3A_238] : memref<4x128xi32, #tpu.memory_space<vmem>> -> memref<1x64xi32, #tpu.memory_space<vmem>>
      %dma_start3A_240 = tpu.memref_squeeze %dma_start3A_239 : memref<1x64xi32, #tpu.memory_space<vmem>> -> memref<64xi32, #tpu.memory_space<vmem>>
      %dma_start3A_241 = arith.constant 0 : i32
      %dma_start3A_242 = arith.constant 0 : i32
      %dma_start3A_243 = tpu.memref_slice %arg10[%dma_start3A_241, %dma_start3A_242] : memref<10240x128xf32, #tpu.memory_space<vmem_shared>> -> memref<10240x128xf32, #tpu.memory_space<vmem_shared>>
      tpu.enqueue_indirect_dma source(%dma_start3A_237 : memref<64x128xf32, #tpu.memory_space<vmem>>) target(%dma_start3A_243 : memref<10240x128xf32, #tpu.memory_space<vmem_shared>>) offsets(%dma_start3A_240 : memref<64xi32, #tpu.memory_space<vmem>>) semaphore(%arg19 : memref<!tpu.dma_semaphore, #tpu.memory_space<semaphore_mem>>) {add = true}
      %dma_start3A_244 = arith.constant 0 : i32
      %dma_start3A_245 = arith.constant 0 : i32
      %dma_start3A_246 = arith.constant 64 : i32
      %dma_start3A_247 = arith.constant 0 : i32
      %dma_start3A_248 = tpu.memref_slice %arg16[%dma_start3A_244, %dma_start3A_246, %dma_start3A_247] : memref<2x128x128xf32, #tpu.memory_space<vmem>> -> memref<1x64x128xf32, #tpu.memory_space<vmem>>
      %dma_start3A_249 = tpu.memref_squeeze %dma_start3A_248 : memref<1x64x128xf32, #tpu.memory_space<vmem>> -> memref<64x128xf32, #tpu.memory_space<vmem>>
      %dma_start3A_250 = arith.constant 64 : i32
      %dma_start3A_251 = tpu.memref_slice %arg14[%dma_start3A_245, %dma_start3A_250] : memref<4x128xi32, #tpu.memory_space<vmem>> -> memref<1x64xi32, #tpu.memory_space<vmem>>
      %dma_start3A_252 = tpu.memref_squeeze %dma_start3A_251 : memref<1x64xi32, #tpu.memory_space<vmem>> -> memref<64xi32, #tpu.memory_space<vmem>>
      %dma_start3A_253 = arith.constant 0 : i32
      %dma_start3A_254 = arith.constant 0 : i32
      %dma_start3A_255 = tpu.memref_slice %arg10[%dma_start3A_253, %dma_start3A_254] : memref<10240x128xf32, #tpu.memory_space<vmem_shared>> -> memref<10240x128xf32, #tpu.memory_space<vmem_shared>>
      tpu.enqueue_indirect_dma source(%dma_start3A_249 : memref<64x128xf32, #tpu.memory_space<vmem>>) target(%dma_start3A_255 : memref<10240x128xf32, #tpu.memory_space<vmem_shared>>) offsets(%dma_start3A_252 : memref<64xi32, #tpu.memory_space<vmem>>) semaphore(%arg19 : memref<!tpu.dma_semaphore, #tpu.memory_space<semaphore_mem>>) {add = true}
      %get3A = arith.constant 0 : i32
      %get3A_256 = arith.constant 0 : i32
      %get3A_257 = tpu.memref_slice %arg14[%get3A, %get3A_256] : memref<4x128xi32, #tpu.memory_space<vmem>> -> memref<1x128xi32, #tpu.memory_space<vmem>>
      %get3A_258 = tpu.memref_squeeze %get3A_257 : memref<1x128xi32, #tpu.memory_space<vmem>> -> memref<128xi32, #tpu.memory_space<vmem>>
      %get3A_259 = arith.constant 0 : index
      %get3A_260 = tpu.vector_load %get3A_258[%get3A_259] {strides = array<i32>} : memref<128xi32, #tpu.memory_space<vmem>>, vector<16xi32>,
      %gather3A = tpu.vector_load_idx %arg12[%get3A_260] : memref<10016xf32, #tpu.memory_space<vmem>>[vector<16xi32>], vector<16xf32>,
      %swap3A = arith.constant 0 : index
      %swap3A_261 = tpu.vector_load %arg15[%swap3A] {strides = array<i32>} : memref<128xf32, #tpu.memory_space<vmem>>, vector<16xf32>,
      tpu.vector_store %arg15[%swap3A], %gather3A {strides = array<i32>} : memref<128xf32, #tpu.memory_space<vmem>>, vector<16xf32>,
      %get3A_262 = arith.constant 0 : i32
      %get3A_263 = arith.constant 0 : i32
      %get3A_264 = tpu.memref_slice %arg14[%get3A_262, %get3A_263] : memref<4x128xi32, #tpu.memory_space<vmem>> -> memref<1x128xi32, #tpu.memory_space<vmem>>
      %get3A_265 = tpu.memref_squeeze %get3A_264 : memref<1x128xi32, #tpu.memory_space<vmem>> -> memref<128xi32, #tpu.memory_space<vmem>>
      %get3A_266 = arith.constant 16 : index
      %get3A_267 = tpu.vector_load %get3A_265[%get3A_266] {strides = array<i32>} : memref<128xi32, #tpu.memory_space<vmem>>, vector<16xi32>,
      %gather3A_268 = tpu.vector_load_idx %arg12[%get3A_267] : memref<10016xf32, #tpu.memory_space<vmem>>[vector<16xi32>], vector<16xf32>,
      %swap3A_269 = arith.constant 16 : index
      %swap3A_270 = tpu.vector_load %arg15[%swap3A_269] {strides = array<i32>} : memref<128xf32, #tpu.memory_space<vmem>>, vector<16xf32>,
      tpu.vector_store %arg15[%swap3A_269], %gather3A_268 {strides = array<i32>} : memref<128xf32, #tpu.memory_space<vmem>>, vector<16xf32>,
      %get3A_271 = arith.constant 0 : i32
      %get3A_272 = arith.constant 0 : i32
      %get3A_273 = tpu.memref_slice %arg14[%get3A_271, %get3A_272] : memref<4x128xi32, #tpu.memory_space<vmem>> -> memref<1x128xi32, #tpu.memory_space<vmem>>
      %get3A_274 = tpu.memref_squeeze %get3A_273 : memref<1x128xi32, #tpu.memory_space<vmem>> -> memref<128xi32, #tpu.memory_space<vmem>>
      %get3A_275 = arith.constant 32 : index
      %get3A_276 = tpu.vector_load %get3A_274[%get3A_275] {strides = array<i32>} : memref<128xi32, #tpu.memory_space<vmem>>, vector<16xi32>,
      %gather3A_277 = tpu.vector_load_idx %arg12[%get3A_276] : memref<10016xf32, #tpu.memory_space<vmem>>[vector<16xi32>], vector<16xf32>,
      %swap3A_278 = arith.constant 32 : index
      %swap3A_279 = tpu.vector_load %arg15[%swap3A_278] {strides = array<i32>} : memref<128xf32, #tpu.memory_space<vmem>>, vector<16xf32>,
      tpu.vector_store %arg15[%swap3A_278], %gather3A_277 {strides = array<i32>} : memref<128xf32, #tpu.memory_space<vmem>>, vector<16xf32>,
      %get3A_280 = arith.constant 0 : i32
      %get3A_281 = arith.constant 0 : i32
      %get3A_282 = tpu.memref_slice %arg14[%get3A_280, %get3A_281] : memref<4x128xi32, #tpu.memory_space<vmem>> -> memref<1x128xi32, #tpu.memory_space<vmem>>
      %get3A_283 = tpu.memref_squeeze %get3A_282 : memref<1x128xi32, #tpu.memory_space<vmem>> -> memref<128xi32, #tpu.memory_space<vmem>>
      %get3A_284 = arith.constant 48 : index
      %get3A_285 = tpu.vector_load %get3A_283[%get3A_284] {strides = array<i32>} : memref<128xi32, #tpu.memory_space<vmem>>, vector<16xi32>,
      %gather3A_286 = tpu.vector_load_idx %arg12[%get3A_285] : memref<10016xf32, #tpu.memory_space<vmem>>[vector<16xi32>], vector<16xf32>,
      %swap3A_287 = arith.constant 48 : index
      %swap3A_288 = tpu.vector_load %arg15[%swap3A_287] {strides = array<i32>} : memref<128xf32, #tpu.memory_space<vmem>>, vector<16xf32>,
      tpu.vector_store %arg15[%swap3A_287], %gather3A_286 {strides = array<i32>} : memref<128xf32, #tpu.memory_space<vmem>>, vector<16xf32>,
      %get3A_289 = arith.constant 0 : i32
      %get3A_290 = arith.constant 0 : i32
      %get3A_291 = tpu.memref_slice %arg14[%get3A_289, %get3A_290] : memref<4x128xi32, #tpu.memory_space<vmem>> -> memref<1x128xi32, #tpu.memory_space<vmem>>
      %get3A_292 = tpu.memref_squeeze %get3A_291 : memref<1x128xi32, #tpu.memory_space<vmem>> -> memref<128xi32, #tpu.memory_space<vmem>>
      %get3A_293 = arith.constant 64 : index
      %get3A_294 = tpu.vector_load %get3A_292[%get3A_293] {strides = array<i32>} : memref<128xi32, #tpu.memory_space<vmem>>, vector<16xi32>,
      %gather3A_295 = tpu.vector_load_idx %arg12[%get3A_294] : memref<10016xf32, #tpu.memory_space<vmem>>[vector<16xi32>], vector<16xf32>,
      %swap3A_296 = arith.constant 64 : index
      %swap3A_297 = tpu.vector_load %arg15[%swap3A_296] {strides = array<i32>} : memref<128xf32, #tpu.memory_space<vmem>>, vector<16xf32>,
      tpu.vector_store %arg15[%swap3A_296], %gather3A_295 {strides = array<i32>} : memref<128xf32, #tpu.memory_space<vmem>>, vector<16xf32>,
      %get3A_298 = arith.constant 0 : i32
      %get3A_299 = arith.constant 0 : i32
      %get3A_300 = tpu.memref_slice %arg14[%get3A_298, %get3A_299] : memref<4x128xi32, #tpu.memory_space<vmem>> -> memref<1x128xi32, #tpu.memory_space<vmem>>
      %get3A_301 = tpu.memref_squeeze %get3A_300 : memref<1x128xi32, #tpu.memory_space<vmem>> -> memref<128xi32, #tpu.memory_space<vmem>>
      %get3A_302 = arith.constant 80 : index
      %get3A_303 = tpu.vector_load %get3A_301[%get3A_302] {strides = array<i32>} : memref<128xi32, #tpu.memory_space<vmem>>, vector<16xi32>,
      %gather3A_304 = tpu.vector_load_idx %arg12[%get3A_303] : memref<10016xf32, #tpu.memory_space<vmem>>[vector<16xi32>], vector<16xf32>,
      %swap3A_305 = arith.constant 80 : index
      %swap3A_306 = tpu.vector_load %arg15[%swap3A_305] {strides = array<i32>} : memref<128xf32, #tpu.memory_space<vmem>>, vector<16xf32>,
      tpu.vector_store %arg15[%swap3A_305], %gather3A_304 {strides = array<i32>} : memref<128xf32, #tpu.memory_space<vmem>>, vector<16xf32>,
      %get3A_307 = arith.constant 0 : i32
      %get3A_308 = arith.constant 0 : i32
      %get3A_309 = tpu.memref_slice %arg14[%get3A_307, %get3A_308] : memref<4x128xi32, #tpu.memory_space<vmem>> -> memref<1x128xi32, #tpu.memory_space<vmem>>
      %get3A_310 = tpu.memref_squeeze %get3A_309 : memref<1x128xi32, #tpu.memory_space<vmem>> -> memref<128xi32, #tpu.memory_space<vmem>>
      %get3A_311 = arith.constant 96 : index
      %get3A_312 = tpu.vector_load %get3A_310[%get3A_311] {strides = array<i32>} : memref<128xi32, #tpu.memory_space<vmem>>, vector<16xi32>,
      %gather3A_313 = tpu.vector_load_idx %arg12[%get3A_312] : memref<10016xf32, #tpu.memory_space<vmem>>[vector<16xi32>], vector<16xf32>,
      %swap3A_314 = arith.constant 96 : index
      %swap3A_315 = tpu.vector_load %arg15[%swap3A_314] {strides = array<i32>} : memref<128xf32, #tpu.memory_space<vmem>>, vector<16xf32>,
      tpu.vector_store %arg15[%swap3A_314], %gather3A_313 {strides = array<i32>} : memref<128xf32, #tpu.memory_space<vmem>>, vector<16xf32>,
      %get3A_316 = arith.constant 0 : i32
      %get3A_317 = arith.constant 0 : i32
      %get3A_318 = tpu.memref_slice %arg14[%get3A_316, %get3A_317] : memref<4x128xi32, #tpu.memory_space<vmem>> -> memref<1x128xi32, #tpu.memory_space<vmem>>
      %get3A_319 = tpu.memref_squeeze %get3A_318 : memref<1x128xi32, #tpu.memory_space<vmem>> -> memref<128xi32, #tpu.memory_space<vmem>>
      %get3A_320 = arith.constant 112 : index
      %get3A_321 = tpu.vector_load %get3A_319[%get3A_320] {strides = array<i32>} : memref<128xi32, #tpu.memory_space<vmem>>, vector<16xi32>,
      %gather3A_322 = tpu.vector_load_idx %arg12[%get3A_321] : memref<10016xf32, #tpu.memory_space<vmem>>[vector<16xi32>], vector<16xf32>,
      %swap3A_323 = arith.constant 112 : index
      %swap3A_324 = tpu.vector_load %arg15[%swap3A_323] {strides = array<i32>} : memref<128xf32, #tpu.memory_space<vmem>>, vector<16xf32>,
      tpu.vector_store %arg15[%swap3A_323], %gather3A_322 {strides = array<i32>} : memref<128xf32, #tpu.memory_space<vmem>>, vector<16xf32>,
      %dma_start3A_325 = arith.constant 0 : i32
      %dma_start3A_326 = arith.constant 0 : i32
      %dma_start3A_327 = tpu.memref_slice %arg13[%dma_start3A_325, %dma_start3A_326] : memref<4x128xi32, #tpu.memory_space<vmem>> -> memref<1x128xi32, #tpu.memory_space<vmem>>
      %dma_start3A_328 = tpu.memref_squeeze %dma_start3A_327 : memref<1x128xi32, #tpu.memory_space<vmem>> -> memref<128xi32, #tpu.memory_space<vmem>>
      %dma_start3A_329 = arith.constant 0 : i32
      %dma_start3A_330 = tpu.memref_slice %arg11[%dma_start3A_329] : memref<10240xf32, #tpu.memory_space<vmem_shared>> -> memref<10240xf32, #tpu.memory_space<vmem_shared>>
      tpu.enqueue_indirect_dma source(%arg15 : memref<128xf32, #tpu.memory_space<vmem>>) target(%dma_start3A_330 : memref<10240xf32, #tpu.memory_space<vmem_shared>>) offsets(%dma_start3A_328 : memref<128xi32, #tpu.memory_space<vmem>>) semaphore(%arg25 : memref<!tpu.dma_semaphore, #tpu.memory_space<semaphore_mem>>) {add = true}
      %dma_wait3A_331 = arith.constant 0 : i32
      %dma_wait3A_332 = arith.constant 0 : i32
      %dma_wait3A_333 = arith.constant 0 : i32
      %dma_wait3A_334 = arith.constant 0 : i32
      %dma_wait3A_335 = tpu.memref_slice %arg16[%dma_wait3A_331, %dma_wait3A_333, %dma_wait3A_334] : memref<2x128x128xf32, #tpu.memory_space<vmem>> -> memref<1x64x128xf32, #tpu.memory_space<vmem>>
      %dma_wait3A_336 = tpu.memref_squeeze %dma_wait3A_335 : memref<1x64x128xf32, #tpu.memory_space<vmem>> -> memref<64x128xf32, #tpu.memory_space<vmem>>
      %dma_wait3A_337 = arith.constant 0 : i32
      %dma_wait3A_338 = tpu.memref_slice %arg14[%dma_wait3A_332, %dma_wait3A_337] : memref<4x128xi32, #tpu.memory_space<vmem>> -> memref<1x64xi32, #tpu.memory_space<vmem>>
      %dma_wait3A_339 = tpu.memref_squeeze %dma_wait3A_338 : memref<1x64xi32, #tpu.memory_space<vmem>> -> memref<64xi32, #tpu.memory_space<vmem>>
      %dma_wait3A_340 = arith.constant 0 : i32
      %dma_wait3A_341 = arith.constant 0 : i32
      %dma_wait3A_342 = tpu.memref_slice %arg10[%dma_wait3A_340, %dma_wait3A_341] : memref<10240x128xf32, #tpu.memory_space<vmem_shared>> -> memref<10240x128xf32, #tpu.memory_space<vmem_shared>>
      tpu.wait_indirect_dma semaphore(%arg19 : memref<!tpu.dma_semaphore, #tpu.memory_space<semaphore_mem>>) src(%dma_wait3A_336 : memref<64x128xf32, #tpu.memory_space<vmem>>) dst(%dma_wait3A_342 : memref<10240x128xf32, #tpu.memory_space<vmem_shared>>)
      %dma_wait3A_343 = arith.constant 0 : i32
      %dma_wait3A_344 = arith.constant 0 : i32
      %dma_wait3A_345 = arith.constant 64 : i32
      %dma_wait3A_346 = arith.constant 0 : i32
      %dma_wait3A_347 = tpu.memref_slice %arg16[%dma_wait3A_343, %dma_wait3A_345, %dma_wait3A_346] : memref<2x128x128xf32, #tpu.memory_space<vmem>> -> memref<1x64x128xf32, #tpu.memory_space<vmem>>
      %dma_wait3A_348 = tpu.memref_squeeze %dma_wait3A_347 : memref<1x64x128xf32, #tpu.memory_space<vmem>> -> memref<64x128xf32, #tpu.memory_space<vmem>>
      %dma_wait3A_349 = arith.constant 64 : i32
      %dma_wait3A_350 = tpu.memref_slice %arg14[%dma_wait3A_344, %dma_wait3A_349] : memref<4x128xi32, #tpu.memory_space<vmem>> -> memref<1x64xi32, #tpu.memory_space<vmem>>
      %dma_wait3A_351 = tpu.memref_squeeze %dma_wait3A_350 : memref<1x64xi32, #tpu.memory_space<vmem>> -> memref<64xi32, #tpu.memory_space<vmem>>
      %dma_wait3A_352 = arith.constant 0 : i32
      %dma_wait3A_353 = arith.constant 0 : i32
      %dma_wait3A_354 = tpu.memref_slice %arg10[%dma_wait3A_352, %dma_wait3A_353] : memref<10240x128xf32, #tpu.memory_space<vmem_shared>> -> memref<10240x128xf32, #tpu.memory_space<vmem_shared>>
      tpu.wait_indirect_dma semaphore(%arg19 : memref<!tpu.dma_semaphore, #tpu.memory_space<semaphore_mem>>) src(%dma_wait3A_348 : memref<64x128xf32, #tpu.memory_space<vmem>>) dst(%dma_wait3A_354 : memref<10240x128xf32, #tpu.memory_space<vmem_shared>>)
      %add3A_355 = arith.constant 2 : i32
      %add3A_356 = arith.addi %add3A_207, %add3A_355 : i32
      %lt3A = arith.constant 80 : i32
      %lt3A_357 = arith.cmpi slt, %add3A_356, %lt3A : i32
      %convert_element_type3A = arith.extui %lt3A_357 : i1 to i32
      %cond3A = arith.constant 0 : i32
      %cond3A_358 = arith.cmpi ne, %convert_element_type3A, %cond3A : i32
      scf.if %cond3A_358 {
        %add3A_894 = arith.constant 2 : i32
        %add3A_895 = arith.addi %add3A_207, %add3A_894 : i32
        %mul3A_896 = arith.constant 128 : i32
        %mul3A_897 = arith.muli %add3A_895, %mul3A_896 : i32
        %add3A_898 = arith.addi %mul3A_2, %mul3A_897 : i32
        %dma_wait3A_899 = arith.constant 2 : i32
        %dma_wait3A_900 = arith.constant 0 : i32
        %dma_wait3A_901 = tpu.memref_slice %arg13[%dma_wait3A_899, %dma_wait3A_900] : memref<4x128xi32, #tpu.memory_space<vmem>> -> memref<1x128xi32, #tpu.memory_space<vmem>>
        %dma_wait3A_902 = tpu.memref_squeeze %dma_wait3A_901 : memref<1x128xi32, #tpu.memory_space<vmem>> -> memref<128xi32, #tpu.memory_space<vmem>>
        %dma_wait3A_903 = tpu.memref_slice %arg2[%add3A_898] : memref<327680xi32, #tpu.memory_space<hbm>> -> memref<128xi32, #tpu.memory_space<hbm>>
        %dma_wait3A_904 = arith.constant 0 : i32
        %dma_wait3A_905 = tpu.memref_slice %arg13[%dma_wait3A_899, %dma_wait3A_904] : memref<4x128xi32, #tpu.memory_space<vmem>> -> memref<1x128xi32, #tpu.memory_space<vmem>>
        %dma_wait3A_906 = tpu.memref_squeeze %dma_wait3A_905 : memref<1x128xi32, #tpu.memory_space<vmem>> -> memref<128xi32, #tpu.memory_space<vmem>>
        %dma_wait3A_907 = tpu.memref_slice %arg2[%add3A_898] : memref<327680xi32, #tpu.memory_space<hbm>> -> memref<128xi32, #tpu.memory_space<hbm>>
        tpu.wait_dma2 semaphore(%arg23 : memref<!tpu.dma_semaphore, #tpu.memory_space<semaphore_mem>>) src(%dma_wait3A_907 : memref<128xi32, #tpu.memory_space<hbm>>) dst(%dma_wait3A_906 : memref<128xi32, #tpu.memory_space<vmem>>)
        %mul3A_908 = arith.constant 128 : i32
        %mul3A_909 = arith.muli %add3A_895, %mul3A_908 : i32
        %add3A_910 = arith.addi %mul3A_2, %mul3A_909 : i32
        %dma_wait3A_911 = arith.constant 2 : i32
        %dma_wait3A_912 = arith.constant 0 : i32
        %dma_wait3A_913 = tpu.memref_slice %arg14[%dma_wait3A_911, %dma_wait3A_912] : memref<4x128xi32, #tpu.memory_space<vmem>> -> memref<1x128xi32, #tpu.memory_space<vmem>>
        %dma_wait3A_914 = tpu.memref_squeeze %dma_wait3A_913 : memref<1x128xi32, #tpu.memory_space<vmem>> -> memref<128xi32, #tpu.memory_space<vmem>>
        %dma_wait3A_915 = tpu.memref_slice %arg3[%add3A_910] : memref<327680xi32, #tpu.memory_space<hbm>> -> memref<128xi32, #tpu.memory_space<hbm>>
        %dma_wait3A_916 = arith.constant 0 : i32
        %dma_wait3A_917 = tpu.memref_slice %arg14[%dma_wait3A_911, %dma_wait3A_916] : memref<4x128xi32, #tpu.memory_space<vmem>> -> memref<1x128xi32, #tpu.memory_space<vmem>>
        %dma_wait3A_918 = tpu.memref_squeeze %dma_wait3A_917 : memref<1x128xi32, #tpu.memory_space<vmem>> -> memref<128xi32, #tpu.memory_space<vmem>>
        %dma_wait3A_919 = tpu.memref_slice %arg3[%add3A_910] : memref<327680xi32, #tpu.memory_space<hbm>> -> memref<128xi32, #tpu.memory_space<hbm>>
        tpu.wait_dma2 semaphore(%arg23 : memref<!tpu.dma_semaphore, #tpu.memory_space<semaphore_mem>>) src(%dma_wait3A_919 : memref<128xi32, #tpu.memory_space<hbm>>) dst(%dma_wait3A_918 : memref<128xi32, #tpu.memory_space<vmem>>)
        %dma_start3A_920 = arith.constant 2 : i32
        %dma_start3A_921 = arith.constant 0 : i32
        %dma_start3A_922 = arith.constant 0 : i32
        %dma_start3A_923 = arith.constant 0 : i32
        %dma_start3A_924 = tpu.memref_slice %arg16[%dma_start3A_921, %dma_start3A_922, %dma_start3A_923] : memref<2x128x128xf32, #tpu.memory_space<vmem>> -> memref<1x64x128xf32, #tpu.memory_space<vmem>>
        %dma_start3A_925 = tpu.memref_squeeze %dma_start3A_924 : memref<1x64x128xf32, #tpu.memory_space<vmem>> -> memref<64x128xf32, #tpu.memory_space<vmem>>
        %dma_start3A_926 = arith.constant 0 : i32
        %dma_start3A_927 = tpu.memref_slice %arg13[%dma_start3A_920, %dma_start3A_926] : memref<4x128xi32, #tpu.memory_space<vmem>> -> memref<1x64xi32, #tpu.memory_space<vmem>>
        %dma_start3A_928 = tpu.memref_squeeze %dma_start3A_927 : memref<1x64xi32, #tpu.memory_space<vmem>> -> memref<64xi32, #tpu.memory_space<vmem>>
        %dma_start3A_929 = arith.constant 0 : i32
        %dma_start3A_930 = arith.constant 0 : i32
        %dma_start3A_931 = tpu.memref_slice %arg5[%dma_start3A_929, %dma_start3A_930] : memref<10000x128xf32, #tpu.memory_space<hbm>> -> memref<10000x128xf32, #tpu.memory_space<hbm>>
        tpu.enqueue_indirect_dma source(%dma_start3A_931 : memref<10000x128xf32, #tpu.memory_space<hbm>>) target(%dma_start3A_925 : memref<64x128xf32, #tpu.memory_space<vmem>>) offsets(%dma_start3A_928 : memref<64xi32, #tpu.memory_space<vmem>>) semaphore(%arg17 : memref<!tpu.dma_semaphore, #tpu.memory_space<semaphore_mem>>)
        %dma_start3A_932 = arith.constant 2 : i32
        %dma_start3A_933 = arith.constant 0 : i32
        %dma_start3A_934 = arith.constant 64 : i32
        %dma_start3A_935 = arith.constant 0 : i32
        %dma_start3A_936 = tpu.memref_slice %arg16[%dma_start3A_933, %dma_start3A_934, %dma_start3A_935] : memref<2x128x128xf32, #tpu.memory_space<vmem>> -> memref<1x64x128xf32, #tpu.memory_space<vmem>>
        %dma_start3A_937 = tpu.memref_squeeze %dma_start3A_936 : memref<1x64x128xf32, #tpu.memory_space<vmem>> -> memref<64x128xf32, #tpu.memory_space<vmem>>
        %dma_start3A_938 = arith.constant 64 : i32
        %dma_start3A_939 = tpu.memref_slice %arg13[%dma_start3A_932, %dma_start3A_938] : memref<4x128xi32, #tpu.memory_space<vmem>> -> memref<1x64xi32, #tpu.memory_space<vmem>>
        %dma_start3A_940 = tpu.memref_squeeze %dma_start3A_939 : memref<1x64xi32, #tpu.memory_space<vmem>> -> memref<64xi32, #tpu.memory_space<vmem>>
        %dma_start3A_941 = arith.constant 0 : i32
        %dma_start3A_942 = arith.constant 0 : i32
        %dma_start3A_943 = tpu.memref_slice %arg5[%dma_start3A_941, %dma_start3A_942] : memref<10000x128xf32, #tpu.memory_space<hbm>> -> memref<10000x128xf32, #tpu.memory_space<hbm>>
        tpu.enqueue_indirect_dma source(%dma_start3A_943 : memref<10000x128xf32, #tpu.memory_space<hbm>>) target(%dma_start3A_937 : memref<64x128xf32, #tpu.memory_space<vmem>>) offsets(%dma_start3A_940 : memref<64xi32, #tpu.memory_space<vmem>>) semaphore(%arg17 : memref<!tpu.dma_semaphore, #tpu.memory_space<semaphore_mem>>)
      } else {
      }
      %dma_wait3A_359 = arith.constant 0 : i32
      %dma_wait3A_360 = arith.constant 0 : i32
      %dma_wait3A_361 = tpu.memref_slice %arg13[%dma_wait3A_359, %dma_wait3A_360] : memref<4x128xi32, #tpu.memory_space<vmem>> -> memref<1x128xi32, #tpu.memory_space<vmem>>
      %dma_wait3A_362 = tpu.memref_squeeze %dma_wait3A_361 : memref<1x128xi32, #tpu.memory_space<vmem>> -> memref<128xi32, #tpu.memory_space<vmem>>
      %dma_wait3A_363 = arith.constant 0 : i32
      %dma_wait3A_364 = tpu.memref_slice %arg11[%dma_wait3A_363] : memref<10240xf32, #tpu.memory_space<vmem_shared>> -> memref<10240xf32, #tpu.memory_space<vmem_shared>>
      tpu.wait_indirect_dma semaphore(%arg25 : memref<!tpu.dma_semaphore, #tpu.memory_space<semaphore_mem>>) src(%arg15 : memref<128xf32, #tpu.memory_space<vmem>>) dst(%dma_wait3A_364 : memref<10240xf32, #tpu.memory_space<vmem_shared>>)
      %add3A_365 = arith.constant 4 : i32
      %add3A_366 = arith.addi %add3A_207, %add3A_365 : i32
      %lt3A_367 = arith.constant 80 : i32
      %lt3A_368 = arith.cmpi slt, %add3A_366, %lt3A_367 : i32
      %convert_element_type3A_369 = arith.extui %lt3A_368 : i1 to i32
      %cond3A_370 = arith.constant 0 : i32
      %cond3A_371 = arith.cmpi ne, %convert_element_type3A_369, %cond3A_370 : i32
      scf.if %cond3A_371 {
        %add3A_894 = arith.constant 4 : i32
        %add3A_895 = arith.addi %add3A_207, %add3A_894 : i32
        %mul3A_896 = arith.constant 128 : i32
        %mul3A_897 = arith.muli %add3A_895, %mul3A_896 : i32
        %add3A_898 = arith.addi %mul3A_2, %mul3A_897 : i32
        %dma_start3A_899 = arith.constant 0 : i32
        %dma_start3A_900 = arith.constant 0 : i32
        %dma_start3A_901 = tpu.memref_slice %arg13[%dma_start3A_899, %dma_start3A_900] : memref<4x128xi32, #tpu.memory_space<vmem>> -> memref<1x128xi32, #tpu.memory_space<vmem>>
        %dma_start3A_902 = tpu.memref_squeeze %dma_start3A_901 : memref<1x128xi32, #tpu.memory_space<vmem>> -> memref<128xi32, #tpu.memory_space<vmem>>
        %dma_start3A_903 = tpu.memref_slice %arg2[%add3A_898] : memref<327680xi32, #tpu.memory_space<hbm>> -> memref<128xi32, #tpu.memory_space<hbm>>
        %dma_start3A_904 = arith.constant 0 : i32
        %dma_start3A_905 = tpu.memref_slice %arg13[%dma_start3A_899, %dma_start3A_904] : memref<4x128xi32, #tpu.memory_space<vmem>> -> memref<1x128xi32, #tpu.memory_space<vmem>>
        %dma_start3A_906 = tpu.memref_squeeze %dma_start3A_905 : memref<1x128xi32, #tpu.memory_space<vmem>> -> memref<128xi32, #tpu.memory_space<vmem>>
        %dma_start3A_907 = tpu.memref_slice %arg2[%add3A_898] : memref<327680xi32, #tpu.memory_space<hbm>> -> memref<128xi32, #tpu.memory_space<hbm>>
        tpu.enqueue_dma source(%dma_start3A_907 : memref<128xi32, #tpu.memory_space<hbm>>) target(%dma_start3A_906 : memref<128xi32, #tpu.memory_space<vmem>>) target_semaphore(%arg21 : memref<!tpu.dma_semaphore, #tpu.memory_space<semaphore_mem>>)
        %mul3A_908 = arith.constant 128 : i32
        %mul3A_909 = arith.muli %add3A_895, %mul3A_908 : i32
        %add3A_910 = arith.addi %mul3A_2, %mul3A_909 : i32
        %dma_start3A_911 = arith.constant 0 : i32
        %dma_start3A_912 = arith.constant 0 : i32
        %dma_start3A_913 = tpu.memref_slice %arg14[%dma_start3A_911, %dma_start3A_912] : memref<4x128xi32, #tpu.memory_space<vmem>> -> memref<1x128xi32, #tpu.memory_space<vmem>>
        %dma_start3A_914 = tpu.memref_squeeze %dma_start3A_913 : memref<1x128xi32, #tpu.memory_space<vmem>> -> memref<128xi32, #tpu.memory_space<vmem>>
        %dma_start3A_915 = tpu.memref_slice %arg3[%add3A_910] : memref<327680xi32, #tpu.memory_space<hbm>> -> memref<128xi32, #tpu.memory_space<hbm>>
        %dma_start3A_916 = arith.constant 0 : i32
        %dma_start3A_917 = tpu.memref_slice %arg14[%dma_start3A_911, %dma_start3A_916] : memref<4x128xi32, #tpu.memory_space<vmem>> -> memref<1x128xi32, #tpu.memory_space<vmem>>
        %dma_start3A_918 = tpu.memref_squeeze %dma_start3A_917 : memref<1x128xi32, #tpu.memory_space<vmem>> -> memref<128xi32, #tpu.memory_space<vmem>>
        %dma_start3A_919 = tpu.memref_slice %arg3[%add3A_910] : memref<327680xi32, #tpu.memory_space<hbm>> -> memref<128xi32, #tpu.memory_space<hbm>>
        tpu.enqueue_dma source(%dma_start3A_919 : memref<128xi32, #tpu.memory_space<hbm>>) target(%dma_start3A_918 : memref<128xi32, #tpu.memory_space<vmem>>) target_semaphore(%arg21 : memref<!tpu.dma_semaphore, #tpu.memory_space<semaphore_mem>>)
      } else {
      }
      %mul3A_372 = arith.constant 4 : i32
      %mul3A_373 = arith.muli %scan3A_203, %mul3A_372 : i32
      %add3A_374 = arith.constant 1 : i32
      %add3A_375 = arith.addi %mul3A_373, %add3A_374 : i32
      %dma_wait3A_376 = arith.constant 1 : i32
      %dma_wait3A_377 = arith.constant 1 : i32
      %dma_wait3A_378 = arith.constant 0 : i32
      %dma_wait3A_379 = arith.constant 0 : i32
      %dma_wait3A_380 = tpu.memref_slice %arg16[%dma_wait3A_377, %dma_wait3A_378, %dma_wait3A_379] : memref<2x128x128xf32, #tpu.memory_space<vmem>> -> memref<1x64x128xf32, #tpu.memory_space<vmem>>
      %dma_wait3A_381 = tpu.memref_squeeze %dma_wait3A_380 : memref<1x64x128xf32, #tpu.memory_space<vmem>> -> memref<64x128xf32, #tpu.memory_space<vmem>>
      %dma_wait3A_382 = arith.constant 0 : i32
      %dma_wait3A_383 = tpu.memref_slice %arg13[%dma_wait3A_376, %dma_wait3A_382] : memref<4x128xi32, #tpu.memory_space<vmem>> -> memref<1x64xi32, #tpu.memory_space<vmem>>
      %dma_wait3A_384 = tpu.memref_squeeze %dma_wait3A_383 : memref<1x64xi32, #tpu.memory_space<vmem>> -> memref<64xi32, #tpu.memory_space<vmem>>
      %dma_wait3A_385 = arith.constant 0 : i32
      %dma_wait3A_386 = arith.constant 0 : i32
      %dma_wait3A_387 = tpu.memref_slice %arg5[%dma_wait3A_385, %dma_wait3A_386] : memref<10000x128xf32, #tpu.memory_space<hbm>> -> memref<10000x128xf32, #tpu.memory_space<hbm>>
      tpu.wait_indirect_dma semaphore(%arg18 : memref<!tpu.dma_semaphore, #tpu.memory_space<semaphore_mem>>) src(%dma_wait3A_387 : memref<10000x128xf32, #tpu.memory_space<hbm>>) dst(%dma_wait3A_381 : memref<64x128xf32, #tpu.memory_space<vmem>>)
      %dma_wait3A_388 = arith.constant 1 : i32
      %dma_wait3A_389 = arith.constant 1 : i32
      %dma_wait3A_390 = arith.constant 64 : i32
      %dma_wait3A_391 = arith.constant 0 : i32
      %dma_wait3A_392 = tpu.memref_slice %arg16[%dma_wait3A_389, %dma_wait3A_390, %dma_wait3A_391] : memref<2x128x128xf32, #tpu.memory_space<vmem>> -> memref<1x64x128xf32, #tpu.memory_space<vmem>>
      %dma_wait3A_393 = tpu.memref_squeeze %dma_wait3A_392 : memref<1x64x128xf32, #tpu.memory_space<vmem>> -> memref<64x128xf32, #tpu.memory_space<vmem>>
      %dma_wait3A_394 = arith.constant 64 : i32
      %dma_wait3A_395 = tpu.memref_slice %arg13[%dma_wait3A_388, %dma_wait3A_394] : memref<4x128xi32, #tpu.memory_space<vmem>> -> memref<1x64xi32, #tpu.memory_space<vmem>>
      %dma_wait3A_396 = tpu.memref_squeeze %dma_wait3A_395 : memref<1x64xi32, #tpu.memory_space<vmem>> -> memref<64xi32, #tpu.memory_space<vmem>>
      %dma_wait3A_397 = arith.constant 0 : i32
      %dma_wait3A_398 = arith.constant 0 : i32
      %dma_wait3A_399 = tpu.memref_slice %arg5[%dma_wait3A_397, %dma_wait3A_398] : memref<10000x128xf32, #tpu.memory_space<hbm>> -> memref<10000x128xf32, #tpu.memory_space<hbm>>
      tpu.wait_indirect_dma semaphore(%arg18 : memref<!tpu.dma_semaphore, #tpu.memory_space<semaphore_mem>>) src(%dma_wait3A_399 : memref<10000x128xf32, #tpu.memory_space<hbm>>) dst(%dma_wait3A_393 : memref<64x128xf32, #tpu.memory_space<vmem>>)
      %dma_start3A_400 = arith.constant 1 : i32
      %dma_start3A_401 = arith.constant 1 : i32
      %dma_start3A_402 = arith.constant 0 : i32
      %dma_start3A_403 = arith.constant 0 : i32
      %dma_start3A_404 = tpu.memref_slice %arg16[%dma_start3A_400, %dma_start3A_402, %dma_start3A_403] : memref<2x128x128xf32, #tpu.memory_space<vmem>> -> memref<1x64x128xf32, #tpu.memory_space<vmem>>
      %dma_start3A_405 = tpu.memref_squeeze %dma_start3A_404 : memref<1x64x128xf32, #tpu.memory_space<vmem>> -> memref<64x128xf32, #tpu.memory_space<vmem>>
      %dma_start3A_406 = arith.constant 0 : i32
      %dma_start3A_407 = tpu.memref_slice %arg14[%dma_start3A_401, %dma_start3A_406] : memref<4x128xi32, #tpu.memory_space<vmem>> -> memref<1x64xi32, #tpu.memory_space<vmem>>
      %dma_start3A_408 = tpu.memref_squeeze %dma_start3A_407 : memref<1x64xi32, #tpu.memory_space<vmem>> -> memref<64xi32, #tpu.memory_space<vmem>>
      %dma_start3A_409 = arith.constant 0 : i32
      %dma_start3A_410 = arith.constant 0 : i32
      %dma_start3A_411 = tpu.memref_slice %arg10[%dma_start3A_409, %dma_start3A_410] : memref<10240x128xf32, #tpu.memory_space<vmem_shared>> -> memref<10240x128xf32, #tpu.memory_space<vmem_shared>>
      tpu.enqueue_indirect_dma source(%dma_start3A_405 : memref<64x128xf32, #tpu.memory_space<vmem>>) target(%dma_start3A_411 : memref<10240x128xf32, #tpu.memory_space<vmem_shared>>) offsets(%dma_start3A_408 : memref<64xi32, #tpu.memory_space<vmem>>) semaphore(%arg20 : memref<!tpu.dma_semaphore, #tpu.memory_space<semaphore_mem>>) {add = true}
      %dma_start3A_412 = arith.constant 1 : i32
      %dma_start3A_413 = arith.constant 1 : i32
      %dma_start3A_414 = arith.constant 64 : i32
      %dma_start3A_415 = arith.constant 0 : i32
      %dma_start3A_416 = tpu.memref_slice %arg16[%dma_start3A_412, %dma_start3A_414, %dma_start3A_415] : memref<2x128x128xf32, #tpu.memory_space<vmem>> -> memref<1x64x128xf32, #tpu.memory_space<vmem>>
      %dma_start3A_417 = tpu.memref_squeeze %dma_start3A_416 : memref<1x64x128xf32, #tpu.memory_space<vmem>> -> memref<64x128xf32, #tpu.memory_space<vmem>>
      %dma_start3A_418 = arith.constant 64 : i32
      %dma_start3A_419 = tpu.memref_slice %arg14[%dma_start3A_413, %dma_start3A_418] : memref<4x128xi32, #tpu.memory_space<vmem>> -> memref<1x64xi32, #tpu.memory_space<vmem>>
      %dma_start3A_420 = tpu.memref_squeeze %dma_start3A_419 : memref<1x64xi32, #tpu.memory_space<vmem>> -> memref<64xi32, #tpu.memory_space<vmem>>
      %dma_start3A_421 = arith.constant 0 : i32
      %dma_start3A_422 = arith.constant 0 : i32
      %dma_start3A_423 = tpu.memref_slice %arg10[%dma_start3A_421, %dma_start3A_422] : memref<10240x128xf32, #tpu.memory_space<vmem_shared>> -> memref<10240x128xf32, #tpu.memory_space<vmem_shared>>
      tpu.enqueue_indirect_dma source(%dma_start3A_417 : memref<64x128xf32, #tpu.memory_space<vmem>>) target(%dma_start3A_423 : memref<10240x128xf32, #tpu.memory_space<vmem_shared>>) offsets(%dma_start3A_420 : memref<64xi32, #tpu.memory_space<vmem>>) semaphore(%arg20 : memref<!tpu.dma_semaphore, #tpu.memory_space<semaphore_mem>>) {add = true}
      %get3A_424 = arith.constant 1 : i32
      %get3A_425 = arith.constant 0 : i32
      %get3A_426 = tpu.memref_slice %arg14[%get3A_424, %get3A_425] : memref<4x128xi32, #tpu.memory_space<vmem>> -> memref<1x128xi32, #tpu.memory_space<vmem>>
      %get3A_427 = tpu.memref_squeeze %get3A_426 : memref<1x128xi32, #tpu.memory_space<vmem>> -> memref<128xi32, #tpu.memory_space<vmem>>
      %get3A_428 = arith.constant 0 : index
      %get3A_429 = tpu.vector_load %get3A_427[%get3A_428] {strides = array<i32>} : memref<128xi32, #tpu.memory_space<vmem>>, vector<16xi32>,
      %gather3A_430 = tpu.vector_load_idx %arg12[%get3A_429] : memref<10016xf32, #tpu.memory_space<vmem>>[vector<16xi32>], vector<16xf32>,
      %swap3A_431 = arith.constant 0 : index
      %swap3A_432 = tpu.vector_load %arg15[%swap3A_431] {strides = array<i32>} : memref<128xf32, #tpu.memory_space<vmem>>, vector<16xf32>,
      tpu.vector_store %arg15[%swap3A_431], %gather3A_430 {strides = array<i32>} : memref<128xf32, #tpu.memory_space<vmem>>, vector<16xf32>,
      %get3A_433 = arith.constant 1 : i32
      %get3A_434 = arith.constant 0 : i32
      %get3A_435 = tpu.memref_slice %arg14[%get3A_433, %get3A_434] : memref<4x128xi32, #tpu.memory_space<vmem>> -> memref<1x128xi32, #tpu.memory_space<vmem>>
      %get3A_436 = tpu.memref_squeeze %get3A_435 : memref<1x128xi32, #tpu.memory_space<vmem>> -> memref<128xi32, #tpu.memory_space<vmem>>
      %get3A_437 = arith.constant 16 : index
      %get3A_438 = tpu.vector_load %get3A_436[%get3A_437] {strides = array<i32>} : memref<128xi32, #tpu.memory_space<vmem>>, vector<16xi32>,
      %gather3A_439 = tpu.vector_load_idx %arg12[%get3A_438] : memref<10016xf32, #tpu.memory_space<vmem>>[vector<16xi32>], vector<16xf32>,
      %swap3A_440 = arith.constant 16 : index
      %swap3A_441 = tpu.vector_load %arg15[%swap3A_440] {strides = array<i32>} : memref<128xf32, #tpu.memory_space<vmem>>, vector<16xf32>,
      tpu.vector_store %arg15[%swap3A_440], %gather3A_439 {strides = array<i32>} : memref<128xf32, #tpu.memory_space<vmem>>, vector<16xf32>,
      %get3A_442 = arith.constant 1 : i32
      %get3A_443 = arith.constant 0 : i32
      %get3A_444 = tpu.memref_slice %arg14[%get3A_442, %get3A_443] : memref<4x128xi32, #tpu.memory_space<vmem>> -> memref<1x128xi32, #tpu.memory_space<vmem>>
      %get3A_445 = tpu.memref_squeeze %get3A_444 : memref<1x128xi32, #tpu.memory_space<vmem>> -> memref<128xi32, #tpu.memory_space<vmem>>
      %get3A_446 = arith.constant 32 : index
      %get3A_447 = tpu.vector_load %get3A_445[%get3A_446] {strides = array<i32>} : memref<128xi32, #tpu.memory_space<vmem>>, vector<16xi32>,
      %gather3A_448 = tpu.vector_load_idx %arg12[%get3A_447] : memref<10016xf32, #tpu.memory_space<vmem>>[vector<16xi32>], vector<16xf32>,
      %swap3A_449 = arith.constant 32 : index
      %swap3A_450 = tpu.vector_load %arg15[%swap3A_449] {strides = array<i32>} : memref<128xf32, #tpu.memory_space<vmem>>, vector<16xf32>,
      tpu.vector_store %arg15[%swap3A_449], %gather3A_448 {strides = array<i32>} : memref<128xf32, #tpu.memory_space<vmem>>, vector<16xf32>,
      %get3A_451 = arith.constant 1 : i32
      %get3A_452 = arith.constant 0 : i32
      %get3A_453 = tpu.memref_slice %arg14[%get3A_451, %get3A_452] : memref<4x128xi32, #tpu.memory_space<vmem>> -> memref<1x128xi32, #tpu.memory_space<vmem>>
      %get3A_454 = tpu.memref_squeeze %get3A_453 : memref<1x128xi32, #tpu.memory_space<vmem>> -> memref<128xi32, #tpu.memory_space<vmem>>
      %get3A_455 = arith.constant 48 : index
      %get3A_456 = tpu.vector_load %get3A_454[%get3A_455] {strides = array<i32>} : memref<128xi32, #tpu.memory_space<vmem>>, vector<16xi32>,
      %gather3A_457 = tpu.vector_load_idx %arg12[%get3A_456] : memref<10016xf32, #tpu.memory_space<vmem>>[vector<16xi32>], vector<16xf32>,
      %swap3A_458 = arith.constant 48 : index
      %swap3A_459 = tpu.vector_load %arg15[%swap3A_458] {strides = array<i32>} : memref<128xf32, #tpu.memory_space<vmem>>, vector<16xf32>,
      tpu.vector_store %arg15[%swap3A_458], %gather3A_457 {strides = array<i32>} : memref<128xf32, #tpu.memory_space<vmem>>, vector<16xf32>,
      %get3A_460 = arith.constant 1 : i32
      %get3A_461 = arith.constant 0 : i32
      %get3A_462 = tpu.memref_slice %arg14[%get3A_460, %get3A_461] : memref<4x128xi32, #tpu.memory_space<vmem>> -> memref<1x128xi32, #tpu.memory_space<vmem>>
      %get3A_463 = tpu.memref_squeeze %get3A_462 : memref<1x128xi32, #tpu.memory_space<vmem>> -> memref<128xi32, #tpu.memory_space<vmem>>
      %get3A_464 = arith.constant 64 : index
      %get3A_465 = tpu.vector_load %get3A_463[%get3A_464] {strides = array<i32>} : memref<128xi32, #tpu.memory_space<vmem>>, vector<16xi32>,
      %gather3A_466 = tpu.vector_load_idx %arg12[%get3A_465] : memref<10016xf32, #tpu.memory_space<vmem>>[vector<16xi32>], vector<16xf32>,
      %swap3A_467 = arith.constant 64 : index
      %swap3A_468 = tpu.vector_load %arg15[%swap3A_467] {strides = array<i32>} : memref<128xf32, #tpu.memory_space<vmem>>, vector<16xf32>,
      tpu.vector_store %arg15[%swap3A_467], %gather3A_466 {strides = array<i32>} : memref<128xf32, #tpu.memory_space<vmem>>, vector<16xf32>,
      %get3A_469 = arith.constant 1 : i32
      %get3A_470 = arith.constant 0 : i32
      %get3A_471 = tpu.memref_slice %arg14[%get3A_469, %get3A_470] : memref<4x128xi32, #tpu.memory_space<vmem>> -> memref<1x128xi32, #tpu.memory_space<vmem>>
      %get3A_472 = tpu.memref_squeeze %get3A_471 : memref<1x128xi32, #tpu.memory_space<vmem>> -> memref<128xi32, #tpu.memory_space<vmem>>
      %get3A_473 = arith.constant 80 : index
      %get3A_474 = tpu.vector_load %get3A_472[%get3A_473] {strides = array<i32>} : memref<128xi32, #tpu.memory_space<vmem>>, vector<16xi32>,
      %gather3A_475 = tpu.vector_load_idx %arg12[%get3A_474] : memref<10016xf32, #tpu.memory_space<vmem>>[vector<16xi32>], vector<16xf32>,
      %swap3A_476 = arith.constant 80 : index
      %swap3A_477 = tpu.vector_load %arg15[%swap3A_476] {strides = array<i32>} : memref<128xf32, #tpu.memory_space<vmem>>, vector<16xf32>,
      tpu.vector_store %arg15[%swap3A_476], %gather3A_475 {strides = array<i32>} : memref<128xf32, #tpu.memory_space<vmem>>, vector<16xf32>,
      %get3A_478 = arith.constant 1 : i32
      %get3A_479 = arith.constant 0 : i32
      %get3A_480 = tpu.memref_slice %arg14[%get3A_478, %get3A_479] : memref<4x128xi32, #tpu.memory_space<vmem>> -> memref<1x128xi32, #tpu.memory_space<vmem>>
      %get3A_481 = tpu.memref_squeeze %get3A_480 : memref<1x128xi32, #tpu.memory_space<vmem>> -> memref<128xi32, #tpu.memory_space<vmem>>
      %get3A_482 = arith.constant 96 : index
      %get3A_483 = tpu.vector_load %get3A_481[%get3A_482] {strides = array<i32>} : memref<128xi32, #tpu.memory_space<vmem>>, vector<16xi32>,
      %gather3A_484 = tpu.vector_load_idx %arg12[%get3A_483] : memref<10016xf32, #tpu.memory_space<vmem>>[vector<16xi32>], vector<16xf32>,
      %swap3A_485 = arith.constant 96 : index
      %swap3A_486 = tpu.vector_load %arg15[%swap3A_485] {strides = array<i32>} : memref<128xf32, #tpu.memory_space<vmem>>, vector<16xf32>,
      tpu.vector_store %arg15[%swap3A_485], %gather3A_484 {strides = array<i32>} : memref<128xf32, #tpu.memory_space<vmem>>, vector<16xf32>,
      %get3A_487 = arith.constant 1 : i32
      %get3A_488 = arith.constant 0 : i32
      %get3A_489 = tpu.memref_slice %arg14[%get3A_487, %get3A_488] : memref<4x128xi32, #tpu.memory_space<vmem>> -> memref<1x128xi32, #tpu.memory_space<vmem>>
      %get3A_490 = tpu.memref_squeeze %get3A_489 : memref<1x128xi32, #tpu.memory_space<vmem>> -> memref<128xi32, #tpu.memory_space<vmem>>
      %get3A_491 = arith.constant 112 : index
      %get3A_492 = tpu.vector_load %get3A_490[%get3A_491] {strides = array<i32>} : memref<128xi32, #tpu.memory_space<vmem>>, vector<16xi32>,
      %gather3A_493 = tpu.vector_load_idx %arg12[%get3A_492] : memref<10016xf32, #tpu.memory_space<vmem>>[vector<16xi32>], vector<16xf32>,
      %swap3A_494 = arith.constant 112 : index
      %swap3A_495 = tpu.vector_load %arg15[%swap3A_494] {strides = array<i32>} : memref<128xf32, #tpu.memory_space<vmem>>, vector<16xf32>,
      tpu.vector_store %arg15[%swap3A_494], %gather3A_493 {strides = array<i32>} : memref<128xf32, #tpu.memory_space<vmem>>, vector<16xf32>,
      %dma_start3A_496 = arith.constant 1 : i32
      %dma_start3A_497 = arith.constant 0 : i32
      %dma_start3A_498 = tpu.memref_slice %arg13[%dma_start3A_496, %dma_start3A_497] : memref<4x128xi32, #tpu.memory_space<vmem>> -> memref<1x128xi32, #tpu.memory_space<vmem>>
      %dma_start3A_499 = tpu.memref_squeeze %dma_start3A_498 : memref<1x128xi32, #tpu.memory_space<vmem>> -> memref<128xi32, #tpu.memory_space<vmem>>
      %dma_start3A_500 = arith.constant 0 : i32
      %dma_start3A_501 = tpu.memref_slice %arg11[%dma_start3A_500] : memref<10240xf32, #tpu.memory_space<vmem_shared>> -> memref<10240xf32, #tpu.memory_space<vmem_shared>>
      tpu.enqueue_indirect_dma source(%arg15 : memref<128xf32, #tpu.memory_space<vmem>>) target(%dma_start3A_501 : memref<10240xf32, #tpu.memory_space<vmem_shared>>) offsets(%dma_start3A_499 : memref<128xi32, #tpu.memory_space<vmem>>) semaphore(%arg25 : memref<!tpu.dma_semaphore, #tpu.memory_space<semaphore_mem>>) {add = true}
      %dma_wait3A_502 = arith.constant 1 : i32
      %dma_wait3A_503 = arith.constant 1 : i32
      %dma_wait3A_504 = arith.constant 0 : i32
      %dma_wait3A_505 = arith.constant 0 : i32
      %dma_wait3A_506 = tpu.memref_slice %arg16[%dma_wait3A_502, %dma_wait3A_504, %dma_wait3A_505] : memref<2x128x128xf32, #tpu.memory_space<vmem>> -> memref<1x64x128xf32, #tpu.memory_space<vmem>>
      %dma_wait3A_507 = tpu.memref_squeeze %dma_wait3A_506 : memref<1x64x128xf32, #tpu.memory_space<vmem>> -> memref<64x128xf32, #tpu.memory_space<vmem>>
      %dma_wait3A_508 = arith.constant 0 : i32
      %dma_wait3A_509 = tpu.memref_slice %arg14[%dma_wait3A_503, %dma_wait3A_508] : memref<4x128xi32, #tpu.memory_space<vmem>> -> memref<1x64xi32, #tpu.memory_space<vmem>>
      %dma_wait3A_510 = tpu.memref_squeeze %dma_wait3A_509 : memref<1x64xi32, #tpu.memory_space<vmem>> -> memref<64xi32, #tpu.memory_space<vmem>>
      %dma_wait3A_511 = arith.constant 0 : i32
      %dma_wait3A_512 = arith.constant 0 : i32
      %dma_wait3A_513 = tpu.memref_slice %arg10[%dma_wait3A_511, %dma_wait3A_512] : memref<10240x128xf32, #tpu.memory_space<vmem_shared>> -> memref<10240x128xf32, #tpu.memory_space<vmem_shared>>
      tpu.wait_indirect_dma semaphore(%arg20 : memref<!tpu.dma_semaphore, #tpu.memory_space<semaphore_mem>>) src(%dma_wait3A_507 : memref<64x128xf32, #tpu.memory_space<vmem>>) dst(%dma_wait3A_513 : memref<10240x128xf32, #tpu.memory_space<vmem_shared>>)
      %dma_wait3A_514 = arith.constant 1 : i32
      %dma_wait3A_515 = arith.constant 1 : i32
      %dma_wait3A_516 = arith.constant 64 : i32
      %dma_wait3A_517 = arith.constant 0 : i32
      %dma_wait3A_518 = tpu.memref_slice %arg16[%dma_wait3A_514, %dma_wait3A_516, %dma_wait3A_517] : memref<2x128x128xf32, #tpu.memory_space<vmem>> -> memref<1x64x128xf32, #tpu.memory_space<vmem>>
      %dma_wait3A_519 = tpu.memref_squeeze %dma_wait3A_518 : memref<1x64x128xf32, #tpu.memory_space<vmem>> -> memref<64x128xf32, #tpu.memory_space<vmem>>
      %dma_wait3A_520 = arith.constant 64 : i32
      %dma_wait3A_521 = tpu.memref_slice %arg14[%dma_wait3A_515, %dma_wait3A_520] : memref<4x128xi32, #tpu.memory_space<vmem>> -> memref<1x64xi32, #tpu.memory_space<vmem>>
      %dma_wait3A_522 = tpu.memref_squeeze %dma_wait3A_521 : memref<1x64xi32, #tpu.memory_space<vmem>> -> memref<64xi32, #tpu.memory_space<vmem>>
      %dma_wait3A_523 = arith.constant 0 : i32
      %dma_wait3A_524 = arith.constant 0 : i32
      %dma_wait3A_525 = tpu.memref_slice %arg10[%dma_wait3A_523, %dma_wait3A_524] : memref<10240x128xf32, #tpu.memory_space<vmem_shared>> -> memref<10240x128xf32, #tpu.memory_space<vmem_shared>>
      tpu.wait_indirect_dma semaphore(%arg20 : memref<!tpu.dma_semaphore, #tpu.memory_space<semaphore_mem>>) src(%dma_wait3A_519 : memref<64x128xf32, #tpu.memory_space<vmem>>) dst(%dma_wait3A_525 : memref<10240x128xf32, #tpu.memory_space<vmem_shared>>)
      %add3A_526 = arith.constant 2 : i32
      %add3A_527 = arith.addi %add3A_375, %add3A_526 : i32
      %lt3A_528 = arith.constant 80 : i32
      %lt3A_529 = arith.cmpi slt, %add3A_527, %lt3A_528 : i32
      %convert_element_type3A_530 = arith.extui %lt3A_529 : i1 to i32
      %cond3A_531 = arith.constant 0 : i32
      %cond3A_532 = arith.cmpi ne, %convert_element_type3A_530, %cond3A_531 : i32
      scf.if %cond3A_532 {
        %add3A_894 = arith.constant 2 : i32
        %add3A_895 = arith.addi %add3A_375, %add3A_894 : i32
        %mul3A_896 = arith.constant 128 : i32
        %mul3A_897 = arith.muli %add3A_895, %mul3A_896 : i32
        %add3A_898 = arith.addi %mul3A_2, %mul3A_897 : i32
        %dma_wait3A_899 = arith.constant 3 : i32
        %dma_wait3A_900 = arith.constant 0 : i32
        %dma_wait3A_901 = tpu.memref_slice %arg13[%dma_wait3A_899, %dma_wait3A_900] : memref<4x128xi32, #tpu.memory_space<vmem>> -> memref<1x128xi32, #tpu.memory_space<vmem>>
        %dma_wait3A_902 = tpu.memref_squeeze %dma_wait3A_901 : memref<1x128xi32, #tpu.memory_space<vmem>> -> memref<128xi32, #tpu.memory_space<vmem>>
        %dma_wait3A_903 = tpu.memref_slice %arg2[%add3A_898] : memref<327680xi32, #tpu.memory_space<hbm>> -> memref<128xi32, #tpu.memory_space<hbm>>
        %dma_wait3A_904 = arith.constant 0 : i32
        %dma_wait3A_905 = tpu.memref_slice %arg13[%dma_wait3A_899, %dma_wait3A_904] : memref<4x128xi32, #tpu.memory_space<vmem>> -> memref<1x128xi32, #tpu.memory_space<vmem>>
        %dma_wait3A_906 = tpu.memref_squeeze %dma_wait3A_905 : memref<1x128xi32, #tpu.memory_space<vmem>> -> memref<128xi32, #tpu.memory_space<vmem>>
        %dma_wait3A_907 = tpu.memref_slice %arg2[%add3A_898] : memref<327680xi32, #tpu.memory_space<hbm>> -> memref<128xi32, #tpu.memory_space<hbm>>
        tpu.wait_dma2 semaphore(%arg24 : memref<!tpu.dma_semaphore, #tpu.memory_space<semaphore_mem>>) src(%dma_wait3A_907 : memref<128xi32, #tpu.memory_space<hbm>>) dst(%dma_wait3A_906 : memref<128xi32, #tpu.memory_space<vmem>>)
        %mul3A_908 = arith.constant 128 : i32
        %mul3A_909 = arith.muli %add3A_895, %mul3A_908 : i32
        %add3A_910 = arith.addi %mul3A_2, %mul3A_909 : i32
        %dma_wait3A_911 = arith.constant 3 : i32
        %dma_wait3A_912 = arith.constant 0 : i32
        %dma_wait3A_913 = tpu.memref_slice %arg14[%dma_wait3A_911, %dma_wait3A_912] : memref<4x128xi32, #tpu.memory_space<vmem>> -> memref<1x128xi32, #tpu.memory_space<vmem>>
        %dma_wait3A_914 = tpu.memref_squeeze %dma_wait3A_913 : memref<1x128xi32, #tpu.memory_space<vmem>> -> memref<128xi32, #tpu.memory_space<vmem>>
        %dma_wait3A_915 = tpu.memref_slice %arg3[%add3A_910] : memref<327680xi32, #tpu.memory_space<hbm>> -> memref<128xi32, #tpu.memory_space<hbm>>
        %dma_wait3A_916 = arith.constant 0 : i32
        %dma_wait3A_917 = tpu.memref_slice %arg14[%dma_wait3A_911, %dma_wait3A_916] : memref<4x128xi32, #tpu.memory_space<vmem>> -> memref<1x128xi32, #tpu.memory_space<vmem>>
        %dma_wait3A_918 = tpu.memref_squeeze %dma_wait3A_917 : memref<1x128xi32, #tpu.memory_space<vmem>> -> memref<128xi32, #tpu.memory_space<vmem>>
        %dma_wait3A_919 = tpu.memref_slice %arg3[%add3A_910] : memref<327680xi32, #tpu.memory_space<hbm>> -> memref<128xi32, #tpu.memory_space<hbm>>
        tpu.wait_dma2 semaphore(%arg24 : memref<!tpu.dma_semaphore, #tpu.memory_space<semaphore_mem>>) src(%dma_wait3A_919 : memref<128xi32, #tpu.memory_space<hbm>>) dst(%dma_wait3A_918 : memref<128xi32, #tpu.memory_space<vmem>>)
        %dma_start3A_920 = arith.constant 3 : i32
        %dma_start3A_921 = arith.constant 1 : i32
        %dma_start3A_922 = arith.constant 0 : i32
        %dma_start3A_923 = arith.constant 0 : i32
        %dma_start3A_924 = tpu.memref_slice %arg16[%dma_start3A_921, %dma_start3A_922, %dma_start3A_923] : memref<2x128x128xf32, #tpu.memory_space<vmem>> -> memref<1x64x128xf32, #tpu.memory_space<vmem>>
        %dma_start3A_925 = tpu.memref_squeeze %dma_start3A_924 : memref<1x64x128xf32, #tpu.memory_space<vmem>> -> memref<64x128xf32, #tpu.memory_space<vmem>>
        %dma_start3A_926 = arith.constant 0 : i32
        %dma_start3A_927 = tpu.memref_slice %arg13[%dma_start3A_920, %dma_start3A_926] : memref<4x128xi32, #tpu.memory_space<vmem>> -> memref<1x64xi32, #tpu.memory_space<vmem>>
        %dma_start3A_928 = tpu.memref_squeeze %dma_start3A_927 : memref<1x64xi32, #tpu.memory_space<vmem>> -> memref<64xi32, #tpu.memory_space<vmem>>
        %dma_start3A_929 = arith.constant 0 : i32
        %dma_start3A_930 = arith.constant 0 : i32
        %dma_start3A_931 = tpu.memref_slice %arg5[%dma_start3A_929, %dma_start3A_930] : memref<10000x128xf32, #tpu.memory_space<hbm>> -> memref<10000x128xf32, #tpu.memory_space<hbm>>
        tpu.enqueue_indirect_dma source(%dma_start3A_931 : memref<10000x128xf32, #tpu.memory_space<hbm>>) target(%dma_start3A_925 : memref<64x128xf32, #tpu.memory_space<vmem>>) offsets(%dma_start3A_928 : memref<64xi32, #tpu.memory_space<vmem>>) semaphore(%arg18 : memref<!tpu.dma_semaphore, #tpu.memory_space<semaphore_mem>>)
        %dma_start3A_932 = arith.constant 3 : i32
        %dma_start3A_933 = arith.constant 1 : i32
        %dma_start3A_934 = arith.constant 64 : i32
        %dma_start3A_935 = arith.constant 0 : i32
        %dma_start3A_936 = tpu.memref_slice %arg16[%dma_start3A_933, %dma_start3A_934, %dma_start3A_935] : memref<2x128x128xf32, #tpu.memory_space<vmem>> -> memref<1x64x128xf32, #tpu.memory_space<vmem>>
        %dma_start3A_937 = tpu.memref_squeeze %dma_start3A_936 : memref<1x64x128xf32, #tpu.memory_space<vmem>> -> memref<64x128xf32, #tpu.memory_space<vmem>>
        %dma_start3A_938 = arith.constant 64 : i32
        %dma_start3A_939 = tpu.memref_slice %arg13[%dma_start3A_932, %dma_start3A_938] : memref<4x128xi32, #tpu.memory_space<vmem>> -> memref<1x64xi32, #tpu.memory_space<vmem>>
        %dma_start3A_940 = tpu.memref_squeeze %dma_start3A_939 : memref<1x64xi32, #tpu.memory_space<vmem>> -> memref<64xi32, #tpu.memory_space<vmem>>
        %dma_start3A_941 = arith.constant 0 : i32
        %dma_start3A_942 = arith.constant 0 : i32
        %dma_start3A_943 = tpu.memref_slice %arg5[%dma_start3A_941, %dma_start3A_942] : memref<10000x128xf32, #tpu.memory_space<hbm>> -> memref<10000x128xf32, #tpu.memory_space<hbm>>
        tpu.enqueue_indirect_dma source(%dma_start3A_943 : memref<10000x128xf32, #tpu.memory_space<hbm>>) target(%dma_start3A_937 : memref<64x128xf32, #tpu.memory_space<vmem>>) offsets(%dma_start3A_940 : memref<64xi32, #tpu.memory_space<vmem>>) semaphore(%arg18 : memref<!tpu.dma_semaphore, #tpu.memory_space<semaphore_mem>>)
      } else {
      }
      %dma_wait3A_533 = arith.constant 1 : i32
      %dma_wait3A_534 = arith.constant 0 : i32
      %dma_wait3A_535 = tpu.memref_slice %arg13[%dma_wait3A_533, %dma_wait3A_534] : memref<4x128xi32, #tpu.memory_space<vmem>> -> memref<1x128xi32, #tpu.memory_space<vmem>>
      %dma_wait3A_536 = tpu.memref_squeeze %dma_wait3A_535 : memref<1x128xi32, #tpu.memory_space<vmem>> -> memref<128xi32, #tpu.memory_space<vmem>>
      %dma_wait3A_537 = arith.constant 0 : i32
      %dma_wait3A_538 = tpu.memref_slice %arg11[%dma_wait3A_537] : memref<10240xf32, #tpu.memory_space<vmem_shared>> -> memref<10240xf32, #tpu.memory_space<vmem_shared>>
      tpu.wait_indirect_dma semaphore(%arg25 : memref<!tpu.dma_semaphore, #tpu.memory_space<semaphore_mem>>) src(%arg15 : memref<128xf32, #tpu.memory_space<vmem>>) dst(%dma_wait3A_538 : memref<10240xf32, #tpu.memory_space<vmem_shared>>)
      %add3A_539 = arith.constant 4 : i32
      %add3A_540 = arith.addi %add3A_375, %add3A_539 : i32
      %lt3A_541 = arith.constant 80 : i32
      %lt3A_542 = arith.cmpi slt, %add3A_540, %lt3A_541 : i32
      %convert_element_type3A_543 = arith.extui %lt3A_542 : i1 to i32
      %cond3A_544 = arith.constant 0 : i32
      %cond3A_545 = arith.cmpi ne, %convert_element_type3A_543, %cond3A_544 : i32
      scf.if %cond3A_545 {
        %add3A_894 = arith.constant 4 : i32
        %add3A_895 = arith.addi %add3A_375, %add3A_894 : i32
        %mul3A_896 = arith.constant 128 : i32
        %mul3A_897 = arith.muli %add3A_895, %mul3A_896 : i32
        %add3A_898 = arith.addi %mul3A_2, %mul3A_897 : i32
        %dma_start3A_899 = arith.constant 1 : i32
        %dma_start3A_900 = arith.constant 0 : i32
        %dma_start3A_901 = tpu.memref_slice %arg13[%dma_start3A_899, %dma_start3A_900] : memref<4x128xi32, #tpu.memory_space<vmem>> -> memref<1x128xi32, #tpu.memory_space<vmem>>
        %dma_start3A_902 = tpu.memref_squeeze %dma_start3A_901 : memref<1x128xi32, #tpu.memory_space<vmem>> -> memref<128xi32, #tpu.memory_space<vmem>>
        %dma_start3A_903 = tpu.memref_slice %arg2[%add3A_898] : memref<327680xi32, #tpu.memory_space<hbm>> -> memref<128xi32, #tpu.memory_space<hbm>>
        %dma_start3A_904 = arith.constant 0 : i32
        %dma_start3A_905 = tpu.memref_slice %arg13[%dma_start3A_899, %dma_start3A_904] : memref<4x128xi32, #tpu.memory_space<vmem>> -> memref<1x128xi32, #tpu.memory_space<vmem>>
        %dma_start3A_906 = tpu.memref_squeeze %dma_start3A_905 : memref<1x128xi32, #tpu.memory_space<vmem>> -> memref<128xi32, #tpu.memory_space<vmem>>
        %dma_start3A_907 = tpu.memref_slice %arg2[%add3A_898] : memref<327680xi32, #tpu.memory_space<hbm>> -> memref<128xi32, #tpu.memory_space<hbm>>
        tpu.enqueue_dma source(%dma_start3A_907 : memref<128xi32, #tpu.memory_space<hbm>>) target(%dma_start3A_906 : memref<128xi32, #tpu.memory_space<vmem>>) target_semaphore(%arg22 : memref<!tpu.dma_semaphore, #tpu.memory_space<semaphore_mem>>)
        %mul3A_908 = arith.constant 128 : i32
        %mul3A_909 = arith.muli %add3A_895, %mul3A_908 : i32
        %add3A_910 = arith.addi %mul3A_2, %mul3A_909 : i32
        %dma_start3A_911 = arith.constant 1 : i32
        %dma_start3A_912 = arith.constant 0 : i32
        %dma_start3A_913 = tpu.memref_slice %arg14[%dma_start3A_911, %dma_start3A_912] : memref<4x128xi32, #tpu.memory_space<vmem>> -> memref<1x128xi32, #tpu.memory_space<vmem>>
        %dma_start3A_914 = tpu.memref_squeeze %dma_start3A_913 : memref<1x128xi32, #tpu.memory_space<vmem>> -> memref<128xi32, #tpu.memory_space<vmem>>
        %dma_start3A_915 = tpu.memref_slice %arg3[%add3A_910] : memref<327680xi32, #tpu.memory_space<hbm>> -> memref<128xi32, #tpu.memory_space<hbm>>
        %dma_start3A_916 = arith.constant 0 : i32
        %dma_start3A_917 = tpu.memref_slice %arg14[%dma_start3A_911, %dma_start3A_916] : memref<4x128xi32, #tpu.memory_space<vmem>> -> memref<1x128xi32, #tpu.memory_space<vmem>>
        %dma_start3A_918 = tpu.memref_squeeze %dma_start3A_917 : memref<1x128xi32, #tpu.memory_space<vmem>> -> memref<128xi32, #tpu.memory_space<vmem>>
        %dma_start3A_919 = tpu.memref_slice %arg3[%add3A_910] : memref<327680xi32, #tpu.memory_space<hbm>> -> memref<128xi32, #tpu.memory_space<hbm>>
        tpu.enqueue_dma source(%dma_start3A_919 : memref<128xi32, #tpu.memory_space<hbm>>) target(%dma_start3A_918 : memref<128xi32, #tpu.memory_space<vmem>>) target_semaphore(%arg22 : memref<!tpu.dma_semaphore, #tpu.memory_space<semaphore_mem>>)
      } else {
      }
      %mul3A_546 = arith.constant 4 : i32
      %mul3A_547 = arith.muli %scan3A_203, %mul3A_546 : i32
      %add3A_548 = arith.constant 2 : i32
      %add3A_549 = arith.addi %mul3A_547, %add3A_548 : i32
      %dma_wait3A_550 = arith.constant 2 : i32
      %dma_wait3A_551 = arith.constant 0 : i32
      %dma_wait3A_552 = arith.constant 0 : i32
      %dma_wait3A_553 = arith.constant 0 : i32
      %dma_wait3A_554 = tpu.memref_slice %arg16[%dma_wait3A_551, %dma_wait3A_552, %dma_wait3A_553] : memref<2x128x128xf32, #tpu.memory_space<vmem>> -> memref<1x64x128xf32, #tpu.memory_space<vmem>>
      %dma_wait3A_555 = tpu.memref_squeeze %dma_wait3A_554 : memref<1x64x128xf32, #tpu.memory_space<vmem>> -> memref<64x128xf32, #tpu.memory_space<vmem>>
      %dma_wait3A_556 = arith.constant 0 : i32
      %dma_wait3A_557 = tpu.memref_slice %arg13[%dma_wait3A_550, %dma_wait3A_556] : memref<4x128xi32, #tpu.memory_space<vmem>> -> memref<1x64xi32, #tpu.memory_space<vmem>>
      %dma_wait3A_558 = tpu.memref_squeeze %dma_wait3A_557 : memref<1x64xi32, #tpu.memory_space<vmem>> -> memref<64xi32, #tpu.memory_space<vmem>>
      %dma_wait3A_559 = arith.constant 0 : i32
      %dma_wait3A_560 = arith.constant 0 : i32
      %dma_wait3A_561 = tpu.memref_slice %arg5[%dma_wait3A_559, %dma_wait3A_560] : memref<10000x128xf32, #tpu.memory_space<hbm>> -> memref<10000x128xf32, #tpu.memory_space<hbm>>
      tpu.wait_indirect_dma semaphore(%arg17 : memref<!tpu.dma_semaphore, #tpu.memory_space<semaphore_mem>>) src(%dma_wait3A_561 : memref<10000x128xf32, #tpu.memory_space<hbm>>) dst(%dma_wait3A_555 : memref<64x128xf32, #tpu.memory_space<vmem>>)
      %dma_wait3A_562 = arith.constant 2 : i32
      %dma_wait3A_563 = arith.constant 0 : i32
      %dma_wait3A_564 = arith.constant 64 : i32
      %dma_wait3A_565 = arith.constant 0 : i32
      %dma_wait3A_566 = tpu.memref_slice %arg16[%dma_wait3A_563, %dma_wait3A_564, %dma_wait3A_565] : memref<2x128x128xf32, #tpu.memory_space<vmem>> -> memref<1x64x128xf32, #tpu.memory_space<vmem>>
      %dma_wait3A_567 = tpu.memref_squeeze %dma_wait3A_566 : memref<1x64x128xf32, #tpu.memory_space<vmem>> -> memref<64x128xf32, #tpu.memory_space<vmem>>
      %dma_wait3A_568 = arith.constant 64 : i32
      %dma_wait3A_569 = tpu.memref_slice %arg13[%dma_wait3A_562, %dma_wait3A_568] : memref<4x128xi32, #tpu.memory_space<vmem>> -> memref<1x64xi32, #tpu.memory_space<vmem>>
      %dma_wait3A_570 = tpu.memref_squeeze %dma_wait3A_569 : memref<1x64xi32, #tpu.memory_space<vmem>> -> memref<64xi32, #tpu.memory_space<vmem>>
      %dma_wait3A_571 = arith.constant 0 : i32
      %dma_wait3A_572 = arith.constant 0 : i32
      %dma_wait3A_573 = tpu.memref_slice %arg5[%dma_wait3A_571, %dma_wait3A_572] : memref<10000x128xf32, #tpu.memory_space<hbm>> -> memref<10000x128xf32, #tpu.memory_space<hbm>>
      tpu.wait_indirect_dma semaphore(%arg17 : memref<!tpu.dma_semaphore, #tpu.memory_space<semaphore_mem>>) src(%dma_wait3A_573 : memref<10000x128xf32, #tpu.memory_space<hbm>>) dst(%dma_wait3A_567 : memref<64x128xf32, #tpu.memory_space<vmem>>)
      %dma_start3A_574 = arith.constant 0 : i32
      %dma_start3A_575 = arith.constant 2 : i32
      %dma_start3A_576 = arith.constant 0 : i32
      %dma_start3A_577 = arith.constant 0 : i32
      %dma_start3A_578 = tpu.memref_slice %arg16[%dma_start3A_574, %dma_start3A_576, %dma_start3A_577] : memref<2x128x128xf32, #tpu.memory_space<vmem>> -> memref<1x64x128xf32, #tpu.memory_space<vmem>>
      %dma_start3A_579 = tpu.memref_squeeze %dma_start3A_578 : memref<1x64x128xf32, #tpu.memory_space<vmem>> -> memref<64x128xf32, #tpu.memory_space<vmem>>
      %dma_start3A_580 = arith.constant 0 : i32
      %dma_start3A_581 = tpu.memref_slice %arg14[%dma_start3A_575, %dma_start3A_580] : memref<4x128xi32, #tpu.memory_space<vmem>> -> memref<1x64xi32, #tpu.memory_space<vmem>>
      %dma_start3A_582 = tpu.memref_squeeze %dma_start3A_581 : memref<1x64xi32, #tpu.memory_space<vmem>> -> memref<64xi32, #tpu.memory_space<vmem>>
      %dma_start3A_583 = arith.constant 0 : i32
      %dma_start3A_584 = arith.constant 0 : i32
      %dma_start3A_585 = tpu.memref_slice %arg10[%dma_start3A_583, %dma_start3A_584] : memref<10240x128xf32, #tpu.memory_space<vmem_shared>> -> memref<10240x128xf32, #tpu.memory_space<vmem_shared>>
      tpu.enqueue_indirect_dma source(%dma_start3A_579 : memref<64x128xf32, #tpu.memory_space<vmem>>) target(%dma_start3A_585 : memref<10240x128xf32, #tpu.memory_space<vmem_shared>>) offsets(%dma_start3A_582 : memref<64xi32, #tpu.memory_space<vmem>>) semaphore(%arg19 : memref<!tpu.dma_semaphore, #tpu.memory_space<semaphore_mem>>) {add = true}
      %dma_start3A_586 = arith.constant 0 : i32
      %dma_start3A_587 = arith.constant 2 : i32
      %dma_start3A_588 = arith.constant 64 : i32
      %dma_start3A_589 = arith.constant 0 : i32
      %dma_start3A_590 = tpu.memref_slice %arg16[%dma_start3A_586, %dma_start3A_588, %dma_start3A_589] : memref<2x128x128xf32, #tpu.memory_space<vmem>> -> memref<1x64x128xf32, #tpu.memory_space<vmem>>
      %dma_start3A_591 = tpu.memref_squeeze %dma_start3A_590 : memref<1x64x128xf32, #tpu.memory_space<vmem>> -> memref<64x128xf32, #tpu.memory_space<vmem>>
      %dma_start3A_592 = arith.constant 64 : i32
      %dma_start3A_593 = tpu.memref_slice %arg14[%dma_start3A_587, %dma_start3A_592] : memref<4x128xi32, #tpu.memory_space<vmem>> -> memref<1x64xi32, #tpu.memory_space<vmem>>
      %dma_start3A_594 = tpu.memref_squeeze %dma_start3A_593 : memref<1x64xi32, #tpu.memory_space<vmem>> -> memref<64xi32, #tpu.memory_space<vmem>>
      %dma_start3A_595 = arith.constant 0 : i32
      %dma_start3A_596 = arith.constant 0 : i32
      %dma_start3A_597 = tpu.memref_slice %arg10[%dma_start3A_595, %dma_start3A_596] : memref<10240x128xf32, #tpu.memory_space<vmem_shared>> -> memref<10240x128xf32, #tpu.memory_space<vmem_shared>>
      tpu.enqueue_indirect_dma source(%dma_start3A_591 : memref<64x128xf32, #tpu.memory_space<vmem>>) target(%dma_start3A_597 : memref<10240x128xf32, #tpu.memory_space<vmem_shared>>) offsets(%dma_start3A_594 : memref<64xi32, #tpu.memory_space<vmem>>) semaphore(%arg19 : memref<!tpu.dma_semaphore, #tpu.memory_space<semaphore_mem>>) {add = true}
      %get3A_598 = arith.constant 2 : i32
      %get3A_599 = arith.constant 0 : i32
      %get3A_600 = tpu.memref_slice %arg14[%get3A_598, %get3A_599] : memref<4x128xi32, #tpu.memory_space<vmem>> -> memref<1x128xi32, #tpu.memory_space<vmem>>
      %get3A_601 = tpu.memref_squeeze %get3A_600 : memref<1x128xi32, #tpu.memory_space<vmem>> -> memref<128xi32, #tpu.memory_space<vmem>>
      %get3A_602 = arith.constant 0 : index
      %get3A_603 = tpu.vector_load %get3A_601[%get3A_602] {strides = array<i32>} : memref<128xi32, #tpu.memory_space<vmem>>, vector<16xi32>,
      %gather3A_604 = tpu.vector_load_idx %arg12[%get3A_603] : memref<10016xf32, #tpu.memory_space<vmem>>[vector<16xi32>], vector<16xf32>,
      %swap3A_605 = arith.constant 0 : index
      %swap3A_606 = tpu.vector_load %arg15[%swap3A_605] {strides = array<i32>} : memref<128xf32, #tpu.memory_space<vmem>>, vector<16xf32>,
      tpu.vector_store %arg15[%swap3A_605], %gather3A_604 {strides = array<i32>} : memref<128xf32, #tpu.memory_space<vmem>>, vector<16xf32>,
      %get3A_607 = arith.constant 2 : i32
      %get3A_608 = arith.constant 0 : i32
      %get3A_609 = tpu.memref_slice %arg14[%get3A_607, %get3A_608] : memref<4x128xi32, #tpu.memory_space<vmem>> -> memref<1x128xi32, #tpu.memory_space<vmem>>
      %get3A_610 = tpu.memref_squeeze %get3A_609 : memref<1x128xi32, #tpu.memory_space<vmem>> -> memref<128xi32, #tpu.memory_space<vmem>>
      %get3A_611 = arith.constant 16 : index
      %get3A_612 = tpu.vector_load %get3A_610[%get3A_611] {strides = array<i32>} : memref<128xi32, #tpu.memory_space<vmem>>, vector<16xi32>,
      %gather3A_613 = tpu.vector_load_idx %arg12[%get3A_612] : memref<10016xf32, #tpu.memory_space<vmem>>[vector<16xi32>], vector<16xf32>,
      %swap3A_614 = arith.constant 16 : index
      %swap3A_615 = tpu.vector_load %arg15[%swap3A_614] {strides = array<i32>} : memref<128xf32, #tpu.memory_space<vmem>>, vector<16xf32>,
      tpu.vector_store %arg15[%swap3A_614], %gather3A_613 {strides = array<i32>} : memref<128xf32, #tpu.memory_space<vmem>>, vector<16xf32>,
      %get3A_616 = arith.constant 2 : i32
      %get3A_617 = arith.constant 0 : i32
      %get3A_618 = tpu.memref_slice %arg14[%get3A_616, %get3A_617] : memref<4x128xi32, #tpu.memory_space<vmem>> -> memref<1x128xi32, #tpu.memory_space<vmem>>
      %get3A_619 = tpu.memref_squeeze %get3A_618 : memref<1x128xi32, #tpu.memory_space<vmem>> -> memref<128xi32, #tpu.memory_space<vmem>>
      %get3A_620 = arith.constant 32 : index
      %get3A_621 = tpu.vector_load %get3A_619[%get3A_620] {strides = array<i32>} : memref<128xi32, #tpu.memory_space<vmem>>, vector<16xi32>,
      %gather3A_622 = tpu.vector_load_idx %arg12[%get3A_621] : memref<10016xf32, #tpu.memory_space<vmem>>[vector<16xi32>], vector<16xf32>,
      %swap3A_623 = arith.constant 32 : index
      %swap3A_624 = tpu.vector_load %arg15[%swap3A_623] {strides = array<i32>} : memref<128xf32, #tpu.memory_space<vmem>>, vector<16xf32>,
      tpu.vector_store %arg15[%swap3A_623], %gather3A_622 {strides = array<i32>} : memref<128xf32, #tpu.memory_space<vmem>>, vector<16xf32>,
      %get3A_625 = arith.constant 2 : i32
      %get3A_626 = arith.constant 0 : i32
      %get3A_627 = tpu.memref_slice %arg14[%get3A_625, %get3A_626] : memref<4x128xi32, #tpu.memory_space<vmem>> -> memref<1x128xi32, #tpu.memory_space<vmem>>
      %get3A_628 = tpu.memref_squeeze %get3A_627 : memref<1x128xi32, #tpu.memory_space<vmem>> -> memref<128xi32, #tpu.memory_space<vmem>>
      %get3A_629 = arith.constant 48 : index
      %get3A_630 = tpu.vector_load %get3A_628[%get3A_629] {strides = array<i32>} : memref<128xi32, #tpu.memory_space<vmem>>, vector<16xi32>,
      %gather3A_631 = tpu.vector_load_idx %arg12[%get3A_630] : memref<10016xf32, #tpu.memory_space<vmem>>[vector<16xi32>], vector<16xf32>,
      %swap3A_632 = arith.constant 48 : index
      %swap3A_633 = tpu.vector_load %arg15[%swap3A_632] {strides = array<i32>} : memref<128xf32, #tpu.memory_space<vmem>>, vector<16xf32>,
      tpu.vector_store %arg15[%swap3A_632], %gather3A_631 {strides = array<i32>} : memref<128xf32, #tpu.memory_space<vmem>>, vector<16xf32>,
      %get3A_634 = arith.constant 2 : i32
      %get3A_635 = arith.constant 0 : i32
      %get3A_636 = tpu.memref_slice %arg14[%get3A_634, %get3A_635] : memref<4x128xi32, #tpu.memory_space<vmem>> -> memref<1x128xi32, #tpu.memory_space<vmem>>
      %get3A_637 = tpu.memref_squeeze %get3A_636 : memref<1x128xi32, #tpu.memory_space<vmem>> -> memref<128xi32, #tpu.memory_space<vmem>>
      %get3A_638 = arith.constant 64 : index
      %get3A_639 = tpu.vector_load %get3A_637[%get3A_638] {strides = array<i32>} : memref<128xi32, #tpu.memory_space<vmem>>, vector<16xi32>,
      %gather3A_640 = tpu.vector_load_idx %arg12[%get3A_639] : memref<10016xf32, #tpu.memory_space<vmem>>[vector<16xi32>], vector<16xf32>,
      %swap3A_641 = arith.constant 64 : index
      %swap3A_642 = tpu.vector_load %arg15[%swap3A_641] {strides = array<i32>} : memref<128xf32, #tpu.memory_space<vmem>>, vector<16xf32>,
      tpu.vector_store %arg15[%swap3A_641], %gather3A_640 {strides = array<i32>} : memref<128xf32, #tpu.memory_space<vmem>>, vector<16xf32>,
      %get3A_643 = arith.constant 2 : i32
      %get3A_644 = arith.constant 0 : i32
      %get3A_645 = tpu.memref_slice %arg14[%get3A_643, %get3A_644] : memref<4x128xi32, #tpu.memory_space<vmem>> -> memref<1x128xi32, #tpu.memory_space<vmem>>
      %get3A_646 = tpu.memref_squeeze %get3A_645 : memref<1x128xi32, #tpu.memory_space<vmem>> -> memref<128xi32, #tpu.memory_space<vmem>>
      %get3A_647 = arith.constant 80 : index
      %get3A_648 = tpu.vector_load %get3A_646[%get3A_647] {strides = array<i32>} : memref<128xi32, #tpu.memory_space<vmem>>, vector<16xi32>,
      %gather3A_649 = tpu.vector_load_idx %arg12[%get3A_648] : memref<10016xf32, #tpu.memory_space<vmem>>[vector<16xi32>], vector<16xf32>,
      %swap3A_650 = arith.constant 80 : index
      %swap3A_651 = tpu.vector_load %arg15[%swap3A_650] {strides = array<i32>} : memref<128xf32, #tpu.memory_space<vmem>>, vector<16xf32>,
      tpu.vector_store %arg15[%swap3A_650], %gather3A_649 {strides = array<i32>} : memref<128xf32, #tpu.memory_space<vmem>>, vector<16xf32>,
      %get3A_652 = arith.constant 2 : i32
      %get3A_653 = arith.constant 0 : i32
      %get3A_654 = tpu.memref_slice %arg14[%get3A_652, %get3A_653] : memref<4x128xi32, #tpu.memory_space<vmem>> -> memref<1x128xi32, #tpu.memory_space<vmem>>
      %get3A_655 = tpu.memref_squeeze %get3A_654 : memref<1x128xi32, #tpu.memory_space<vmem>> -> memref<128xi32, #tpu.memory_space<vmem>>
      %get3A_656 = arith.constant 96 : index
      %get3A_657 = tpu.vector_load %get3A_655[%get3A_656] {strides = array<i32>} : memref<128xi32, #tpu.memory_space<vmem>>, vector<16xi32>,
      %gather3A_658 = tpu.vector_load_idx %arg12[%get3A_657] : memref<10016xf32, #tpu.memory_space<vmem>>[vector<16xi32>], vector<16xf32>,
      %swap3A_659 = arith.constant 96 : index
      %swap3A_660 = tpu.vector_load %arg15[%swap3A_659] {strides = array<i32>} : memref<128xf32, #tpu.memory_space<vmem>>, vector<16xf32>,
      tpu.vector_store %arg15[%swap3A_659], %gather3A_658 {strides = array<i32>} : memref<128xf32, #tpu.memory_space<vmem>>, vector<16xf32>,
      %get3A_661 = arith.constant 2 : i32
      %get3A_662 = arith.constant 0 : i32
      %get3A_663 = tpu.memref_slice %arg14[%get3A_661, %get3A_662] : memref<4x128xi32, #tpu.memory_space<vmem>> -> memref<1x128xi32, #tpu.memory_space<vmem>>
      %get3A_664 = tpu.memref_squeeze %get3A_663 : memref<1x128xi32, #tpu.memory_space<vmem>> -> memref<128xi32, #tpu.memory_space<vmem>>
      %get3A_665 = arith.constant 112 : index
      %get3A_666 = tpu.vector_load %get3A_664[%get3A_665] {strides = array<i32>} : memref<128xi32, #tpu.memory_space<vmem>>, vector<16xi32>,
      %gather3A_667 = tpu.vector_load_idx %arg12[%get3A_666] : memref<10016xf32, #tpu.memory_space<vmem>>[vector<16xi32>], vector<16xf32>,
      %swap3A_668 = arith.constant 112 : index
      %swap3A_669 = tpu.vector_load %arg15[%swap3A_668] {strides = array<i32>} : memref<128xf32, #tpu.memory_space<vmem>>, vector<16xf32>,
      tpu.vector_store %arg15[%swap3A_668], %gather3A_667 {strides = array<i32>} : memref<128xf32, #tpu.memory_space<vmem>>, vector<16xf32>,
      %dma_start3A_670 = arith.constant 2 : i32
      %dma_start3A_671 = arith.constant 0 : i32
      %dma_start3A_672 = tpu.memref_slice %arg13[%dma_start3A_670, %dma_start3A_671] : memref<4x128xi32, #tpu.memory_space<vmem>> -> memref<1x128xi32, #tpu.memory_space<vmem>>
      %dma_start3A_673 = tpu.memref_squeeze %dma_start3A_672 : memref<1x128xi32, #tpu.memory_space<vmem>> -> memref<128xi32, #tpu.memory_space<vmem>>
      %dma_start3A_674 = arith.constant 0 : i32
      %dma_start3A_675 = tpu.memref_slice %arg11[%dma_start3A_674] : memref<10240xf32, #tpu.memory_space<vmem_shared>> -> memref<10240xf32, #tpu.memory_space<vmem_shared>>
      tpu.enqueue_indirect_dma source(%arg15 : memref<128xf32, #tpu.memory_space<vmem>>) target(%dma_start3A_675 : memref<10240xf32, #tpu.memory_space<vmem_shared>>) offsets(%dma_start3A_673 : memref<128xi32, #tpu.memory_space<vmem>>) semaphore(%arg25 : memref<!tpu.dma_semaphore, #tpu.memory_space<semaphore_mem>>) {add = true}
      %dma_wait3A_676 = arith.constant 0 : i32
      %dma_wait3A_677 = arith.constant 2 : i32
      %dma_wait3A_678 = arith.constant 0 : i32
      %dma_wait3A_679 = arith.constant 0 : i32
      %dma_wait3A_680 = tpu.memref_slice %arg16[%dma_wait3A_676, %dma_wait3A_678, %dma_wait3A_679] : memref<2x128x128xf32, #tpu.memory_space<vmem>> -> memref<1x64x128xf32, #tpu.memory_space<vmem>>
      %dma_wait3A_681 = tpu.memref_squeeze %dma_wait3A_680 : memref<1x64x128xf32, #tpu.memory_space<vmem>> -> memref<64x128xf32, #tpu.memory_space<vmem>>
      %dma_wait3A_682 = arith.constant 0 : i32
      %dma_wait3A_683 = tpu.memref_slice %arg14[%dma_wait3A_677, %dma_wait3A_682] : memref<4x128xi32, #tpu.memory_space<vmem>> -> memref<1x64xi32, #tpu.memory_space<vmem>>
      %dma_wait3A_684 = tpu.memref_squeeze %dma_wait3A_683 : memref<1x64xi32, #tpu.memory_space<vmem>> -> memref<64xi32, #tpu.memory_space<vmem>>
      %dma_wait3A_685 = arith.constant 0 : i32
      %dma_wait3A_686 = arith.constant 0 : i32
      %dma_wait3A_687 = tpu.memref_slice %arg10[%dma_wait3A_685, %dma_wait3A_686] : memref<10240x128xf32, #tpu.memory_space<vmem_shared>> -> memref<10240x128xf32, #tpu.memory_space<vmem_shared>>
      tpu.wait_indirect_dma semaphore(%arg19 : memref<!tpu.dma_semaphore, #tpu.memory_space<semaphore_mem>>) src(%dma_wait3A_681 : memref<64x128xf32, #tpu.memory_space<vmem>>) dst(%dma_wait3A_687 : memref<10240x128xf32, #tpu.memory_space<vmem_shared>>)
      %dma_wait3A_688 = arith.constant 0 : i32
      %dma_wait3A_689 = arith.constant 2 : i32
      %dma_wait3A_690 = arith.constant 64 : i32
      %dma_wait3A_691 = arith.constant 0 : i32
      %dma_wait3A_692 = tpu.memref_slice %arg16[%dma_wait3A_688, %dma_wait3A_690, %dma_wait3A_691] : memref<2x128x128xf32, #tpu.memory_space<vmem>> -> memref<1x64x128xf32, #tpu.memory_space<vmem>>
      %dma_wait3A_693 = tpu.memref_squeeze %dma_wait3A_692 : memref<1x64x128xf32, #tpu.memory_space<vmem>> -> memref<64x128xf32, #tpu.memory_space<vmem>>
      %dma_wait3A_694 = arith.constant 64 : i32
      %dma_wait3A_695 = tpu.memref_slice %arg14[%dma_wait3A_689, %dma_wait3A_694] : memref<4x128xi32, #tpu.memory_space<vmem>> -> memref<1x64xi32, #tpu.memory_space<vmem>>
      %dma_wait3A_696 = tpu.memref_squeeze %dma_wait3A_695 : memref<1x64xi32, #tpu.memory_space<vmem>> -> memref<64xi32, #tpu.memory_space<vmem>>
      %dma_wait3A_697 = arith.constant 0 : i32
      %dma_wait3A_698 = arith.constant 0 : i32
      %dma_wait3A_699 = tpu.memref_slice %arg10[%dma_wait3A_697, %dma_wait3A_698] : memref<10240x128xf32, #tpu.memory_space<vmem_shared>> -> memref<10240x128xf32, #tpu.memory_space<vmem_shared>>
      tpu.wait_indirect_dma semaphore(%arg19 : memref<!tpu.dma_semaphore, #tpu.memory_space<semaphore_mem>>) src(%dma_wait3A_693 : memref<64x128xf32, #tpu.memory_space<vmem>>) dst(%dma_wait3A_699 : memref<10240x128xf32, #tpu.memory_space<vmem_shared>>)
      %add3A_700 = arith.constant 2 : i32
      %add3A_701 = arith.addi %add3A_549, %add3A_700 : i32
      %lt3A_702 = arith.constant 80 : i32
      %lt3A_703 = arith.cmpi slt, %add3A_701, %lt3A_702 : i32
      %convert_element_type3A_704 = arith.extui %lt3A_703 : i1 to i32
      %cond3A_705 = arith.constant 0 : i32
      %cond3A_706 = arith.cmpi ne, %convert_element_type3A_704, %cond3A_705 : i32
      scf.if %cond3A_706 {
        %add3A_894 = arith.constant 2 : i32
        %add3A_895 = arith.addi %add3A_549, %add3A_894 : i32
        %mul3A_896 = arith.constant 128 : i32
        %mul3A_897 = arith.muli %add3A_895, %mul3A_896 : i32
        %add3A_898 = arith.addi %mul3A_2, %mul3A_897 : i32
        %dma_wait3A_899 = arith.constant 0 : i32
        %dma_wait3A_900 = arith.constant 0 : i32
        %dma_wait3A_901 = tpu.memref_slice %arg13[%dma_wait3A_899, %dma_wait3A_900] : memref<4x128xi32, #tpu.memory_space<vmem>> -> memref<1x128xi32, #tpu.memory_space<vmem>>
        %dma_wait3A_902 = tpu.memref_squeeze %dma_wait3A_901 : memref<1x128xi32, #tpu.memory_space<vmem>> -> memref<128xi32, #tpu.memory_space<vmem>>
        %dma_wait3A_903 = tpu.memref_slice %arg2[%add3A_898] : memref<327680xi32, #tpu.memory_space<hbm>> -> memref<128xi32, #tpu.memory_space<hbm>>
        %dma_wait3A_904 = arith.constant 0 : i32
        %dma_wait3A_905 = tpu.memref_slice %arg13[%dma_wait3A_899, %dma_wait3A_904] : memref<4x128xi32, #tpu.memory_space<vmem>> -> memref<1x128xi32, #tpu.memory_space<vmem>>
        %dma_wait3A_906 = tpu.memref_squeeze %dma_wait3A_905 : memref<1x128xi32, #tpu.memory_space<vmem>> -> memref<128xi32, #tpu.memory_space<vmem>>
        %dma_wait3A_907 = tpu.memref_slice %arg2[%add3A_898] : memref<327680xi32, #tpu.memory_space<hbm>> -> memref<128xi32, #tpu.memory_space<hbm>>
        tpu.wait_dma2 semaphore(%arg21 : memref<!tpu.dma_semaphore, #tpu.memory_space<semaphore_mem>>) src(%dma_wait3A_907 : memref<128xi32, #tpu.memory_space<hbm>>) dst(%dma_wait3A_906 : memref<128xi32, #tpu.memory_space<vmem>>)
        %mul3A_908 = arith.constant 128 : i32
        %mul3A_909 = arith.muli %add3A_895, %mul3A_908 : i32
        %add3A_910 = arith.addi %mul3A_2, %mul3A_909 : i32
        %dma_wait3A_911 = arith.constant 0 : i32
        %dma_wait3A_912 = arith.constant 0 : i32
        %dma_wait3A_913 = tpu.memref_slice %arg14[%dma_wait3A_911, %dma_wait3A_912] : memref<4x128xi32, #tpu.memory_space<vmem>> -> memref<1x128xi32, #tpu.memory_space<vmem>>
        %dma_wait3A_914 = tpu.memref_squeeze %dma_wait3A_913 : memref<1x128xi32, #tpu.memory_space<vmem>> -> memref<128xi32, #tpu.memory_space<vmem>>
        %dma_wait3A_915 = tpu.memref_slice %arg3[%add3A_910] : memref<327680xi32, #tpu.memory_space<hbm>> -> memref<128xi32, #tpu.memory_space<hbm>>
        %dma_wait3A_916 = arith.constant 0 : i32
        %dma_wait3A_917 = tpu.memref_slice %arg14[%dma_wait3A_911, %dma_wait3A_916] : memref<4x128xi32, #tpu.memory_space<vmem>> -> memref<1x128xi32, #tpu.memory_space<vmem>>
        %dma_wait3A_918 = tpu.memref_squeeze %dma_wait3A_917 : memref<1x128xi32, #tpu.memory_space<vmem>> -> memref<128xi32, #tpu.memory_space<vmem>>
        %dma_wait3A_919 = tpu.memref_slice %arg3[%add3A_910] : memref<327680xi32, #tpu.memory_space<hbm>> -> memref<128xi32, #tpu.memory_space<hbm>>
        tpu.wait_dma2 semaphore(%arg21 : memref<!tpu.dma_semaphore, #tpu.memory_space<semaphore_mem>>) src(%dma_wait3A_919 : memref<128xi32, #tpu.memory_space<hbm>>) dst(%dma_wait3A_918 : memref<128xi32, #tpu.memory_space<vmem>>)
        %dma_start3A_920 = arith.constant 0 : i32
        %dma_start3A_921 = arith.constant 0 : i32
        %dma_start3A_922 = arith.constant 0 : i32
        %dma_start3A_923 = arith.constant 0 : i32
        %dma_start3A_924 = tpu.memref_slice %arg16[%dma_start3A_921, %dma_start3A_922, %dma_start3A_923] : memref<2x128x128xf32, #tpu.memory_space<vmem>> -> memref<1x64x128xf32, #tpu.memory_space<vmem>>
        %dma_start3A_925 = tpu.memref_squeeze %dma_start3A_924 : memref<1x64x128xf32, #tpu.memory_space<vmem>> -> memref<64x128xf32, #tpu.memory_space<vmem>>
        %dma_start3A_926 = arith.constant 0 : i32
        %dma_start3A_927 = tpu.memref_slice %arg13[%dma_start3A_920, %dma_start3A_926] : memref<4x128xi32, #tpu.memory_space<vmem>> -> memref<1x64xi32, #tpu.memory_space<vmem>>
        %dma_start3A_928 = tpu.memref_squeeze %dma_start3A_927 : memref<1x64xi32, #tpu.memory_space<vmem>> -> memref<64xi32, #tpu.memory_space<vmem>>
        %dma_start3A_929 = arith.constant 0 : i32
        %dma_start3A_930 = arith.constant 0 : i32
        %dma_start3A_931 = tpu.memref_slice %arg5[%dma_start3A_929, %dma_start3A_930] : memref<10000x128xf32, #tpu.memory_space<hbm>> -> memref<10000x128xf32, #tpu.memory_space<hbm>>
        tpu.enqueue_indirect_dma source(%dma_start3A_931 : memref<10000x128xf32, #tpu.memory_space<hbm>>) target(%dma_start3A_925 : memref<64x128xf32, #tpu.memory_space<vmem>>) offsets(%dma_start3A_928 : memref<64xi32, #tpu.memory_space<vmem>>) semaphore(%arg17 : memref<!tpu.dma_semaphore, #tpu.memory_space<semaphore_mem>>)
        %dma_start3A_932 = arith.constant 0 : i32
        %dma_start3A_933 = arith.constant 0 : i32
        %dma_start3A_934 = arith.constant 64 : i32
        %dma_start3A_935 = arith.constant 0 : i32
        %dma_start3A_936 = tpu.memref_slice %arg16[%dma_start3A_933, %dma_start3A_934, %dma_start3A_935] : memref<2x128x128xf32, #tpu.memory_space<vmem>> -> memref<1x64x128xf32, #tpu.memory_space<vmem>>
        %dma_start3A_937 = tpu.memref_squeeze %dma_start3A_936 : memref<1x64x128xf32, #tpu.memory_space<vmem>> -> memref<64x128xf32, #tpu.memory_space<vmem>>
        %dma_start3A_938 = arith.constant 64 : i32
        %dma_start3A_939 = tpu.memref_slice %arg13[%dma_start3A_932, %dma_start3A_938] : memref<4x128xi32, #tpu.memory_space<vmem>> -> memref<1x64xi32, #tpu.memory_space<vmem>>
        %dma_start3A_940 = tpu.memref_squeeze %dma_start3A_939 : memref<1x64xi32, #tpu.memory_space<vmem>> -> memref<64xi32, #tpu.memory_space<vmem>>
        %dma_start3A_941 = arith.constant 0 : i32
        %dma_start3A_942 = arith.constant 0 : i32
        %dma_start3A_943 = tpu.memref_slice %arg5[%dma_start3A_941, %dma_start3A_942] : memref<10000x128xf32, #tpu.memory_space<hbm>> -> memref<10000x128xf32, #tpu.memory_space<hbm>>
        tpu.enqueue_indirect_dma source(%dma_start3A_943 : memref<10000x128xf32, #tpu.memory_space<hbm>>) target(%dma_start3A_937 : memref<64x128xf32, #tpu.memory_space<vmem>>) offsets(%dma_start3A_940 : memref<64xi32, #tpu.memory_space<vmem>>) semaphore(%arg17 : memref<!tpu.dma_semaphore, #tpu.memory_space<semaphore_mem>>)
      } else {
      }
      %dma_wait3A_707 = arith.constant 2 : i32
      %dma_wait3A_708 = arith.constant 0 : i32
      %dma_wait3A_709 = tpu.memref_slice %arg13[%dma_wait3A_707, %dma_wait3A_708] : memref<4x128xi32, #tpu.memory_space<vmem>> -> memref<1x128xi32, #tpu.memory_space<vmem>>
      %dma_wait3A_710 = tpu.memref_squeeze %dma_wait3A_709 : memref<1x128xi32, #tpu.memory_space<vmem>> -> memref<128xi32, #tpu.memory_space<vmem>>
      %dma_wait3A_711 = arith.constant 0 : i32
      %dma_wait3A_712 = tpu.memref_slice %arg11[%dma_wait3A_711] : memref<10240xf32, #tpu.memory_space<vmem_shared>> -> memref<10240xf32, #tpu.memory_space<vmem_shared>>
      tpu.wait_indirect_dma semaphore(%arg25 : memref<!tpu.dma_semaphore, #tpu.memory_space<semaphore_mem>>) src(%arg15 : memref<128xf32, #tpu.memory_space<vmem>>) dst(%dma_wait3A_712 : memref<10240xf32, #tpu.memory_space<vmem_shared>>)
      %add3A_713 = arith.constant 4 : i32
      %add3A_714 = arith.addi %add3A_549, %add3A_713 : i32
      %lt3A_715 = arith.constant 80 : i32
      %lt3A_716 = arith.cmpi slt, %add3A_714, %lt3A_715 : i32
      %convert_element_type3A_717 = arith.extui %lt3A_716 : i1 to i32
      %cond3A_718 = arith.constant 0 : i32
      %cond3A_719 = arith.cmpi ne, %convert_element_type3A_717, %cond3A_718 : i32
      scf.if %cond3A_719 {
        %add3A_894 = arith.constant 4 : i32
        %add3A_895 = arith.addi %add3A_549, %add3A_894 : i32
        %mul3A_896 = arith.constant 128 : i32
        %mul3A_897 = arith.muli %add3A_895, %mul3A_896 : i32
        %add3A_898 = arith.addi %mul3A_2, %mul3A_897 : i32
        %dma_start3A_899 = arith.constant 2 : i32
        %dma_start3A_900 = arith.constant 0 : i32
        %dma_start3A_901 = tpu.memref_slice %arg13[%dma_start3A_899, %dma_start3A_900] : memref<4x128xi32, #tpu.memory_space<vmem>> -> memref<1x128xi32, #tpu.memory_space<vmem>>
        %dma_start3A_902 = tpu.memref_squeeze %dma_start3A_901 : memref<1x128xi32, #tpu.memory_space<vmem>> -> memref<128xi32, #tpu.memory_space<vmem>>
        %dma_start3A_903 = tpu.memref_slice %arg2[%add3A_898] : memref<327680xi32, #tpu.memory_space<hbm>> -> memref<128xi32, #tpu.memory_space<hbm>>
        %dma_start3A_904 = arith.constant 0 : i32
        %dma_start3A_905 = tpu.memref_slice %arg13[%dma_start3A_899, %dma_start3A_904] : memref<4x128xi32, #tpu.memory_space<vmem>> -> memref<1x128xi32, #tpu.memory_space<vmem>>
        %dma_start3A_906 = tpu.memref_squeeze %dma_start3A_905 : memref<1x128xi32, #tpu.memory_space<vmem>> -> memref<128xi32, #tpu.memory_space<vmem>>
        %dma_start3A_907 = tpu.memref_slice %arg2[%add3A_898] : memref<327680xi32, #tpu.memory_space<hbm>> -> memref<128xi32, #tpu.memory_space<hbm>>
        tpu.enqueue_dma source(%dma_start3A_907 : memref<128xi32, #tpu.memory_space<hbm>>) target(%dma_start3A_906 : memref<128xi32, #tpu.memory_space<vmem>>) target_semaphore(%arg23 : memref<!tpu.dma_semaphore, #tpu.memory_space<semaphore_mem>>)
        %mul3A_908 = arith.constant 128 : i32
        %mul3A_909 = arith.muli %add3A_895, %mul3A_908 : i32
        %add3A_910 = arith.addi %mul3A_2, %mul3A_909 : i32
        %dma_start3A_911 = arith.constant 2 : i32
        %dma_start3A_912 = arith.constant 0 : i32
        %dma_start3A_913 = tpu.memref_slice %arg14[%dma_start3A_911, %dma_start3A_912] : memref<4x128xi32, #tpu.memory_space<vmem>> -> memref<1x128xi32, #tpu.memory_space<vmem>>
        %dma_start3A_914 = tpu.memref_squeeze %dma_start3A_913 : memref<1x128xi32, #tpu.memory_space<vmem>> -> memref<128xi32, #tpu.memory_space<vmem>>
        %dma_start3A_915 = tpu.memref_slice %arg3[%add3A_910] : memref<327680xi32, #tpu.memory_space<hbm>> -> memref<128xi32, #tpu.memory_space<hbm>>
        %dma_start3A_916 = arith.constant 0 : i32
        %dma_start3A_917 = tpu.memref_slice %arg14[%dma_start3A_911, %dma_start3A_916] : memref<4x128xi32, #tpu.memory_space<vmem>> -> memref<1x128xi32, #tpu.memory_space<vmem>>
        %dma_start3A_918 = tpu.memref_squeeze %dma_start3A_917 : memref<1x128xi32, #tpu.memory_space<vmem>> -> memref<128xi32, #tpu.memory_space<vmem>>
        %dma_start3A_919 = tpu.memref_slice %arg3[%add3A_910] : memref<327680xi32, #tpu.memory_space<hbm>> -> memref<128xi32, #tpu.memory_space<hbm>>
        tpu.enqueue_dma source(%dma_start3A_919 : memref<128xi32, #tpu.memory_space<hbm>>) target(%dma_start3A_918 : memref<128xi32, #tpu.memory_space<vmem>>) target_semaphore(%arg23 : memref<!tpu.dma_semaphore, #tpu.memory_space<semaphore_mem>>)
      } else {
      }
      %mul3A_720 = arith.constant 4 : i32
      %mul3A_721 = arith.muli %scan3A_203, %mul3A_720 : i32
      %add3A_722 = arith.constant 3 : i32
      %add3A_723 = arith.addi %mul3A_721, %add3A_722 : i32
      %dma_wait3A_724 = arith.constant 3 : i32
      %dma_wait3A_725 = arith.constant 1 : i32
      %dma_wait3A_726 = arith.constant 0 : i32
      %dma_wait3A_727 = arith.constant 0 : i32
      %dma_wait3A_728 = tpu.memref_slice %arg16[%dma_wait3A_725, %dma_wait3A_726, %dma_wait3A_727] : memref<2x128x128xf32, #tpu.memory_space<vmem>> -> memref<1x64x128xf32, #tpu.memory_space<vmem>>
      %dma_wait3A_729 = tpu.memref_squeeze %dma_wait3A_728 : memref<1x64x128xf32, #tpu.memory_space<vmem>> -> memref<64x128xf32, #tpu.memory_space<vmem>>
      %dma_wait3A_730 = arith.constant 0 : i32
      %dma_wait3A_731 = tpu.memref_slice %arg13[%dma_wait3A_724, %dma_wait3A_730] : memref<4x128xi32, #tpu.memory_space<vmem>> -> memref<1x64xi32, #tpu.memory_space<vmem>>
      %dma_wait3A_732 = tpu.memref_squeeze %dma_wait3A_731 : memref<1x64xi32, #tpu.memory_space<vmem>> -> memref<64xi32, #tpu.memory_space<vmem>>
      %dma_wait3A_733 = arith.constant 0 : i32
      %dma_wait3A_734 = arith.constant 0 : i32
      %dma_wait3A_735 = tpu.memref_slice %arg5[%dma_wait3A_733, %dma_wait3A_734] : memref<10000x128xf32, #tpu.memory_space<hbm>> -> memref<10000x128xf32, #tpu.memory_space<hbm>>
      tpu.wait_indirect_dma semaphore(%arg18 : memref<!tpu.dma_semaphore, #tpu.memory_space<semaphore_mem>>) src(%dma_wait3A_735 : memref<10000x128xf32, #tpu.memory_space<hbm>>) dst(%dma_wait3A_729 : memref<64x128xf32, #tpu.memory_space<vmem>>)
      %dma_wait3A_736 = arith.constant 3 : i32
      %dma_wait3A_737 = arith.constant 1 : i32
      %dma_wait3A_738 = arith.constant 64 : i32
      %dma_wait3A_739 = arith.constant 0 : i32
      %dma_wait3A_740 = tpu.memref_slice %arg16[%dma_wait3A_737, %dma_wait3A_738, %dma_wait3A_739] : memref<2x128x128xf32, #tpu.memory_space<vmem>> -> memref<1x64x128xf32, #tpu.memory_space<vmem>>
      %dma_wait3A_741 = tpu.memref_squeeze %dma_wait3A_740 : memref<1x64x128xf32, #tpu.memory_space<vmem>> -> memref<64x128xf32, #tpu.memory_space<vmem>>
      %dma_wait3A_742 = arith.constant 64 : i32
      %dma_wait3A_743 = tpu.memref_slice %arg13[%dma_wait3A_736, %dma_wait3A_742] : memref<4x128xi32, #tpu.memory_space<vmem>> -> memref<1x64xi32, #tpu.memory_space<vmem>>
      %dma_wait3A_744 = tpu.memref_squeeze %dma_wait3A_743 : memref<1x64xi32, #tpu.memory_space<vmem>> -> memref<64xi32, #tpu.memory_space<vmem>>
      %dma_wait3A_745 = arith.constant 0 : i32
      %dma_wait3A_746 = arith.constant 0 : i32
      %dma_wait3A_747 = tpu.memref_slice %arg5[%dma_wait3A_745, %dma_wait3A_746] : memref<10000x128xf32, #tpu.memory_space<hbm>> -> memref<10000x128xf32, #tpu.memory_space<hbm>>
      tpu.wait_indirect_dma semaphore(%arg18 : memref<!tpu.dma_semaphore, #tpu.memory_space<semaphore_mem>>) src(%dma_wait3A_747 : memref<10000x128xf32, #tpu.memory_space<hbm>>) dst(%dma_wait3A_741 : memref<64x128xf32, #tpu.memory_space<vmem>>)
      %dma_start3A_748 = arith.constant 1 : i32
      %dma_start3A_749 = arith.constant 3 : i32
      %dma_start3A_750 = arith.constant 0 : i32
      %dma_start3A_751 = arith.constant 0 : i32
      %dma_start3A_752 = tpu.memref_slice %arg16[%dma_start3A_748, %dma_start3A_750, %dma_start3A_751] : memref<2x128x128xf32, #tpu.memory_space<vmem>> -> memref<1x64x128xf32, #tpu.memory_space<vmem>>
      %dma_start3A_753 = tpu.memref_squeeze %dma_start3A_752 : memref<1x64x128xf32, #tpu.memory_space<vmem>> -> memref<64x128xf32, #tpu.memory_space<vmem>>
      %dma_start3A_754 = arith.constant 0 : i32
      %dma_start3A_755 = tpu.memref_slice %arg14[%dma_start3A_749, %dma_start3A_754] : memref<4x128xi32, #tpu.memory_space<vmem>> -> memref<1x64xi32, #tpu.memory_space<vmem>>
      %dma_start3A_756 = tpu.memref_squeeze %dma_start3A_755 : memref<1x64xi32, #tpu.memory_space<vmem>> -> memref<64xi32, #tpu.memory_space<vmem>>
      %dma_start3A_757 = arith.constant 0 : i32
      %dma_start3A_758 = arith.constant 0 : i32
      %dma_start3A_759 = tpu.memref_slice %arg10[%dma_start3A_757, %dma_start3A_758] : memref<10240x128xf32, #tpu.memory_space<vmem_shared>> -> memref<10240x128xf32, #tpu.memory_space<vmem_shared>>
      tpu.enqueue_indirect_dma source(%dma_start3A_753 : memref<64x128xf32, #tpu.memory_space<vmem>>) target(%dma_start3A_759 : memref<10240x128xf32, #tpu.memory_space<vmem_shared>>) offsets(%dma_start3A_756 : memref<64xi32, #tpu.memory_space<vmem>>) semaphore(%arg20 : memref<!tpu.dma_semaphore, #tpu.memory_space<semaphore_mem>>) {add = true}
      %dma_start3A_760 = arith.constant 1 : i32
      %dma_start3A_761 = arith.constant 3 : i32
      %dma_start3A_762 = arith.constant 64 : i32
      %dma_start3A_763 = arith.constant 0 : i32
      %dma_start3A_764 = tpu.memref_slice %arg16[%dma_start3A_760, %dma_start3A_762, %dma_start3A_763] : memref<2x128x128xf32, #tpu.memory_space<vmem>> -> memref<1x64x128xf32, #tpu.memory_space<vmem>>
      %dma_start3A_765 = tpu.memref_squeeze %dma_start3A_764 : memref<1x64x128xf32, #tpu.memory_space<vmem>> -> memref<64x128xf32, #tpu.memory_space<vmem>>
      %dma_start3A_766 = arith.constant 64 : i32
      %dma_start3A_767 = tpu.memref_slice %arg14[%dma_start3A_761, %dma_start3A_766] : memref<4x128xi32, #tpu.memory_space<vmem>> -> memref<1x64xi32, #tpu.memory_space<vmem>>
      %dma_start3A_768 = tpu.memref_squeeze %dma_start3A_767 : memref<1x64xi32, #tpu.memory_space<vmem>> -> memref<64xi32, #tpu.memory_space<vmem>>
      %dma_start3A_769 = arith.constant 0 : i32
      %dma_start3A_770 = arith.constant 0 : i32
      %dma_start3A_771 = tpu.memref_slice %arg10[%dma_start3A_769, %dma_start3A_770] : memref<10240x128xf32, #tpu.memory_space<vmem_shared>> -> memref<10240x128xf32, #tpu.memory_space<vmem_shared>>
      tpu.enqueue_indirect_dma source(%dma_start3A_765 : memref<64x128xf32, #tpu.memory_space<vmem>>) target(%dma_start3A_771 : memref<10240x128xf32, #tpu.memory_space<vmem_shared>>) offsets(%dma_start3A_768 : memref<64xi32, #tpu.memory_space<vmem>>) semaphore(%arg20 : memref<!tpu.dma_semaphore, #tpu.memory_space<semaphore_mem>>) {add = true}
      %get3A_772 = arith.constant 3 : i32
      %get3A_773 = arith.constant 0 : i32
      %get3A_774 = tpu.memref_slice %arg14[%get3A_772, %get3A_773] : memref<4x128xi32, #tpu.memory_space<vmem>> -> memref<1x128xi32, #tpu.memory_space<vmem>>
      %get3A_775 = tpu.memref_squeeze %get3A_774 : memref<1x128xi32, #tpu.memory_space<vmem>> -> memref<128xi32, #tpu.memory_space<vmem>>
      %get3A_776 = arith.constant 0 : index
      %get3A_777 = tpu.vector_load %get3A_775[%get3A_776] {strides = array<i32>} : memref<128xi32, #tpu.memory_space<vmem>>, vector<16xi32>,
      %gather3A_778 = tpu.vector_load_idx %arg12[%get3A_777] : memref<10016xf32, #tpu.memory_space<vmem>>[vector<16xi32>], vector<16xf32>,
      %swap3A_779 = arith.constant 0 : index
      %swap3A_780 = tpu.vector_load %arg15[%swap3A_779] {strides = array<i32>} : memref<128xf32, #tpu.memory_space<vmem>>, vector<16xf32>,
      tpu.vector_store %arg15[%swap3A_779], %gather3A_778 {strides = array<i32>} : memref<128xf32, #tpu.memory_space<vmem>>, vector<16xf32>,
      %get3A_781 = arith.constant 3 : i32
      %get3A_782 = arith.constant 0 : i32
      %get3A_783 = tpu.memref_slice %arg14[%get3A_781, %get3A_782] : memref<4x128xi32, #tpu.memory_space<vmem>> -> memref<1x128xi32, #tpu.memory_space<vmem>>
      %get3A_784 = tpu.memref_squeeze %get3A_783 : memref<1x128xi32, #tpu.memory_space<vmem>> -> memref<128xi32, #tpu.memory_space<vmem>>
      %get3A_785 = arith.constant 16 : index
      %get3A_786 = tpu.vector_load %get3A_784[%get3A_785] {strides = array<i32>} : memref<128xi32, #tpu.memory_space<vmem>>, vector<16xi32>,
      %gather3A_787 = tpu.vector_load_idx %arg12[%get3A_786] : memref<10016xf32, #tpu.memory_space<vmem>>[vector<16xi32>], vector<16xf32>,
      %swap3A_788 = arith.constant 16 : index
      %swap3A_789 = tpu.vector_load %arg15[%swap3A_788] {strides = array<i32>} : memref<128xf32, #tpu.memory_space<vmem>>, vector<16xf32>,
      tpu.vector_store %arg15[%swap3A_788], %gather3A_787 {strides = array<i32>} : memref<128xf32, #tpu.memory_space<vmem>>, vector<16xf32>,
      %get3A_790 = arith.constant 3 : i32
      %get3A_791 = arith.constant 0 : i32
      %get3A_792 = tpu.memref_slice %arg14[%get3A_790, %get3A_791] : memref<4x128xi32, #tpu.memory_space<vmem>> -> memref<1x128xi32, #tpu.memory_space<vmem>>
      %get3A_793 = tpu.memref_squeeze %get3A_792 : memref<1x128xi32, #tpu.memory_space<vmem>> -> memref<128xi32, #tpu.memory_space<vmem>>
      %get3A_794 = arith.constant 32 : index
      %get3A_795 = tpu.vector_load %get3A_793[%get3A_794] {strides = array<i32>} : memref<128xi32, #tpu.memory_space<vmem>>, vector<16xi32>,
      %gather3A_796 = tpu.vector_load_idx %arg12[%get3A_795] : memref<10016xf32, #tpu.memory_space<vmem>>[vector<16xi32>], vector<16xf32>,
      %swap3A_797 = arith.constant 32 : index
      %swap3A_798 = tpu.vector_load %arg15[%swap3A_797] {strides = array<i32>} : memref<128xf32, #tpu.memory_space<vmem>>, vector<16xf32>,
      tpu.vector_store %arg15[%swap3A_797], %gather3A_796 {strides = array<i32>} : memref<128xf32, #tpu.memory_space<vmem>>, vector<16xf32>,
      %get3A_799 = arith.constant 3 : i32
      %get3A_800 = arith.constant 0 : i32
      %get3A_801 = tpu.memref_slice %arg14[%get3A_799, %get3A_800] : memref<4x128xi32, #tpu.memory_space<vmem>> -> memref<1x128xi32, #tpu.memory_space<vmem>>
      %get3A_802 = tpu.memref_squeeze %get3A_801 : memref<1x128xi32, #tpu.memory_space<vmem>> -> memref<128xi32, #tpu.memory_space<vmem>>
      %get3A_803 = arith.constant 48 : index
      %get3A_804 = tpu.vector_load %get3A_802[%get3A_803] {strides = array<i32>} : memref<128xi32, #tpu.memory_space<vmem>>, vector<16xi32>,
      %gather3A_805 = tpu.vector_load_idx %arg12[%get3A_804] : memref<10016xf32, #tpu.memory_space<vmem>>[vector<16xi32>], vector<16xf32>,
      %swap3A_806 = arith.constant 48 : index
      %swap3A_807 = tpu.vector_load %arg15[%swap3A_806] {strides = array<i32>} : memref<128xf32, #tpu.memory_space<vmem>>, vector<16xf32>,
      tpu.vector_store %arg15[%swap3A_806], %gather3A_805 {strides = array<i32>} : memref<128xf32, #tpu.memory_space<vmem>>, vector<16xf32>,
      %get3A_808 = arith.constant 3 : i32
      %get3A_809 = arith.constant 0 : i32
      %get3A_810 = tpu.memref_slice %arg14[%get3A_808, %get3A_809] : memref<4x128xi32, #tpu.memory_space<vmem>> -> memref<1x128xi32, #tpu.memory_space<vmem>>
      %get3A_811 = tpu.memref_squeeze %get3A_810 : memref<1x128xi32, #tpu.memory_space<vmem>> -> memref<128xi32, #tpu.memory_space<vmem>>
      %get3A_812 = arith.constant 64 : index
      %get3A_813 = tpu.vector_load %get3A_811[%get3A_812] {strides = array<i32>} : memref<128xi32, #tpu.memory_space<vmem>>, vector<16xi32>,
      %gather3A_814 = tpu.vector_load_idx %arg12[%get3A_813] : memref<10016xf32, #tpu.memory_space<vmem>>[vector<16xi32>], vector<16xf32>,
      %swap3A_815 = arith.constant 64 : index
      %swap3A_816 = tpu.vector_load %arg15[%swap3A_815] {strides = array<i32>} : memref<128xf32, #tpu.memory_space<vmem>>, vector<16xf32>,
      tpu.vector_store %arg15[%swap3A_815], %gather3A_814 {strides = array<i32>} : memref<128xf32, #tpu.memory_space<vmem>>, vector<16xf32>,
      %get3A_817 = arith.constant 3 : i32
      %get3A_818 = arith.constant 0 : i32
      %get3A_819 = tpu.memref_slice %arg14[%get3A_817, %get3A_818] : memref<4x128xi32, #tpu.memory_space<vmem>> -> memref<1x128xi32, #tpu.memory_space<vmem>>
      %get3A_820 = tpu.memref_squeeze %get3A_819 : memref<1x128xi32, #tpu.memory_space<vmem>> -> memref<128xi32, #tpu.memory_space<vmem>>
      %get3A_821 = arith.constant 80 : index
      %get3A_822 = tpu.vector_load %get3A_820[%get3A_821] {strides = array<i32>} : memref<128xi32, #tpu.memory_space<vmem>>, vector<16xi32>,
      %gather3A_823 = tpu.vector_load_idx %arg12[%get3A_822] : memref<10016xf32, #tpu.memory_space<vmem>>[vector<16xi32>], vector<16xf32>,
      %swap3A_824 = arith.constant 80 : index
      %swap3A_825 = tpu.vector_load %arg15[%swap3A_824] {strides = array<i32>} : memref<128xf32, #tpu.memory_space<vmem>>, vector<16xf32>,
      tpu.vector_store %arg15[%swap3A_824], %gather3A_823 {strides = array<i32>} : memref<128xf32, #tpu.memory_space<vmem>>, vector<16xf32>,
      %get3A_826 = arith.constant 3 : i32
      %get3A_827 = arith.constant 0 : i32
      %get3A_828 = tpu.memref_slice %arg14[%get3A_826, %get3A_827] : memref<4x128xi32, #tpu.memory_space<vmem>> -> memref<1x128xi32, #tpu.memory_space<vmem>>
      %get3A_829 = tpu.memref_squeeze %get3A_828 : memref<1x128xi32, #tpu.memory_space<vmem>> -> memref<128xi32, #tpu.memory_space<vmem>>
      %get3A_830 = arith.constant 96 : index
      %get3A_831 = tpu.vector_load %get3A_829[%get3A_830] {strides = array<i32>} : memref<128xi32, #tpu.memory_space<vmem>>, vector<16xi32>,
      %gather3A_832 = tpu.vector_load_idx %arg12[%get3A_831] : memref<10016xf32, #tpu.memory_space<vmem>>[vector<16xi32>], vector<16xf32>,
      %swap3A_833 = arith.constant 96 : index
      %swap3A_834 = tpu.vector_load %arg15[%swap3A_833] {strides = array<i32>} : memref<128xf32, #tpu.memory_space<vmem>>, vector<16xf32>,
      tpu.vector_store %arg15[%swap3A_833], %gather3A_832 {strides = array<i32>} : memref<128xf32, #tpu.memory_space<vmem>>, vector<16xf32>,
      %get3A_835 = arith.constant 3 : i32
      %get3A_836 = arith.constant 0 : i32
      %get3A_837 = tpu.memref_slice %arg14[%get3A_835, %get3A_836] : memref<4x128xi32, #tpu.memory_space<vmem>> -> memref<1x128xi32, #tpu.memory_space<vmem>>
      %get3A_838 = tpu.memref_squeeze %get3A_837 : memref<1x128xi32, #tpu.memory_space<vmem>> -> memref<128xi32, #tpu.memory_space<vmem>>
      %get3A_839 = arith.constant 112 : index
      %get3A_840 = tpu.vector_load %get3A_838[%get3A_839] {strides = array<i32>} : memref<128xi32, #tpu.memory_space<vmem>>, vector<16xi32>,
      %gather3A_841 = tpu.vector_load_idx %arg12[%get3A_840] : memref<10016xf32, #tpu.memory_space<vmem>>[vector<16xi32>], vector<16xf32>,
      %swap3A_842 = arith.constant 112 : index
      %swap3A_843 = tpu.vector_load %arg15[%swap3A_842] {strides = array<i32>} : memref<128xf32, #tpu.memory_space<vmem>>, vector<16xf32>,
      tpu.vector_store %arg15[%swap3A_842], %gather3A_841 {strides = array<i32>} : memref<128xf32, #tpu.memory_space<vmem>>, vector<16xf32>,
      %dma_start3A_844 = arith.constant 3 : i32
      %dma_start3A_845 = arith.constant 0 : i32
      %dma_start3A_846 = tpu.memref_slice %arg13[%dma_start3A_844, %dma_start3A_845] : memref<4x128xi32, #tpu.memory_space<vmem>> -> memref<1x128xi32, #tpu.memory_space<vmem>>
      %dma_start3A_847 = tpu.memref_squeeze %dma_start3A_846 : memref<1x128xi32, #tpu.memory_space<vmem>> -> memref<128xi32, #tpu.memory_space<vmem>>
      %dma_start3A_848 = arith.constant 0 : i32
      %dma_start3A_849 = tpu.memref_slice %arg11[%dma_start3A_848] : memref<10240xf32, #tpu.memory_space<vmem_shared>> -> memref<10240xf32, #tpu.memory_space<vmem_shared>>
      tpu.enqueue_indirect_dma source(%arg15 : memref<128xf32, #tpu.memory_space<vmem>>) target(%dma_start3A_849 : memref<10240xf32, #tpu.memory_space<vmem_shared>>) offsets(%dma_start3A_847 : memref<128xi32, #tpu.memory_space<vmem>>) semaphore(%arg25 : memref<!tpu.dma_semaphore, #tpu.memory_space<semaphore_mem>>) {add = true}
      %dma_wait3A_850 = arith.constant 1 : i32
      %dma_wait3A_851 = arith.constant 3 : i32
      %dma_wait3A_852 = arith.constant 0 : i32
      %dma_wait3A_853 = arith.constant 0 : i32
      %dma_wait3A_854 = tpu.memref_slice %arg16[%dma_wait3A_850, %dma_wait3A_852, %dma_wait3A_853] : memref<2x128x128xf32, #tpu.memory_space<vmem>> -> memref<1x64x128xf32, #tpu.memory_space<vmem>>
      %dma_wait3A_855 = tpu.memref_squeeze %dma_wait3A_854 : memref<1x64x128xf32, #tpu.memory_space<vmem>> -> memref<64x128xf32, #tpu.memory_space<vmem>>
      %dma_wait3A_856 = arith.constant 0 : i32
      %dma_wait3A_857 = tpu.memref_slice %arg14[%dma_wait3A_851, %dma_wait3A_856] : memref<4x128xi32, #tpu.memory_space<vmem>> -> memref<1x64xi32, #tpu.memory_space<vmem>>
      %dma_wait3A_858 = tpu.memref_squeeze %dma_wait3A_857 : memref<1x64xi32, #tpu.memory_space<vmem>> -> memref<64xi32, #tpu.memory_space<vmem>>
      %dma_wait3A_859 = arith.constant 0 : i32
      %dma_wait3A_860 = arith.constant 0 : i32
      %dma_wait3A_861 = tpu.memref_slice %arg10[%dma_wait3A_859, %dma_wait3A_860] : memref<10240x128xf32, #tpu.memory_space<vmem_shared>> -> memref<10240x128xf32, #tpu.memory_space<vmem_shared>>
      tpu.wait_indirect_dma semaphore(%arg20 : memref<!tpu.dma_semaphore, #tpu.memory_space<semaphore_mem>>) src(%dma_wait3A_855 : memref<64x128xf32, #tpu.memory_space<vmem>>) dst(%dma_wait3A_861 : memref<10240x128xf32, #tpu.memory_space<vmem_shared>>)
      %dma_wait3A_862 = arith.constant 1 : i32
      %dma_wait3A_863 = arith.constant 3 : i32
      %dma_wait3A_864 = arith.constant 64 : i32
      %dma_wait3A_865 = arith.constant 0 : i32
      %dma_wait3A_866 = tpu.memref_slice %arg16[%dma_wait3A_862, %dma_wait3A_864, %dma_wait3A_865] : memref<2x128x128xf32, #tpu.memory_space<vmem>> -> memref<1x64x128xf32, #tpu.memory_space<vmem>>
      %dma_wait3A_867 = tpu.memref_squeeze %dma_wait3A_866 : memref<1x64x128xf32, #tpu.memory_space<vmem>> -> memref<64x128xf32, #tpu.memory_space<vmem>>
      %dma_wait3A_868 = arith.constant 64 : i32
      %dma_wait3A_869 = tpu.memref_slice %arg14[%dma_wait3A_863, %dma_wait3A_868] : memref<4x128xi32, #tpu.memory_space<vmem>> -> memref<1x64xi32, #tpu.memory_space<vmem>>
      %dma_wait3A_870 = tpu.memref_squeeze %dma_wait3A_869 : memref<1x64xi32, #tpu.memory_space<vmem>> -> memref<64xi32, #tpu.memory_space<vmem>>
      %dma_wait3A_871 = arith.constant 0 : i32
      %dma_wait3A_872 = arith.constant 0 : i32
      %dma_wait3A_873 = tpu.memref_slice %arg10[%dma_wait3A_871, %dma_wait3A_872] : memref<10240x128xf32, #tpu.memory_space<vmem_shared>> -> memref<10240x128xf32, #tpu.memory_space<vmem_shared>>
      tpu.wait_indirect_dma semaphore(%arg20 : memref<!tpu.dma_semaphore, #tpu.memory_space<semaphore_mem>>) src(%dma_wait3A_867 : memref<64x128xf32, #tpu.memory_space<vmem>>) dst(%dma_wait3A_873 : memref<10240x128xf32, #tpu.memory_space<vmem_shared>>)
      %add3A_874 = arith.constant 2 : i32
      %add3A_875 = arith.addi %add3A_723, %add3A_874 : i32
      %lt3A_876 = arith.constant 80 : i32
      %lt3A_877 = arith.cmpi slt, %add3A_875, %lt3A_876 : i32
      %convert_element_type3A_878 = arith.extui %lt3A_877 : i1 to i32
      %cond3A_879 = arith.constant 0 : i32
      %cond3A_880 = arith.cmpi ne, %convert_element_type3A_878, %cond3A_879 : i32
      scf.if %cond3A_880 {
        %add3A_894 = arith.constant 2 : i32
        %add3A_895 = arith.addi %add3A_723, %add3A_894 : i32
        %mul3A_896 = arith.constant 128 : i32
        %mul3A_897 = arith.muli %add3A_895, %mul3A_896 : i32
        %add3A_898 = arith.addi %mul3A_2, %mul3A_897 : i32
        %dma_wait3A_899 = arith.constant 1 : i32
        %dma_wait3A_900 = arith.constant 0 : i32
        %dma_wait3A_901 = tpu.memref_slice %arg13[%dma_wait3A_899, %dma_wait3A_900] : memref<4x128xi32, #tpu.memory_space<vmem>> -> memref<1x128xi32, #tpu.memory_space<vmem>>
        %dma_wait3A_902 = tpu.memref_squeeze %dma_wait3A_901 : memref<1x128xi32, #tpu.memory_space<vmem>> -> memref<128xi32, #tpu.memory_space<vmem>>
        %dma_wait3A_903 = tpu.memref_slice %arg2[%add3A_898] : memref<327680xi32, #tpu.memory_space<hbm>> -> memref<128xi32, #tpu.memory_space<hbm>>
        %dma_wait3A_904 = arith.constant 0 : i32
        %dma_wait3A_905 = tpu.memref_slice %arg13[%dma_wait3A_899, %dma_wait3A_904] : memref<4x128xi32, #tpu.memory_space<vmem>> -> memref<1x128xi32, #tpu.memory_space<vmem>>
        %dma_wait3A_906 = tpu.memref_squeeze %dma_wait3A_905 : memref<1x128xi32, #tpu.memory_space<vmem>> -> memref<128xi32, #tpu.memory_space<vmem>>
        %dma_wait3A_907 = tpu.memref_slice %arg2[%add3A_898] : memref<327680xi32, #tpu.memory_space<hbm>> -> memref<128xi32, #tpu.memory_space<hbm>>
        tpu.wait_dma2 semaphore(%arg22 : memref<!tpu.dma_semaphore, #tpu.memory_space<semaphore_mem>>) src(%dma_wait3A_907 : memref<128xi32, #tpu.memory_space<hbm>>) dst(%dma_wait3A_906 : memref<128xi32, #tpu.memory_space<vmem>>)
        %mul3A_908 = arith.constant 128 : i32
        %mul3A_909 = arith.muli %add3A_895, %mul3A_908 : i32
        %add3A_910 = arith.addi %mul3A_2, %mul3A_909 : i32
        %dma_wait3A_911 = arith.constant 1 : i32
        %dma_wait3A_912 = arith.constant 0 : i32
        %dma_wait3A_913 = tpu.memref_slice %arg14[%dma_wait3A_911, %dma_wait3A_912] : memref<4x128xi32, #tpu.memory_space<vmem>> -> memref<1x128xi32, #tpu.memory_space<vmem>>
        %dma_wait3A_914 = tpu.memref_squeeze %dma_wait3A_913 : memref<1x128xi32, #tpu.memory_space<vmem>> -> memref<128xi32, #tpu.memory_space<vmem>>
        %dma_wait3A_915 = tpu.memref_slice %arg3[%add3A_910] : memref<327680xi32, #tpu.memory_space<hbm>> -> memref<128xi32, #tpu.memory_space<hbm>>
        %dma_wait3A_916 = arith.constant 0 : i32
        %dma_wait3A_917 = tpu.memref_slice %arg14[%dma_wait3A_911, %dma_wait3A_916] : memref<4x128xi32, #tpu.memory_space<vmem>> -> memref<1x128xi32, #tpu.memory_space<vmem>>
        %dma_wait3A_918 = tpu.memref_squeeze %dma_wait3A_917 : memref<1x128xi32, #tpu.memory_space<vmem>> -> memref<128xi32, #tpu.memory_space<vmem>>
        %dma_wait3A_919 = tpu.memref_slice %arg3[%add3A_910] : memref<327680xi32, #tpu.memory_space<hbm>> -> memref<128xi32, #tpu.memory_space<hbm>>
        tpu.wait_dma2 semaphore(%arg22 : memref<!tpu.dma_semaphore, #tpu.memory_space<semaphore_mem>>) src(%dma_wait3A_919 : memref<128xi32, #tpu.memory_space<hbm>>) dst(%dma_wait3A_918 : memref<128xi32, #tpu.memory_space<vmem>>)
        %dma_start3A_920 = arith.constant 1 : i32
        %dma_start3A_921 = arith.constant 1 : i32
        %dma_start3A_922 = arith.constant 0 : i32
        %dma_start3A_923 = arith.constant 0 : i32
        %dma_start3A_924 = tpu.memref_slice %arg16[%dma_start3A_921, %dma_start3A_922, %dma_start3A_923] : memref<2x128x128xf32, #tpu.memory_space<vmem>> -> memref<1x64x128xf32, #tpu.memory_space<vmem>>
        %dma_start3A_925 = tpu.memref_squeeze %dma_start3A_924 : memref<1x64x128xf32, #tpu.memory_space<vmem>> -> memref<64x128xf32, #tpu.memory_space<vmem>>
        %dma_start3A_926 = arith.constant 0 : i32
        %dma_start3A_927 = tpu.memref_slice %arg13[%dma_start3A_920, %dma_start3A_926] : memref<4x128xi32, #tpu.memory_space<vmem>> -> memref<1x64xi32, #tpu.memory_space<vmem>>
        %dma_start3A_928 = tpu.memref_squeeze %dma_start3A_927 : memref<1x64xi32, #tpu.memory_space<vmem>> -> memref<64xi32, #tpu.memory_space<vmem>>
        %dma_start3A_929 = arith.constant 0 : i32
        %dma_start3A_930 = arith.constant 0 : i32
        %dma_start3A_931 = tpu.memref_slice %arg5[%dma_start3A_929, %dma_start3A_930] : memref<10000x128xf32, #tpu.memory_space<hbm>> -> memref<10000x128xf32, #tpu.memory_space<hbm>>
        tpu.enqueue_indirect_dma source(%dma_start3A_931 : memref<10000x128xf32, #tpu.memory_space<hbm>>) target(%dma_start3A_925 : memref<64x128xf32, #tpu.memory_space<vmem>>) offsets(%dma_start3A_928 : memref<64xi32, #tpu.memory_space<vmem>>) semaphore(%arg18 : memref<!tpu.dma_semaphore, #tpu.memory_space<semaphore_mem>>)
        %dma_start3A_932 = arith.constant 1 : i32
        %dma_start3A_933 = arith.constant 1 : i32
        %dma_start3A_934 = arith.constant 64 : i32
        %dma_start3A_935 = arith.constant 0 : i32
        %dma_start3A_936 = tpu.memref_slice %arg16[%dma_start3A_933, %dma_start3A_934, %dma_start3A_935] : memref<2x128x128xf32, #tpu.memory_space<vmem>> -> memref<1x64x128xf32, #tpu.memory_space<vmem>>
        %dma_start3A_937 = tpu.memref_squeeze %dma_start3A_936 : memref<1x64x128xf32, #tpu.memory_space<vmem>> -> memref<64x128xf32, #tpu.memory_space<vmem>>
        %dma_start3A_938 = arith.constant 64 : i32
        %dma_start3A_939 = tpu.memref_slice %arg13[%dma_start3A_932, %dma_start3A_938] : memref<4x128xi32, #tpu.memory_space<vmem>> -> memref<1x64xi32, #tpu.memory_space<vmem>>
        %dma_start3A_940 = tpu.memref_squeeze %dma_start3A_939 : memref<1x64xi32, #tpu.memory_space<vmem>> -> memref<64xi32, #tpu.memory_space<vmem>>
        %dma_start3A_941 = arith.constant 0 : i32
        %dma_start3A_942 = arith.constant 0 : i32
        %dma_start3A_943 = tpu.memref_slice %arg5[%dma_start3A_941, %dma_start3A_942] : memref<10000x128xf32, #tpu.memory_space<hbm>> -> memref<10000x128xf32, #tpu.memory_space<hbm>>
        tpu.enqueue_indirect_dma source(%dma_start3A_943 : memref<10000x128xf32, #tpu.memory_space<hbm>>) target(%dma_start3A_937 : memref<64x128xf32, #tpu.memory_space<vmem>>) offsets(%dma_start3A_940 : memref<64xi32, #tpu.memory_space<vmem>>) semaphore(%arg18 : memref<!tpu.dma_semaphore, #tpu.memory_space<semaphore_mem>>)
      } else {
      }
      %dma_wait3A_881 = arith.constant 3 : i32
      %dma_wait3A_882 = arith.constant 0 : i32
      %dma_wait3A_883 = tpu.memref_slice %arg13[%dma_wait3A_881, %dma_wait3A_882] : memref<4x128xi32, #tpu.memory_space<vmem>> -> memref<1x128xi32, #tpu.memory_space<vmem>>
      %dma_wait3A_884 = tpu.memref_squeeze %dma_wait3A_883 : memref<1x128xi32, #tpu.memory_space<vmem>> -> memref<128xi32, #tpu.memory_space<vmem>>
      %dma_wait3A_885 = arith.constant 0 : i32
      %dma_wait3A_886 = tpu.memref_slice %arg11[%dma_wait3A_885] : memref<10240xf32, #tpu.memory_space<vmem_shared>> -> memref<10240xf32, #tpu.memory_space<vmem_shared>>
      tpu.wait_indirect_dma semaphore(%arg25 : memref<!tpu.dma_semaphore, #tpu.memory_space<semaphore_mem>>) src(%arg15 : memref<128xf32, #tpu.memory_space<vmem>>) dst(%dma_wait3A_886 : memref<10240xf32, #tpu.memory_space<vmem_shared>>)
      %add3A_887 = arith.constant 4 : i32
      %add3A_888 = arith.addi %add3A_723, %add3A_887 : i32
      %lt3A_889 = arith.constant 80 : i32
      %lt3A_890 = arith.cmpi slt, %add3A_888, %lt3A_889 : i32
      %convert_element_type3A_891 = arith.extui %lt3A_890 : i1 to i32
      %cond3A_892 = arith.constant 0 : i32
      %cond3A_893 = arith.cmpi ne, %convert_element_type3A_891, %cond3A_892 : i32
      scf.if %cond3A_893 {
        %add3A_894 = arith.constant 4 : i32
        %add3A_895 = arith.addi %add3A_723, %add3A_894 : i32
        %mul3A_896 = arith.constant 128 : i32
        %mul3A_897 = arith.muli %add3A_895, %mul3A_896 : i32
        %add3A_898 = arith.addi %mul3A_2, %mul3A_897 : i32
        %dma_start3A_899 = arith.constant 3 : i32
        %dma_start3A_900 = arith.constant 0 : i32
        %dma_start3A_901 = tpu.memref_slice %arg13[%dma_start3A_899, %dma_start3A_900] : memref<4x128xi32, #tpu.memory_space<vmem>> -> memref<1x128xi32, #tpu.memory_space<vmem>>
        %dma_start3A_902 = tpu.memref_squeeze %dma_start3A_901 : memref<1x128xi32, #tpu.memory_space<vmem>> -> memref<128xi32, #tpu.memory_space<vmem>>
        %dma_start3A_903 = tpu.memref_slice %arg2[%add3A_898] : memref<327680xi32, #tpu.memory_space<hbm>> -> memref<128xi32, #tpu.memory_space<hbm>>
        %dma_start3A_904 = arith.constant 0 : i32
        %dma_start3A_905 = tpu.memref_slice %arg13[%dma_start3A_899, %dma_start3A_904] : memref<4x128xi32, #tpu.memory_space<vmem>> -> memref<1x128xi32, #tpu.memory_space<vmem>>
        %dma_start3A_906 = tpu.memref_squeeze %dma_start3A_905 : memref<1x128xi32, #tpu.memory_space<vmem>> -> memref<128xi32, #tpu.memory_space<vmem>>
        %dma_start3A_907 = tpu.memref_slice %arg2[%add3A_898] : memref<327680xi32, #tpu.memory_space<hbm>> -> memref<128xi32, #tpu.memory_space<hbm>>
        tpu.enqueue_dma source(%dma_start3A_907 : memref<128xi32, #tpu.memory_space<hbm>>) target(%dma_start3A_906 : memref<128xi32, #tpu.memory_space<vmem>>) target_semaphore(%arg24 : memref<!tpu.dma_semaphore, #tpu.memory_space<semaphore_mem>>)
        %mul3A_908 = arith.constant 128 : i32
        %mul3A_909 = arith.muli %add3A_895, %mul3A_908 : i32
        %add3A_910 = arith.addi %mul3A_2, %mul3A_909 : i32
        %dma_start3A_911 = arith.constant 3 : i32
        %dma_start3A_912 = arith.constant 0 : i32
        %dma_start3A_913 = tpu.memref_slice %arg14[%dma_start3A_911, %dma_start3A_912] : memref<4x128xi32, #tpu.memory_space<vmem>> -> memref<1x128xi32, #tpu.memory_space<vmem>>
        %dma_start3A_914 = tpu.memref_squeeze %dma_start3A_913 : memref<1x128xi32, #tpu.memory_space<vmem>> -> memref<128xi32, #tpu.memory_space<vmem>>
        %dma_start3A_915 = tpu.memref_slice %arg3[%add3A_910] : memref<327680xi32, #tpu.memory_space<hbm>> -> memref<128xi32, #tpu.memory_space<hbm>>
        %dma_start3A_916 = arith.constant 0 : i32
        %dma_start3A_917 = tpu.memref_slice %arg14[%dma_start3A_911, %dma_start3A_916] : memref<4x128xi32, #tpu.memory_space<vmem>> -> memref<1x128xi32, #tpu.memory_space<vmem>>
        %dma_start3A_918 = tpu.memref_squeeze %dma_start3A_917 : memref<1x128xi32, #tpu.memory_space<vmem>> -> memref<128xi32, #tpu.memory_space<vmem>>
        %dma_start3A_919 = tpu.memref_slice %arg3[%add3A_910] : memref<327680xi32, #tpu.memory_space<hbm>> -> memref<128xi32, #tpu.memory_space<hbm>>
        tpu.enqueue_dma source(%dma_start3A_919 : memref<128xi32, #tpu.memory_space<hbm>>) target(%dma_start3A_918 : memref<128xi32, #tpu.memory_space<vmem>>) target_semaphore(%arg24 : memref<!tpu.dma_semaphore, #tpu.memory_space<semaphore_mem>>)
      } else {
      }
    }
    %scan3A_193 = arith.constant 20 : i32
    %barrier3A_194 = arith.constant 0 : index
    tpu.barrier barrier_id(%barrier3A_194)
    %mul3A_195 = arith.constant 640 : i32
    %mul3A_196 = arith.muli %arg1, %mul3A_195 : i32
    %mul3A_197 = arith.constant 640 : i32
    %mul3A_198 = arith.muli %arg1, %mul3A_197 : i32
    "tpu.region"() ({
      %run_scoped3A = tpu.sem_alloc : memref<!tpu.dma_semaphore, #tpu.memory_space<semaphore_mem>>
      %dma_start3A_203 = arith.constant 0 : i32
      %dma_start3A_204 = tpu.memref_slice %arg9[%arg0, %mul3A_198, %dma_start3A_203] : memref<2x10240x128xf32, #tpu.memory_space<hbm>> -> memref<1x640x128xf32, #tpu.memory_space<hbm>>
      %dma_start3A_205 = tpu.memref_squeeze %dma_start3A_204 : memref<1x640x128xf32, #tpu.memory_space<hbm>> -> memref<640x128xf32, #tpu.memory_space<hbm>>
      %dma_start3A_206 = arith.constant 0 : i32
      %dma_start3A_207 = tpu.memref_slice %arg10[%mul3A_196, %dma_start3A_206] : memref<10240x128xf32, #tpu.memory_space<vmem_shared>> -> memref<640x128xf32, #tpu.memory_space<vmem_shared>>
      tpu.enqueue_dma source(%dma_start3A_207 : memref<640x128xf32, #tpu.memory_space<vmem_shared>>) target(%dma_start3A_205 : memref<640x128xf32, #tpu.memory_space<hbm>>) target_semaphore(%run_scoped3A : memref<!tpu.dma_semaphore, #tpu.memory_space<semaphore_mem>>)
      %dma_wait3A_208 = arith.constant 0 : i32
      %dma_wait3A_209 = tpu.memref_slice %arg9[%arg0, %mul3A_198, %dma_wait3A_208] : memref<2x10240x128xf32, #tpu.memory_space<hbm>> -> memref<1x640x128xf32, #tpu.memory_space<hbm>>
      %dma_wait3A_210 = tpu.memref_squeeze %dma_wait3A_209 : memref<1x640x128xf32, #tpu.memory_space<hbm>> -> memref<640x128xf32, #tpu.memory_space<hbm>>
      %dma_wait3A_211 = arith.constant 0 : i32
      %dma_wait3A_212 = tpu.memref_slice %arg10[%mul3A_196, %dma_wait3A_211] : memref<10240x128xf32, #tpu.memory_space<vmem_shared>> -> memref<640x128xf32, #tpu.memory_space<vmem_shared>>
      tpu.wait_dma2 semaphore(%run_scoped3A : memref<!tpu.dma_semaphore, #tpu.memory_space<semaphore_mem>>) src(%dma_wait3A_212 : memref<640x128xf32, #tpu.memory_space<vmem_shared>>) dst(%dma_wait3A_210 : memref<640x128xf32, #tpu.memory_space<hbm>>)
      tpu.yield
    }) : () -> ()
    %mul3A_199 = arith.constant 640 : i32
    %mul3A_200 = arith.muli %arg1, %mul3A_199 : i32
    %mul3A_201 = arith.constant 640 : i32
    %mul3A_202 = arith.muli %arg1, %mul3A_201 : i32
    "tpu.region"() ({
      %run_scoped3A = tpu.sem_alloc : memref<!tpu.dma_semaphore, #tpu.memory_space<semaphore_mem>>
      %dma_start3A_203 = tpu.memref_slice %arg8[%arg0, %mul3A_202] : memref<2x10240xf32, #tpu.memory_space<hbm>> -> memref<1x640xf32, #tpu.memory_space<hbm>>
      %dma_start3A_204 = tpu.memref_squeeze %dma_start3A_203 : memref<1x640xf32, #tpu.memory_space<hbm>> -> memref<640xf32, #tpu.memory_space<hbm>>
      %dma_start3A_205 = tpu.memref_slice %arg11[%mul3A_200] : memref<10240xf32, #tpu.memory_space<vmem_shared>> -> memref<640xf32, #tpu.memory_space<vmem_shared>>
      tpu.enqueue_dma source(%dma_start3A_205 : memref<640xf32, #tpu.memory_space<vmem_shared>>) target(%dma_start3A_204 : memref<640xf32, #tpu.memory_space<hbm>>) target_semaphore(%run_scoped3A : memref<!tpu.dma_semaphore, #tpu.memory_space<semaphore_mem>>)
      %dma_wait3A_206 = tpu.memref_slice %arg8[%arg0, %mul3A_202] : memref<2x10240xf32, #tpu.memory_space<hbm>> -> memref<1x640xf32, #tpu.memory_space<hbm>>
      %dma_wait3A_207 = tpu.memref_squeeze %dma_wait3A_206 : memref<1x640xf32, #tpu.memory_space<hbm>> -> memref<640xf32, #tpu.memory_space<hbm>>
      %dma_wait3A_208 = tpu.memref_slice %arg11[%mul3A_200] : memref<10240xf32, #tpu.memory_space<vmem_shared>> -> memref<640xf32, #tpu.memory_space<vmem_shared>>
      tpu.wait_dma2 semaphore(%run_scoped3A : memref<!tpu.dma_semaphore, #tpu.memory_space<semaphore_mem>>) src(%dma_wait3A_208 : memref<640xf32, #tpu.memory_space<vmem_shared>>) dst(%dma_wait3A_207 : memref<640xf32, #tpu.memory_space<hbm>>)
      tpu.yield
    }) : () -> ()
    return
  }
}

#map = affine_map<(d0, d1) -> (0)>
#map1 = affine_map<(d0, d1) -> (0, 0)>
module attributes {stable_mosaic.version = 14 : i64} {
  func.func @_deg_body(%arg0: i32, %arg1: i32, %arg2: memref<327680xi32, #tpu.memory_space<hbm>>, %arg3: memref<10240xf32, #tpu.memory_space<hbm>>, %arg4: memref<2x10240xf32, #tpu.memory_space<hbm>>, %arg5: memref<10240xf32, #tpu.memory_space<vmem_shared>>, %arg6: memref<10240xi32, #tpu.memory_space<vmem>>, %arg7: memref<128xf32, #tpu.memory_space<vmem>>, %arg8: memref<!tpu.dma_semaphore, #tpu.memory_space<semaphore_mem>>, %arg9: memref<!tpu.dma_semaphore, #tpu.memory_space<semaphore_mem>>, %arg10: memref<!tpu.dma_semaphore, #tpu.memory_space<semaphore_mem>>, %arg11: memref<!tpu.dma_semaphore, #tpu.memory_space<semaphore_mem>>) attributes {dimension_semantics = [#tpu.dimension_semantics<core_parallel>, #tpu.dimension_semantics<subcore_parallel>], iteration_bounds = array<i64: 2, 16>, scalar_prefetch = 0 : i64, scratch_operands = 7 : i64, tpu.core_type = #tpu.core_type<sc_vector_subcore>, window_params = [{transform_indices = #map}, {transform_indices = #map}, {transform_indices = #map1}]} {
    %mul3A = arith.constant 16 : i32
    %mul3A_0 = arith.muli %arg0, %mul3A : i32
    %add3A = arith.addi %mul3A_0, %arg1 : i32
    %mul3A_1 = arith.constant 640 : i32
    %mul3A_2 = arith.muli %arg1, %mul3A_1 : i32
    %mul3A_3 = arith.constant 640 : i32
    %mul3A_4 = arith.muli %arg1, %mul3A_3 : i32
    "tpu.region"() ({
      %run_scoped3A = tpu.sem_alloc : memref<!tpu.dma_semaphore, #tpu.memory_space<semaphore_mem>>
      %dma_start3A = tpu.memref_slice %arg5[%mul3A_4] : memref<10240xf32, #tpu.memory_space<vmem_shared>> -> memref<640xf32, #tpu.memory_space<vmem_shared>>
      %dma_start3A_47 = tpu.memref_slice %arg3[%mul3A_2] : memref<10240xf32, #tpu.memory_space<hbm>> -> memref<640xf32, #tpu.memory_space<hbm>>
      tpu.enqueue_dma source(%dma_start3A_47 : memref<640xf32, #tpu.memory_space<hbm>>) target(%dma_start3A : memref<640xf32, #tpu.memory_space<vmem_shared>>) target_semaphore(%run_scoped3A : memref<!tpu.dma_semaphore, #tpu.memory_space<semaphore_mem>>)
      %dma_wait3A = tpu.memref_slice %arg5[%mul3A_4] : memref<10240xf32, #tpu.memory_space<vmem_shared>> -> memref<640xf32, #tpu.memory_space<vmem_shared>>
      %dma_wait3A_48 = tpu.memref_slice %arg3[%mul3A_2] : memref<10240xf32, #tpu.memory_space<hbm>> -> memref<640xf32, #tpu.memory_space<hbm>>
      tpu.wait_dma2 semaphore(%run_scoped3A : memref<!tpu.dma_semaphore, #tpu.memory_space<semaphore_mem>>) src(%dma_wait3A_48 : memref<640xf32, #tpu.memory_space<hbm>>) dst(%dma_wait3A : memref<640xf32, #tpu.memory_space<vmem_shared>>)
      tpu.yield
    }) : () -> ()
    %mul3A_5 = arith.constant 10240 : i32
    %mul3A_6 = arith.muli %add3A, %mul3A_5 : i32
    "tpu.region"() ({
      %run_scoped3A = tpu.sem_alloc : memref<!tpu.dma_semaphore, #tpu.memory_space<semaphore_mem>>
      %dma_start3A = tpu.memref_slice %arg2[%mul3A_6] : memref<327680xi32, #tpu.memory_space<hbm>> -> memref<10240xi32, #tpu.memory_space<hbm>>
      %dma_start3A_47 = tpu.memref_slice %arg2[%mul3A_6] : memref<327680xi32, #tpu.memory_space<hbm>> -> memref<10240xi32, #tpu.memory_space<hbm>>
      tpu.enqueue_dma source(%dma_start3A_47 : memref<10240xi32, #tpu.memory_space<hbm>>) target(%arg6 : memref<10240xi32, #tpu.memory_space<vmem>>) target_semaphore(%run_scoped3A : memref<!tpu.dma_semaphore, #tpu.memory_space<semaphore_mem>>)
      %dma_wait3A = tpu.memref_slice %arg2[%mul3A_6] : memref<327680xi32, #tpu.memory_space<hbm>> -> memref<10240xi32, #tpu.memory_space<hbm>>
      %dma_wait3A_48 = tpu.memref_slice %arg2[%mul3A_6] : memref<327680xi32, #tpu.memory_space<hbm>> -> memref<10240xi32, #tpu.memory_space<hbm>>
      tpu.wait_dma2 semaphore(%run_scoped3A : memref<!tpu.dma_semaphore, #tpu.memory_space<semaphore_mem>>) src(%dma_wait3A_48 : memref<10240xi32, #tpu.memory_space<hbm>>) dst(%arg6 : memref<10240xi32, #tpu.memory_space<vmem>>)
      tpu.yield
    }) : () -> ()
    %broadcast_in_dim3A = arith.constant 1.000000e+00 : f32
    %broadcast_in_dim3A_7 = vector.broadcast %broadcast_in_dim3A : f32 to vector<16xf32>
    %swap3A = arith.constant 0 : index
    %swap3A_8 = tpu.vector_load %arg7[%swap3A] {strides = array<i32>} : memref<128xf32, #tpu.memory_space<vmem>>, vector<16xf32>,
    tpu.vector_store %arg7[%swap3A], %broadcast_in_dim3A_7 {strides = array<i32>} : memref<128xf32, #tpu.memory_space<vmem>>, vector<16xf32>,
    %broadcast_in_dim3A_9 = arith.constant 1.000000e+00 : f32
    %broadcast_in_dim3A_10 = vector.broadcast %broadcast_in_dim3A_9 : f32 to vector<16xf32>
    %swap3A_11 = arith.constant 16 : index
    %swap3A_12 = tpu.vector_load %arg7[%swap3A_11] {strides = array<i32>} : memref<128xf32, #tpu.memory_space<vmem>>, vector<16xf32>,
    tpu.vector_store %arg7[%swap3A_11], %broadcast_in_dim3A_10 {strides = array<i32>} : memref<128xf32, #tpu.memory_space<vmem>>, vector<16xf32>,
    %broadcast_in_dim3A_13 = arith.constant 1.000000e+00 : f32
    %broadcast_in_dim3A_14 = vector.broadcast %broadcast_in_dim3A_13 : f32 to vector<16xf32>
    %swap3A_15 = arith.constant 32 : index
    %swap3A_16 = tpu.vector_load %arg7[%swap3A_15] {strides = array<i32>} : memref<128xf32, #tpu.memory_space<vmem>>, vector<16xf32>,
    tpu.vector_store %arg7[%swap3A_15], %broadcast_in_dim3A_14 {strides = array<i32>} : memref<128xf32, #tpu.memory_space<vmem>>, vector<16xf32>,
    %broadcast_in_dim3A_17 = arith.constant 1.000000e+00 : f32
    %broadcast_in_dim3A_18 = vector.broadcast %broadcast_in_dim3A_17 : f32 to vector<16xf32>
    %swap3A_19 = arith.constant 48 : index
    %swap3A_20 = tpu.vector_load %arg7[%swap3A_19] {strides = array<i32>} : memref<128xf32, #tpu.memory_space<vmem>>, vector<16xf32>,
    tpu.vector_store %arg7[%swap3A_19], %broadcast_in_dim3A_18 {strides = array<i32>} : memref<128xf32, #tpu.memory_space<vmem>>, vector<16xf32>,
    %broadcast_in_dim3A_21 = arith.constant 1.000000e+00 : f32
    %broadcast_in_dim3A_22 = vector.broadcast %broadcast_in_dim3A_21 : f32 to vector<16xf32>
    %swap3A_23 = arith.constant 64 : index
    %swap3A_24 = tpu.vector_load %arg7[%swap3A_23] {strides = array<i32>} : memref<128xf32, #tpu.memory_space<vmem>>, vector<16xf32>,
    tpu.vector_store %arg7[%swap3A_23], %broadcast_in_dim3A_22 {strides = array<i32>} : memref<128xf32, #tpu.memory_space<vmem>>, vector<16xf32>,
    %broadcast_in_dim3A_25 = arith.constant 1.000000e+00 : f32
    %broadcast_in_dim3A_26 = vector.broadcast %broadcast_in_dim3A_25 : f32 to vector<16xf32>
    %swap3A_27 = arith.constant 80 : index
    %swap3A_28 = tpu.vector_load %arg7[%swap3A_27] {strides = array<i32>} : memref<128xf32, #tpu.memory_space<vmem>>, vector<16xf32>,
    tpu.vector_store %arg7[%swap3A_27], %broadcast_in_dim3A_26 {strides = array<i32>} : memref<128xf32, #tpu.memory_space<vmem>>, vector<16xf32>,
    %broadcast_in_dim3A_29 = arith.constant 1.000000e+00 : f32
    %broadcast_in_dim3A_30 = vector.broadcast %broadcast_in_dim3A_29 : f32 to vector<16xf32>
    %swap3A_31 = arith.constant 96 : index
    %swap3A_32 = tpu.vector_load %arg7[%swap3A_31] {strides = array<i32>} : memref<128xf32, #tpu.memory_space<vmem>>, vector<16xf32>,
    tpu.vector_store %arg7[%swap3A_31], %broadcast_in_dim3A_30 {strides = array<i32>} : memref<128xf32, #tpu.memory_space<vmem>>, vector<16xf32>,
    %broadcast_in_dim3A_33 = arith.constant 1.000000e+00 : f32
    %broadcast_in_dim3A_34 = vector.broadcast %broadcast_in_dim3A_33 : f32 to vector<16xf32>
    %swap3A_35 = arith.constant 112 : index
    %swap3A_36 = tpu.vector_load %arg7[%swap3A_35] {strides = array<i32>} : memref<128xf32, #tpu.memory_space<vmem>>, vector<16xf32>,
    tpu.vector_store %arg7[%swap3A_35], %broadcast_in_dim3A_34 {strides = array<i32>} : memref<128xf32, #tpu.memory_space<vmem>>, vector<16xf32>,
    %barrier3A = arith.constant 0 : index
    tpu.barrier barrier_id(%barrier3A)
    %scan3A = arith.constant 0 : i32
    %scan3A_37 = arith.constant 0 : i32
    %scan3A_38 = arith.constant 20 : i32
    %scan3A_39 = arith.addi %scan3A_37, %scan3A_38 : i32
    %scan3A_40 = arith.constant 1 : i32
    scf.for %scan3A_47 = %scan3A_37 to %scan3A_39 step %scan3A_40  : i32 {
      %mul3A_48 = arith.constant 4 : i32
      %mul3A_49 = arith.muli %scan3A_47, %mul3A_48 : i32
      %add3A_50 = arith.constant 0 : i32
      %add3A_51 = arith.addi %mul3A_49, %add3A_50 : i32
      %mul3A_52 = arith.constant 128 : i32
      %mul3A_53 = arith.muli %add3A_51, %mul3A_52 : i32
      %dma_start3A = tpu.memref_slice %arg6[%mul3A_53] : memref<10240xi32, #tpu.memory_space<vmem>> -> memref<128xi32, #tpu.memory_space<vmem>>
      %dma_start3A_54 = arith.constant 0 : i32
      %dma_start3A_55 = tpu.memref_slice %arg5[%dma_start3A_54] : memref<10240xf32, #tpu.memory_space<vmem_shared>> -> memref<10240xf32, #tpu.memory_space<vmem_shared>>
      tpu.enqueue_indirect_dma source(%arg7 : memref<128xf32, #tpu.memory_space<vmem>>) target(%dma_start3A_55 : memref<10240xf32, #tpu.memory_space<vmem_shared>>) offsets(%dma_start3A : memref<128xi32, #tpu.memory_space<vmem>>) semaphore(%arg8 : memref<!tpu.dma_semaphore, #tpu.memory_space<semaphore_mem>>) {add = true}
      %mul3A_56 = arith.constant 4 : i32
      %mul3A_57 = arith.muli %scan3A_47, %mul3A_56 : i32
      %add3A_58 = arith.constant 1 : i32
      %add3A_59 = arith.addi %mul3A_57, %add3A_58 : i32
      %mul3A_60 = arith.constant 128 : i32
      %mul3A_61 = arith.muli %add3A_59, %mul3A_60 : i32
      %dma_start3A_62 = tpu.memref_slice %arg6[%mul3A_61] : memref<10240xi32, #tpu.memory_space<vmem>> -> memref<128xi32, #tpu.memory_space<vmem>>
      %dma_start3A_63 = arith.constant 0 : i32
      %dma_start3A_64 = tpu.memref_slice %arg5[%dma_start3A_63] : memref<10240xf32, #tpu.memory_space<vmem_shared>> -> memref<10240xf32, #tpu.memory_space<vmem_shared>>
      tpu.enqueue_indirect_dma source(%arg7 : memref<128xf32, #tpu.memory_space<vmem>>) target(%dma_start3A_64 : memref<10240xf32, #tpu.memory_space<vmem_shared>>) offsets(%dma_start3A_62 : memref<128xi32, #tpu.memory_space<vmem>>) semaphore(%arg9 : memref<!tpu.dma_semaphore, #tpu.memory_space<semaphore_mem>>) {add = true}
      %mul3A_65 = arith.constant 4 : i32
      %mul3A_66 = arith.muli %scan3A_47, %mul3A_65 : i32
      %add3A_67 = arith.constant 2 : i32
      %add3A_68 = arith.addi %mul3A_66, %add3A_67 : i32
      %mul3A_69 = arith.constant 128 : i32
      %mul3A_70 = arith.muli %add3A_68, %mul3A_69 : i32
      %dma_start3A_71 = tpu.memref_slice %arg6[%mul3A_70] : memref<10240xi32, #tpu.memory_space<vmem>> -> memref<128xi32, #tpu.memory_space<vmem>>
      %dma_start3A_72 = arith.constant 0 : i32
      %dma_start3A_73 = tpu.memref_slice %arg5[%dma_start3A_72] : memref<10240xf32, #tpu.memory_space<vmem_shared>> -> memref<10240xf32, #tpu.memory_space<vmem_shared>>
      tpu.enqueue_indirect_dma source(%arg7 : memref<128xf32, #tpu.memory_space<vmem>>) target(%dma_start3A_73 : memref<10240xf32, #tpu.memory_space<vmem_shared>>) offsets(%dma_start3A_71 : memref<128xi32, #tpu.memory_space<vmem>>) semaphore(%arg10 : memref<!tpu.dma_semaphore, #tpu.memory_space<semaphore_mem>>) {add = true}
      %mul3A_74 = arith.constant 4 : i32
      %mul3A_75 = arith.muli %scan3A_47, %mul3A_74 : i32
      %add3A_76 = arith.constant 3 : i32
      %add3A_77 = arith.addi %mul3A_75, %add3A_76 : i32
      %mul3A_78 = arith.constant 128 : i32
      %mul3A_79 = arith.muli %add3A_77, %mul3A_78 : i32
      %dma_start3A_80 = tpu.memref_slice %arg6[%mul3A_79] : memref<10240xi32, #tpu.memory_space<vmem>> -> memref<128xi32, #tpu.memory_space<vmem>>
      %dma_start3A_81 = arith.constant 0 : i32
      %dma_start3A_82 = tpu.memref_slice %arg5[%dma_start3A_81] : memref<10240xf32, #tpu.memory_space<vmem_shared>> -> memref<10240xf32, #tpu.memory_space<vmem_shared>>
      tpu.enqueue_indirect_dma source(%arg7 : memref<128xf32, #tpu.memory_space<vmem>>) target(%dma_start3A_82 : memref<10240xf32, #tpu.memory_space<vmem_shared>>) offsets(%dma_start3A_80 : memref<128xi32, #tpu.memory_space<vmem>>) semaphore(%arg11 : memref<!tpu.dma_semaphore, #tpu.memory_space<semaphore_mem>>) {add = true}
      %dma_wait3A = tpu.memref_slice %arg6[%mul3A_53] : memref<10240xi32, #tpu.memory_space<vmem>> -> memref<128xi32, #tpu.memory_space<vmem>>
      %dma_wait3A_83 = arith.constant 0 : i32
      %dma_wait3A_84 = tpu.memref_slice %arg5[%dma_wait3A_83] : memref<10240xf32, #tpu.memory_space<vmem_shared>> -> memref<10240xf32, #tpu.memory_space<vmem_shared>>
      tpu.wait_indirect_dma semaphore(%arg8 : memref<!tpu.dma_semaphore, #tpu.memory_space<semaphore_mem>>) src(%arg7 : memref<128xf32, #tpu.memory_space<vmem>>) dst(%dma_wait3A_84 : memref<10240xf32, #tpu.memory_space<vmem_shared>>)
      %dma_wait3A_85 = tpu.memref_slice %arg6[%mul3A_61] : memref<10240xi32, #tpu.memory_space<vmem>> -> memref<128xi32, #tpu.memory_space<vmem>>
      %dma_wait3A_86 = arith.constant 0 : i32
      %dma_wait3A_87 = tpu.memref_slice %arg5[%dma_wait3A_86] : memref<10240xf32, #tpu.memory_space<vmem_shared>> -> memref<10240xf32, #tpu.memory_space<vmem_shared>>
      tpu.wait_indirect_dma semaphore(%arg9 : memref<!tpu.dma_semaphore, #tpu.memory_space<semaphore_mem>>) src(%arg7 : memref<128xf32, #tpu.memory_space<vmem>>) dst(%dma_wait3A_87 : memref<10240xf32, #tpu.memory_space<vmem_shared>>)
      %dma_wait3A_88 = tpu.memref_slice %arg6[%mul3A_70] : memref<10240xi32, #tpu.memory_space<vmem>> -> memref<128xi32, #tpu.memory_space<vmem>>
      %dma_wait3A_89 = arith.constant 0 : i32
      %dma_wait3A_90 = tpu.memref_slice %arg5[%dma_wait3A_89] : memref<10240xf32, #tpu.memory_space<vmem_shared>> -> memref<10240xf32, #tpu.memory_space<vmem_shared>>
      tpu.wait_indirect_dma semaphore(%arg10 : memref<!tpu.dma_semaphore, #tpu.memory_space<semaphore_mem>>) src(%arg7 : memref<128xf32, #tpu.memory_space<vmem>>) dst(%dma_wait3A_90 : memref<10240xf32, #tpu.memory_space<vmem_shared>>)
      %dma_wait3A_91 = tpu.memref_slice %arg6[%mul3A_79] : memref<10240xi32, #tpu.memory_space<vmem>> -> memref<128xi32, #tpu.memory_space<vmem>>
      %dma_wait3A_92 = arith.constant 0 : i32
      %dma_wait3A_93 = tpu.memref_slice %arg5[%dma_wait3A_92] : memref<10240xf32, #tpu.memory_space<vmem_shared>> -> memref<10240xf32, #tpu.memory_space<vmem_shared>>
      tpu.wait_indirect_dma semaphore(%arg11 : memref<!tpu.dma_semaphore, #tpu.memory_space<semaphore_mem>>) src(%arg7 : memref<128xf32, #tpu.memory_space<vmem>>) dst(%dma_wait3A_93 : memref<10240xf32, #tpu.memory_space<vmem_shared>>)
    }
    %scan3A_41 = arith.constant 20 : i32
    %barrier3A_42 = arith.constant 0 : index
    tpu.barrier barrier_id(%barrier3A_42)
    %mul3A_43 = arith.constant 640 : i32
    %mul3A_44 = arith.muli %arg1, %mul3A_43 : i32
    %mul3A_45 = arith.constant 640 : i32
    %mul3A_46 = arith.muli %arg1, %mul3A_45 : i32
    "tpu.region"() ({
      %run_scoped3A = tpu.sem_alloc : memref<!tpu.dma_semaphore, #tpu.memory_space<semaphore_mem>>
      %dma_start3A = tpu.memref_slice %arg4[%arg0, %mul3A_46] : memref<2x10240xf32, #tpu.memory_space<hbm>> -> memref<1x640xf32, #tpu.memory_space<hbm>>
      %dma_start3A_47 = tpu.memref_squeeze %dma_start3A : memref<1x640xf32, #tpu.memory_space<hbm>> -> memref<640xf32, #tpu.memory_space<hbm>>
      %dma_start3A_48 = tpu.memref_slice %arg5[%mul3A_44] : memref<10240xf32, #tpu.memory_space<vmem_shared>> -> memref<640xf32, #tpu.memory_space<vmem_shared>>
      tpu.enqueue_dma source(%dma_start3A_48 : memref<640xf32, #tpu.memory_space<vmem_shared>>) target(%dma_start3A_47 : memref<640xf32, #tpu.memory_space<hbm>>) target_semaphore(%run_scoped3A : memref<!tpu.dma_semaphore, #tpu.memory_space<semaphore_mem>>)
      %dma_wait3A = tpu.memref_slice %arg4[%arg0, %mul3A_46] : memref<2x10240xf32, #tpu.memory_space<hbm>> -> memref<1x640xf32, #tpu.memory_space<hbm>>
      %dma_wait3A_49 = tpu.memref_squeeze %dma_wait3A : memref<1x640xf32, #tpu.memory_space<hbm>> -> memref<640xf32, #tpu.memory_space<hbm>>
      %dma_wait3A_50 = tpu.memref_slice %arg5[%mul3A_44] : memref<10240xf32, #tpu.memory_space<vmem_shared>> -> memref<640xf32, #tpu.memory_space<vmem_shared>>
      tpu.wait_dma2 semaphore(%run_scoped3A : memref<!tpu.dma_semaphore, #tpu.memory_space<semaphore_mem>>) src(%dma_wait3A_50 : memref<640xf32, #tpu.memory_space<vmem_shared>>) dst(%dma_wait3A_49 : memref<640xf32, #tpu.memory_space<hbm>>)
      tpu.yield
    }) : () -> ()
    return
  }
}

module attributes {stable_mosaic.version = 14 : i64} {
  func.func @_proj_body(%arg0: i32, %arg1: memref<2000x128xf32, #tpu.memory_space<vmem>>, %arg2: memref<128x128xf32, #tpu.memory_space<vmem>>, %arg3: memref<2x2000x1xf32, #tpu.memory_space<vmem>>, %arg4: memref<2000x128xf32, #tpu.memory_space<vmem>>, %arg5: memref<2000x1xf32, #tpu.memory_space<vmem>>) attributes {dimension_semantics = [#tpu.dimension_semantics<arbitrary>], iteration_bounds = array<i64: 5>, scalar_prefetch = 0 : i64, scratch_operands = 0 : i64, tpu.core_type = #tpu.core_type<tc>, window_params = [{transform_indices = @transform_0, window_bounds = array<i64: 2000, 128>}, {pipeline_mode = #tpu.pipeline_mode<synchronous>, transform_indices = @transform_1, window_bounds = array<i64: 128, 128>}, {transform_indices = @transform_2, window_bounds = array<i64: 2, 2000, 1>}, {transform_indices = @transform_3, window_bounds = array<i64: 2000, 128>}, {transform_indices = @transform_4, window_bounds = array<i64: 2000, 1>}]} {
    %get3A = arith.constant 0 : index
    %get3A_0 = arith.constant 0 : index
    %get3A_1 = arith.constant 0 : index
    %get3A_2 = vector.load %arg3[%get3A, %get3A_0, %get3A_1] : memref<2x2000x1xf32, #tpu.memory_space<vmem>>, vector<1x2000x1xf32>
    %get3A_3 = vector.shape_cast %get3A_2 : vector<1x2000x1xf32> to vector<2000x1xf32>
    %get3A_4 = arith.constant 1 : index
    %get3A_5 = arith.constant 0 : index
    %get3A_6 = arith.constant 0 : index
    %get3A_7 = vector.load %arg3[%get3A_4, %get3A_5, %get3A_6] : memref<2x2000x1xf32, #tpu.memory_space<vmem>>, vector<1x2000x1xf32>
    %get3A_8 = vector.shape_cast %get3A_7 : vector<1x2000x1xf32> to vector<2000x1xf32>
    %add3A = arith.addf %get3A_3, %get3A_8 : vector<2000x1xf32>
    %add3A_9 = arith.constant 1.000000e+00 : f32
    %add3A_10 = vector.broadcast %add3A_9 : f32 to vector<2000x1xf32>
    %add3A_11 = arith.addf %add3A, %add3A_10 : vector<2000x1xf32>
    %rsqrt3A = math.rsqrt %add3A_11 : vector<2000x1xf32>
    %swap3A = arith.constant 0 : index
    %swap3A_12 = arith.constant 0 : index
    %swap3A_13 = vector.load %arg5[%swap3A, %swap3A_12] : memref<2000x1xf32, #tpu.memory_space<vmem>>, vector<2000x1xf32>
    tpu.vector_store %arg5[%swap3A, %swap3A_12], %rsqrt3A {strides = array<i32>} : memref<2000x1xf32, #tpu.memory_space<vmem>>, vector<2000x1xf32>,
    %get3A_14 = arith.constant 0 : index
    %get3A_15 = arith.constant 0 : index
    %get3A_16 = vector.load %arg1[%get3A_14, %get3A_15] : memref<2000x128xf32, #tpu.memory_space<vmem>>, vector<2000x128xf32>
    %get3A_17 = arith.constant 0 : index
    %get3A_18 = arith.constant 0 : index
    %get3A_19 = vector.load %arg2[%get3A_17, %get3A_18] : memref<128x128xf32, #tpu.memory_space<vmem>>, vector<128x128xf32>
    %dot_general3A = arith.constant dense<0.000000e+00> : vector<2000x128xf32>
    %dot_general3A_20 = tpu.matmul %get3A_16, %get3A_19, %dot_general3A {dimension_numbers = #tpu.dot_dimension_numbers<[1], [0], [0], [1], [0, 0, 1, 1], [], []>, transpose_lhs_hint = false} : vector<2000x128xf32>, vector<128x128xf32>, vector<2000x128xf32> -> vector<2000x128xf32>
    %mul3A = vector.broadcast %rsqrt3A : vector<2000x1xf32> to vector<2000x128xf32>
    %mul3A_21 = arith.mulf %mul3A, %dot_general3A_20 : vector<2000x128xf32>
    %swap3A_22 = arith.constant 0 : index
    %swap3A_23 = arith.constant 0 : index
    %swap3A_24 = vector.load %arg4[%swap3A_22, %swap3A_23] : memref<2000x128xf32, #tpu.memory_space<vmem>>, vector<2000x128xf32>
    tpu.vector_store %arg4[%swap3A_22, %swap3A_23], %mul3A_21 {strides = array<i32>} : memref<2000x128xf32, #tpu.memory_space<vmem>>, vector<2000x128xf32>,
    return
  }
  func.func @transform_0(%arg0: i32) -> (i32, i32) {
    %c0_i32 = arith.constant 0 : i32
    %c0_i32_0 = arith.constant 0 : i32
    return %arg0, %c0_i32 : i32, i32
  }
  func.func @transform_1(%arg0: i32) -> (i32, i32) {
    %c0_i32 = arith.constant 0 : i32
    %c0_i32_0 = arith.constant 0 : i32
    %c0_i32_1 = arith.constant 0 : i32
    return %c0_i32, %c0_i32_0 : i32, i32
  }
  func.func @transform_2(%arg0: i32) -> (i32, i32, i32) {
    %c0_i32 = arith.constant 0 : i32
    %c0_i32_0 = arith.constant 0 : i32
    %c0_i32_1 = arith.constant 0 : i32
    return %c0_i32, %arg0, %c0_i32_0 : i32, i32, i32
  }
  func.func @transform_3(%arg0: i32) -> (i32, i32) {
    %c0_i32 = arith.constant 0 : i32
    %c0_i32_0 = arith.constant 0 : i32
    return %arg0, %c0_i32 : i32, i32
  }
  func.func @transform_4(%arg0: i32) -> (i32, i32) {
    %c0_i32 = arith.constant 0 : i32
    %c0_i32_0 = arith.constant 0 : i32
    return %arg0, %c0_i32 : i32, i32
  }
}

module attributes {stable_mosaic.version = 14 : i64} {
  func.func @_head_body(%arg0: i32, %arg1: memref<2000x1xf32, #tpu.memory_space<vmem>>, %arg2: memref<2000x128xf32, #tpu.memory_space<vmem>>, %arg3: memref<2x2000x128xf32, #tpu.memory_space<vmem>>, %arg4: memref<2x2000x1xf32, #tpu.memory_space<vmem>>, %arg5: memref<1x128xf32, #tpu.memory_space<vmem>>, %arg6: memref<128x128xf32, #tpu.memory_space<vmem>>, %arg7: memref<1x128xf32, #tpu.memory_space<vmem>>, %arg8: memref<128x128xf32, #tpu.memory_space<vmem>>, %arg9: memref<1x128xf32, #tpu.memory_space<vmem>>, %arg10: memref<1x128xf32, #tpu.memory_space<vmem>>, %arg11: memref<1x128xf32, #tpu.memory_space<vmem>>) attributes {dimension_semantics = [#tpu.dimension_semantics<arbitrary>], iteration_bounds = array<i64: 5>, scalar_prefetch = 0 : i64, scratch_operands = 1 : i64, tpu.core_type = #tpu.core_type<tc>, window_params = [{transform_indices = @transform_0, window_bounds = array<i64: 2000, 1>}, {transform_indices = @transform_1, window_bounds = array<i64: 2000, 128>}, {transform_indices = @transform_2, window_bounds = array<i64: 2, 2000, 128>}, {transform_indices = @transform_3, window_bounds = array<i64: 2, 2000, 1>}, {pipeline_mode = #tpu.pipeline_mode<synchronous>, transform_indices = @transform_4, window_bounds = array<i64: 1, 128>}, {pipeline_mode = #tpu.pipeline_mode<synchronous>, transform_indices = @transform_5, window_bounds = array<i64: 128, 128>}, {pipeline_mode = #tpu.pipeline_mode<synchronous>, transform_indices = @transform_6, window_bounds = array<i64: 1, 128>}, {pipeline_mode = #tpu.pipeline_mode<synchronous>, transform_indices = @transform_7, window_bounds = array<i64: 128, 128>}, {pipeline_mode = #tpu.pipeline_mode<synchronous>, transform_indices = @transform_8, window_bounds = array<i64: 1, 128>}, {pipeline_mode = #tpu.pipeline_mode<synchronous>, transform_indices = @transform_9, window_bounds = array<i64: 1, 128>}]} {
    %get3A = arith.constant 0 : index
    %get3A_0 = arith.constant 0 : index
    %get3A_1 = vector.load %arg1[%get3A, %get3A_0] : memref<2000x1xf32, #tpu.memory_space<vmem>>, vector<2000x1xf32>
    %get3A_2 = arith.constant 0 : index
    %get3A_3 = arith.constant 0 : index
    %get3A_4 = arith.constant 0 : index
    %get3A_5 = vector.load %arg3[%get3A_2, %get3A_3, %get3A_4] : memref<2x2000x128xf32, #tpu.memory_space<vmem>>, vector<1x2000x128xf32>
    %get3A_6 = vector.shape_cast %get3A_5 : vector<1x2000x128xf32> to vector<2000x128xf32>
    %get3A_7 = arith.constant 1 : index
    %get3A_8 = arith.constant 0 : index
    %get3A_9 = arith.constant 0 : index
    %get3A_10 = vector.load %arg3[%get3A_7, %get3A_8, %get3A_9] : memref<2x2000x128xf32, #tpu.memory_space<vmem>>, vector<1x2000x128xf32>
    %get3A_11 = vector.shape_cast %get3A_10 : vector<1x2000x128xf32> to vector<2000x128xf32>
    %add3A = arith.addf %get3A_6, %get3A_11 : vector<2000x128xf32>
    %get3A_12 = arith.constant 0 : index
    %get3A_13 = arith.constant 0 : index
    %get3A_14 = vector.load %arg2[%get3A_12, %get3A_13] : memref<2000x128xf32, #tpu.memory_space<vmem>>, vector<2000x128xf32>
    %add3A_15 = arith.addf %add3A, %get3A_14 : vector<2000x128xf32>
    %mul3A = vector.broadcast %get3A_1 : vector<2000x1xf32> to vector<2000x128xf32>
    %mul3A_16 = arith.mulf %mul3A, %add3A_15 : vector<2000x128xf32>
    %get3A_17 = arith.constant 0 : index
    %get3A_18 = arith.constant 0 : index
    %get3A_19 = vector.load %arg5[%get3A_17, %get3A_18] : memref<1x128xf32, #tpu.memory_space<vmem>>, vector<1x128xf32>
    %add3A_20 = vector.broadcast %get3A_19 : vector<1x128xf32> to vector<2000x128xf32>
    %add3A_21 = arith.addf %mul3A_16, %add3A_20 : vector<2000x128xf32>
    %max3A = arith.constant 0.000000e+00 : f32
    %max3A_22 = vector.broadcast %max3A : f32 to vector<2000x128xf32>
    %max3A_23 = arith.maximumf %add3A_21, %max3A_22 : vector<2000x128xf32>
    %get3A_24 = arith.constant 0 : index
    %get3A_25 = arith.constant 0 : index
    %get3A_26 = arith.constant 0 : index
    %get3A_27 = vector.load %arg4[%get3A_24, %get3A_25, %get3A_26] : memref<2x2000x1xf32, #tpu.memory_space<vmem>>, vector<1x2000x1xf32>
    %get3A_28 = vector.shape_cast %get3A_27 : vector<1x2000x1xf32> to vector<2000x1xf32>
    %get3A_29 = arith.constant 1 : index
    %get3A_30 = arith.constant 0 : index
    %get3A_31 = arith.constant 0 : index
    %get3A_32 = vector.load %arg4[%get3A_29, %get3A_30, %get3A_31] : memref<2x2000x1xf32, #tpu.memory_space<vmem>>, vector<1x2000x1xf32>
    %get3A_33 = vector.shape_cast %get3A_32 : vector<1x2000x1xf32> to vector<2000x1xf32>
    %add3A_34 = arith.addf %get3A_28, %get3A_33 : vector<2000x1xf32>
    %add3A_35 = arith.addf %get3A_1, %add3A_34 : vector<2000x1xf32>
    %mul3A_36 = arith.mulf %get3A_1, %add3A_35 : vector<2000x1xf32>
    %mul3A_37 = vector.broadcast %mul3A_36 : vector<2000x1xf32> to vector<2000x128xf32>
    %mul3A_38 = arith.mulf %mul3A_37, %max3A_23 : vector<2000x128xf32>
    %reduce_sum3A = arith.constant dense<0.000000e+00> : vector<128xf32>
    %reduce_sum3A_39 = vector.multi_reduction <add>, %mul3A_38, %reduce_sum3A [0] : vector<2000x128xf32> to vector<128xf32>
    %broadcast_in_dim3A = vector.shape_cast %reduce_sum3A_39 : vector<128xf32> to vector<1x128xf32>
    %eq3A = arith.constant 0 : i32
    %eq3A_40 = arith.cmpi eq, %arg0, %eq3A : i32
    %convert_element_type3A = arith.extui %eq3A_40 : i1 to i32
    %cond3A = arith.constant 0 : i32
    %cond3A_41 = arith.cmpi ne, %convert_element_type3A, %cond3A : i32
    scf.if %cond3A_41 {
      %broadcast_in_dim3A_53 = arith.constant 0.000000e+00 : f32
      %broadcast_in_dim3A_54 = vector.broadcast %broadcast_in_dim3A_53 : f32 to vector<1x128xf32>
      %swap3A_55 = arith.constant 0 : index
      %swap3A_56 = arith.constant 0 : index
      %swap3A_57 = vector.load %arg11[%swap3A_55, %swap3A_56] : memref<1x128xf32, #tpu.memory_space<vmem>>, vector<1x128xf32>
      tpu.vector_store %arg11[%swap3A_55, %swap3A_56], %broadcast_in_dim3A_54 {strides = array<i32>} : memref<1x128xf32, #tpu.memory_space<vmem>>, vector<1x128xf32>,
    } else {
    }
    %get3A_42 = arith.constant 0 : index
    %get3A_43 = arith.constant 0 : index
    %get3A_44 = vector.load %arg11[%get3A_42, %get3A_43] : memref<1x128xf32, #tpu.memory_space<vmem>>, vector<1x128xf32>
    %add3A_45 = arith.addf %get3A_44, %broadcast_in_dim3A : vector<1x128xf32>
    %swap3A = arith.constant 0 : index
    %swap3A_46 = arith.constant 0 : index
    %swap3A_47 = vector.load %arg11[%swap3A, %swap3A_46] : memref<1x128xf32, #tpu.memory_space<vmem>>, vector<1x128xf32>
    tpu.vector_store %arg11[%swap3A, %swap3A_46], %add3A_45 {strides = array<i32>} : memref<1x128xf32, #tpu.memory_space<vmem>>, vector<1x128xf32>,
    %eq3A_48 = arith.constant 4 : i32
    %eq3A_49 = arith.cmpi eq, %arg0, %eq3A_48 : i32
    %convert_element_type3A_50 = arith.extui %eq3A_49 : i1 to i32
    %cond3A_51 = arith.constant 0 : i32
    %cond3A_52 = arith.cmpi ne, %convert_element_type3A_50, %cond3A_51 : i32
    scf.if %cond3A_52 {
      %get3A_53 = arith.constant 0 : index
      %get3A_54 = arith.constant 0 : index
      %get3A_55 = vector.load %arg11[%get3A_53, %get3A_54] : memref<1x128xf32, #tpu.memory_space<vmem>>, vector<1x128xf32>
      %mul3A_56 = arith.constant 9.99999974E-5 : f32
      %mul3A_57 = vector.broadcast %mul3A_56 : f32 to vector<1x128xf32>
      %mul3A_58 = arith.mulf %get3A_55, %mul3A_57 : vector<1x128xf32>
      %get3A_59 = arith.constant 0 : index
      %get3A_60 = arith.constant 0 : index
      %get3A_61 = vector.load %arg6[%get3A_59, %get3A_60] : memref<128x128xf32, #tpu.memory_space<vmem>>, vector<128x128xf32>
      %dot_general3A = arith.constant dense<0.000000e+00> : vector<1x128xf32>
      %dot_general3A_62 = tpu.matmul %mul3A_58, %get3A_61, %dot_general3A {dimension_numbers = #tpu.dot_dimension_numbers<[1], [0], [0], [1], [0, 0, 1, 1], [], []>, transpose_lhs_hint = false} : vector<1x128xf32>, vector<128x128xf32>, vector<1x128xf32> -> vector<1x128xf32>
      %get3A_63 = arith.constant 0 : index
      %get3A_64 = arith.constant 0 : index
      %get3A_65 = vector.load %arg7[%get3A_63, %get3A_64] : memref<1x128xf32, #tpu.memory_space<vmem>>, vector<1x128xf32>
      %add3A_66 = arith.addf %dot_general3A_62, %get3A_65 : vector<1x128xf32>
      %get3A_67 = arith.constant 0 : index
      %get3A_68 = arith.constant 0 : index
      %get3A_69 = vector.load %arg8[%get3A_67, %get3A_68] : memref<128x128xf32, #tpu.memory_space<vmem>>, vector<128x128xf32>
      %dot_general3A_70 = arith.constant dense<0.000000e+00> : vector<1x128xf32>
      %dot_general3A_71 = tpu.matmul %add3A_66, %get3A_69, %dot_general3A_70 {dimension_numbers = #tpu.dot_dimension_numbers<[1], [0], [0], [1], [0, 0, 1, 1], [], []>, transpose_lhs_hint = false} : vector<1x128xf32>, vector<128x128xf32>, vector<1x128xf32> -> vector<1x128xf32>
      %get3A_72 = arith.constant 0 : index
      %get3A_73 = arith.constant 0 : index
      %get3A_74 = vector.load %arg9[%get3A_72, %get3A_73] : memref<1x128xf32, #tpu.memory_space<vmem>>, vector<1x128xf32>
      %add3A_75 = arith.addf %dot_general3A_71, %get3A_74 : vector<1x128xf32>
      %swap3A_76 = arith.constant 0 : index
      %swap3A_77 = arith.constant 0 : index
      %swap3A_78 = vector.load %arg10[%swap3A_76, %swap3A_77] : memref<1x128xf32, #tpu.memory_space<vmem>>, vector<1x128xf32>
      tpu.vector_store %arg10[%swap3A_76, %swap3A_77], %add3A_75 {strides = array<i32>} : memref<1x128xf32, #tpu.memory_space<vmem>>, vector<1x128xf32>,
    } else {
    }
    return
  }
  func.func @transform_0(%arg0: i32) -> (i32, i32) {
    %c0_i32 = arith.constant 0 : i32
    %c0_i32_0 = arith.constant 0 : i32
    return %arg0, %c0_i32 : i32, i32
  }
  func.func @transform_1(%arg0: i32) -> (i32, i32) {
    %c0_i32 = arith.constant 0 : i32
    %c0_i32_0 = arith.constant 0 : i32
    return %arg0, %c0_i32 : i32, i32
  }
  func.func @transform_2(%arg0: i32) -> (i32, i32, i32) {
    %c0_i32 = arith.constant 0 : i32
    %c0_i32_0 = arith.constant 0 : i32
    %c0_i32_1 = arith.constant 0 : i32
    return %c0_i32, %arg0, %c0_i32_0 : i32, i32, i32
  }
  func.func @transform_3(%arg0: i32) -> (i32, i32, i32) {
    %c0_i32 = arith.constant 0 : i32
    %c0_i32_0 = arith.constant 0 : i32
    %c0_i32_1 = arith.constant 0 : i32
    return %c0_i32, %arg0, %c0_i32_0 : i32, i32, i32
  }
  func.func @transform_4(%arg0: i32) -> (i32, i32) {
    %c0_i32 = arith.constant 0 : i32
    %c0_i32_0 = arith.constant 0 : i32
    %c0_i32_1 = arith.constant 0 : i32
    return %c0_i32, %c0_i32_0 : i32, i32
  }
  func.func @transform_5(%arg0: i32) -> (i32, i32) {
    %c0_i32 = arith.constant 0 : i32
    %c0_i32_0 = arith.constant 0 : i32
    %c0_i32_1 = arith.constant 0 : i32
    return %c0_i32, %c0_i32_0 : i32, i32
  }
  func.func @transform_6(%arg0: i32) -> (i32, i32) {
    %c0_i32 = arith.constant 0 : i32
    %c0_i32_0 = arith.constant 0 : i32
    %c0_i32_1 = arith.constant 0 : i32
    return %c0_i32, %c0_i32_0 : i32, i32
  }
  func.func @transform_7(%arg0: i32) -> (i32, i32) {
    %c0_i32 = arith.constant 0 : i32
    %c0_i32_0 = arith.constant 0 : i32
    %c0_i32_1 = arith.constant 0 : i32
    return %c0_i32, %c0_i32_0 : i32, i32
  }
  func.func @transform_8(%arg0: i32) -> (i32, i32) {
    %c0_i32 = arith.constant 0 : i32
    %c0_i32_0 = arith.constant 0 : i32
    %c0_i32_1 = arith.constant 0 : i32
    return %c0_i32, %c0_i32_0 : i32, i32
  }
  func.func @transform_9(%arg0: i32) -> (i32, i32) {
    %c0_i32 = arith.constant 0 : i32
    %c0_i32_0 = arith.constant 0 : i32
    %c0_i32_1 = arith.constant 0 : i32
    return %c0_i32, %c0_i32_0 : i32, i32
  }
}

</mosaic_0001>

<sc_bundles>
// kernel: kernel.6.cloned.1.call-start
scs
__scs_entry_jumppad:
0x0: {  	(pc) =	sbr.rel $0x88, $3  }
0x1: {  	(tag) =	ssettag $0x0;
	lr =	simm.s32 $0x1  }
0x2: {  	[smem:$0x3F99] =	sst lr;
	_ =	strace $0xD0000000  }
0x3: {  	_ = 	snop  }
0x4: {  	_ = 	snop  }
0x5: {  	_ = 	snop  }
0x6: {  	_ = 	snop  }
0x7: {  	_ = 	snop  }
__scs_overlays_trampoline_lowered:
0x8: {  	[smem:$0x3FA8] =	sst s0  }
0x9: {  	[smem:$0x3FA9] =	sst s1  }
0xa: {  	[smem:$0x3FAA] =	sst s2  }
0xb: {  	[smem:$0x3FAB] =	sst s3  }
0xc: {  	[smem:$0x3FAC] =	sst s4  }
0xd: {  	[smem:$0x3FAD] =	sst s5  }
0xe: {  	[smem:$0x3FAE] =	sst s6  }
0xf: {  	[smem:$0x3FAF] =	sst s7  }
0x10: {  	[smem:$0x3FB0] =	sst s8  }
0x11: {  	[smem:$0x3FB1] =	sst s9;
	s0 =	simm.s32 @!p0 $0x0  }
0x12: {  	s1 =	sld [smem:$0x3F97];
	s0 =	simm.s32 @p0 $0x1  }
0x13: {  	[smem:$0x3FB2] =	sst s0;
	s0 =	simm.s32 @!p1 $0x0  }
0x14: {  	s2 =	sld [smem:$0x3F96];
	s0 =	simm.s32 @p1 $0x1  }
0x15: {  	[smem:$0x3FB3] =	sst s0;
	s0 =	simm.s32 @!p2 $0x0  }
0x16: {  	s3 =	sld [smem:$0x3FDB];
	s0 =	simm.s32 @p2 $0x1  }
0x17: {  	s4 =	simm.s32 $0x1BF5;
	[smem:$0x3FB5] =	sst s0  }
0x18: {  	s0 =	sld [smem:$0x3F98];
	_ =	swait.ge [sflag:s4], $0x0  }
0x19: {  	s7 =	sld [smem:$0x3F99]  }
0x1a: {  	s8 =	sadd.s32 $0xFFFFE003, lr  }
0x1b: {  	s9 =	sadd.s32 $0xFFFFFEF7, lr;
	s5 =	simm.s32 $0xFFFFFFFF;
	p2 =	slt.u32 s8, $0xFFFFF086  }
0x1c: {  	p1 =	slt.u32 s9, $0xF7A;
	s5 =	simm.s32 @!p2 $0x0  }
0x1d: {  	s5 =	simm.s32 @p1 $0x1;
	p0 =	seq.s32 s7, s2  }
0x1e: {  	s7 =	smul.u32 @!p0 $0xF7A, s2;
	p2 =	seq.s32 @!p0 s5, $0x0  }
0x1f: {  	s9 =	smul.u32 $0xF7A, s1;
	s8 =	simm.s32 @!p0 $0x1BF5;
	p2 =	por !p2, p0  }
0x20: {  	[sflag:s8] =	ssyncset.s32 @!p0 $0xFFFFF086;
	s6 =	sadd.s32 @!p0 s3, s7;
	s7 =	simm.s32 @!p0 $0x108  }
0x21: {  	s3 =	sadd.s32 s3, s9;
	s6 =	sadd.s32 @!p0 $0x88, s6;
	s7 =	simm.s32 @p2 $0x1082  }
0x22: {  	[simem:s7], [sflag:s8] =	dma.local @!p0 [hbm:s6], $0xF7A  }
0x23: {  	s9 =	sor.u32 $0xD0000000, s2;
	s6 =	simm.s32 $0x108;
	_ =	swait.ge @!p0 [sflag:s8], $0x0  }
0x24: {  	s3 =	sadd.s32 $0x88, s3;
	s6 =	simm.s32 @!p1 $0x1082;
	[sflag:s4] =	ssyncset.s32 $0xFFFFF086  }
0x25: {  	[simem:s6], [sflag:s4] =	dma.local [hbm:s3], $0xF7A  }
0x26: {  	[smem:$0x3F99] =	sst s1;
	(tag) =	ssettag s2;
	_ =	strace s9  }
0x27: {  	s1 =	sld [smem:$0x3FA9]  }
0x28: {  	s2 =	sld [smem:$0x3FAA]  }
0x29: {  	s4 =	sld [smem:$0x3FAC]  }
0x2a: {  	p0 =	seq.s32 s5, $0x0;
	s5 =	sld [smem:$0x3FAD]  }
0x2b: {  	s6 =	sld [smem:$0x3FAE]  }
0x2c: {  	s7 =	sld [smem:$0x3FAF]  }
0x2d: {  	s3 =	simm.s32 $0x108;
	s8 =	sld [smem:$0x3FB0]  }
0x2e: {  	s3 =	simm.s32 @!p0 $0x1082;
	s9 =	sld [smem:$0x3FB1]  }
0x2f: {  	lr =	sadd.s32 s0, s3;
	s0 =	sld [smem:$0x3FA8]  }
0x30: {  	s3 =	sld [smem:$0x3FAB]  }
0x31: {  	[smem:$0x3FB4] =	sst s10  }
0x32: {  	s10 =	sld [smem:$0x3FB2];
	_ =	sdelay $0x3  }
0x33: {  	p0 =	seq.s32 s10, $0x1;
	s10 =	sld [smem:$0x3FB4];
	_ =	sdelay $0x3  }
0x34: {  	[smem:$0x3FB4] =	sst s10  }
0x35: {  	s10 =	sld [smem:$0x3FB3];
	_ =	sdelay $0x3  }
0x36: {  	p1 =	seq.s32 s10, $0x1;
	s10 =	sld [smem:$0x3FB4];
	_ =	sdelay $0x3  }
0x37: {  	[smem:$0x3FB4] =	sst s10  }
0x38: {  	s10 =	sld [smem:$0x3FB5]  }
0x39: {  	_ = 	snop;
	(pc) =	sbr.ind lr, $3  }
0x3a: {  	_ = 	snop  }
0x3b: {  	_ = 	snop  }
0x3c: {  	p2 =	seq.s32 s10, $0x1;
	s10 =	sld [smem:$0x3FB4]  }
0x3d: {  	_ =	shalt  }
0x3e: {  	_ =	shalt  }
0x3f: {  	_ =	shalt  }
0x40: {  	_ =	shalt  }
0x41: {  	_ =	shalt  }
0x42: {  	_ =	shalt  }
0x43: {  	_ =	shalt  }
0x44: {  	_ =	shalt  }
0x45: {  	_ =	shalt  }
0x46: {  	_ =	shalt  }
0x47: {  	_ =	shalt  }
0x48: {  	_ =	shalt  }
0x49: {  	_ =	shalt  }
0x4a: {  	_ =	shalt  }
0x4b: {  	_ =	shalt  }
0x4c: {  	_ =	shalt  }
0x4d: {  	_ =	shalt  }
0x4e: {  	_ =	shalt  }
0x4f: {  	_ =	shalt  }
0x50: {  	_ =	shalt  }
0x51: {  	_ =	shalt  }
0x52: {  	_ =	shalt  }
0x53: {  	_ =	shalt  }
0x54: {  	_ =	shalt  }
0x55: {  	_ =	shalt  }
0x56: {  	_ =	shalt  }
0x57: {  	_ =	shalt  }
0x58: {  	_ =	shalt  }
0x59: {  	_ =	shalt  }
0x5a: {  	_ =	shalt  }
0x5b: {  	_ =	shalt  }
0x5c: {  	_ =	shalt  }
0x5d: {  	_ =	shalt  }
0x5e: {  	_ =	shalt  }
0x5f: {  	_ =	shalt  }
0x60: {  	_ =	shalt  }
0x61: {  	_ =	shalt  }
0x62: {  	_ =	shalt  }
0x63: {  	_ =	shalt  }
0x64: {  	_ =	shalt  }
0x65: {  	_ =	shalt  }
0x66: {  	_ =	shalt  }
0x67: {  	_ =	shalt  }
0x68: {  	_ =	shalt  }
0x69: {  	_ =	shalt  }
0x6a: {  	_ =	shalt  }
0x6b: {  	_ =	shalt  }
0x6c: {  	_ =	shalt  }
0x6d: {  	_ =	shalt  }
0x6e: {  	_ =	shalt  }
0x6f: {  	_ =	shalt  }
0x70: {  	_ =	shalt  }
0x71: {  	_ =	shalt  }
0x72: {  	_ =	shalt  }
0x73: {  	_ =	shalt  }
0x74: {  	_ =	shalt  }
0x75: {  	_ =	shalt  }
0x76: {  	_ =	shalt  }
0x77: {  	_ =	shalt  }
0x78: {  	_ =	shalt  }
0x79: {  	_ =	shalt  }
0x7a: {  	_ =	shalt  }
0x7b: {  	_ =	shalt  }
0x7c: {  	_ =	shalt  }
0x7d: {  	_ =	shalt  }
0x7e: {  	_ =	shalt  }
0x7f: {  	_ =	shalt  }
0x80: {  	_ =	shalt  }
0x81: {  	_ =	shalt  }
0x82: {  	_ =	shalt  }
0x83: {  	_ =	shalt  }
0x84: {  	_ =	shalt  }
0x85: {  	_ =	shalt  }
0x86: {  	_ =	shalt  }
0x87: {  	_ =	shalt  }
.Lfunc_end0:
.L_simem_size_0:
called_computation_lowered:
.L_overlay_start_0:
0x88: {  	s2 =	sld [smem:$0x3FD9]  }
0x89: {  	s3 =	sld [smem:$0x3FFE];
	_ =	sdelay $0x1  }
0x8a: {  	s1 =	srdreg.scid  }
0x8b: {  	s0 =	sand.u32 $0x1, s1  }
0x8c: {  	s16 =	sshll.u32 s0, $0xA;
	s2 =	sadd.s32 s3, s2  }
0x8d: {  	s2 =	sadd.s32 s2, s16  }
0x8e: {  	[smem:$0x3FC0] =	sst s2  }
0x8f: {  	_ = 	snop  }
0x90: {  	(tm) =	ssettm $0x1  }
0x91: {  	s17 =	sld [smem:$0x3FFB];
	_ =	sdelay $0x3  }
0x92: {  	_ =	strace s17  }
0x93: {  	s2 =	sld [smem:$0x3FFC];
	_ =	sdelay $0x3  }
0x94: {  	_ =	strace s2  }
0x95: {  	s2 =	sld [smem:$0x3FFD];
	_ =	sdelay $0x3  }
0x96: {  	_ =	strace s2  }
0x97: {  	_ =	strace $0x8FFFFFFF  }
0x98: {  	s18 =	sld [smem:$0x3FDB];
	_ =	sdelay $0x1  }
0x99: {  	s19 =	simm.s32 $_scs_section_size  }
0x9a: {  	s4 =	simm.s32 $_size__tile_overlayer_lowered;
	s5 =	simm.s32 $_tile_overlayer_lowered  }
0x9b: {  	s22 =	simm.s32 $0x1BFF;
	s21 =	sshll.u32 s5, $0x1;
	s2 =	sadd.s32 s19, s18  }
0x9c: {  	s6 =	simm.s32 $0x0;
	s20 =	sshll.u32 s4, $0x1;
	s4 =	sadd.s32 s21, s2  }
0x9d: {  	[timem:s6], [sflag:s22] =	dma.local [hbm:s4], s20  }
0x9e: {  	_ =	swait.ge [sflag:s22], s20  }
0x9f: {  	s3 =	ssub.s32 $0x0, s20;
	[sflag:s22] =	ssyncset.done $0x0  }
0xa0: {  	[sflag:s22] =	ssyncadd.s32 s3;
	_ =	sdelay $0x1  }
0xa1: {  	s23 =	simm.s32 $0x1B8B  }
0xa2: {  	_ =	swait.ge [sflag:s23], $0x1  }
0xa3: {  	[sflag:s23] =	ssyncset.done $0x0  }
0xa4: {  	s25 =	simm.s32 $0x1B8E;
	s24 =	sld [smem:$0x3FFE];
	[sflag:s23] =	ssyncadd.s32 $0xFFFFFFFF  }
0xa5: {  	s26 =	simm.s32 $execute0_lowered;
	[smem:$0x3FD2] =	sst s25  }
0xa6: {  	s4 =	sshll.u32 s26, $0x1;
	_ =	strace $0x80000046;
	[dreg:$0x1] =	wrdreg $0xFFFFFFFF  }
0xa7: {  	s28 =	simm.s32 $_size_execute0_lowered;
	s2 =	sadd.s32 s2, s4;
	[dreg:$0x0] =	wrdreg $0x0  }
0xa8: {  	s4 =	sshll.u32 s28, $0x1;
	[dreg:$0x2] =	wrdreg s2  }
0xa9: {  	[dreg:$0x3] =	wrdreg s4  }
0xaa: {  	[dreg:$0x4] =	wrdreg $0xC0  }
0xab: {  	_ =	task [dreg:s6], $0x5FFFF  }
0xac: {  	[dreg:$0x1] =	wrdreg $0xFFFFFFFF  }
0xad: {  	[dreg:$0x0] =	wrdreg $0x60  }
0xae: {  	[dreg:$0x2] =	wrdreg s24  }
0xaf: {  	[dreg:$0x3] =	wrdreg $0x0  }
0xb0: {  	[dreg:$0x4] =	wrdreg $0x9  }
0xb1: {  	_ =	task.clear_ibuf [dreg:s6], $0x5FFFF;
	_ =	strace $0x90000046  }
0xb2: {  	s29 =	simm.s32 $0x9;
	_ =	strace $0x80000048  }
0xb3: {  	_ =	swait.ge [sflag:s29], $0x1  }
0xb4: {  	[sflag:s29] =	ssyncadd.s32 $0xFFFFFFFF  }
0xb5: {  	_ =	strace $0x90000048  }
0xb6: {  	_ =	sfence  }
0xb7: {  	s30 =	sld [smem:$0x0];
	_ =	sdelay $0x2  }
0xb8: {  	s31 =	sshll.u32 s1, $0xD;
	s1 =	sshrl.u32 s1, $0x2  }
0xb9: {  	s3 =	sand.u32 $0x4000, s31;
	s1 =	sadd.s32 s1, s30  }
0xba: {  	s0 =	sor.u32 s3, s0;
	s1 =	sshll.u32 s1, $0x11  }
0xbb: {  	s0 =	sor.u32 s1, s0  }
0xbc: {  	s0 =	sadd.s32 $0x8F2B, s0  }
0xbd: {  	[sflag:s0] =	ssyncadd.remote.s32 $0x1  }
0xbe: {  	_ =	sfence.sel $0xFFFF  }
0xbf: {  	[dreg:$0x0] =	wrdreg $0xFFFFFFFF;
	(pc) =	sbr.abs _section_cstart, $3  }
0xc0: {  	[dreg:$0x1] =	wrdreg $0xFFFFFFFF  }
0xc1: {  	_ =	task.clear_ibuf [dreg:s6], $0x2FFFF;
	_ =	strace $0x9FFFFFFF  }
0xc2: {  	(tm) =	ssettm $0x7FFFFFFF  }
0xc3: {  	_ =	shalt  }
tec
execute0_lowered:
.L_overlay_start_1:
0x0: {  	(tag) =	ssettag $0x1  }
0x1: {  	s5 =	rddreg [dreg:$0x0]  }
0x2: {  	s0 =	srdreg.scid;
	s2 =	rddreg [dreg:$0x1];
	s3 =	simm.s32 $0x0  }
0x3: {  	s12 =	simm.s32 $0x80;
	s13 =	simm.s32 $0x2A80;
	s14 =	simm.s32 $0x1  }
0x4: {  	s15 =	simm.s32 $0x2;
	s16 =	simm.s32 $0x3;
	s17 =	simm.s32 $0x4  }
0x5: {  	s18 =	simm.s32 $0x20;
	s4 =	sand.u32 $0x1, s0;
	s0 =	stileid.u32  }
0x6: {  	s19 =	simm.s32 $0x10;
	s20 =	simm.s32 $0x0;
	s7 =	smul.u32 $0x280, s0  }
0x7: {  	[smem:$0x7FF] =	sst s3;
	s1 =	sshll.u32 s4, $0x4;
	s8 =	smul.u32 $0x500, s0  }
0x8: {  	s9 =	sshll.u32 s4, $0x7;
	s4 =	ssub.s32 $0x2, s4;
	s1 =	sor.u32 s0, s1  }
0x9: {  	s31 =	sshll.u32 s0, $0x6;
	s30 =	sshrl.u32 s4, $0x1;
	s6 =	smul.u32 $0x500, s1  }
0xa: {  	s1 =	rddreg [dreg:$0x2];
	_ =	strace $0x80000047;
	s10 =	sshrl.u32 s7, $0x3  }
0xb: {  	s8 =	sor.u32 s9, s8;
	s11 =	sadd.s32 s7, s2;
	s29 =	sadd.s32 s10, s5  }
0xc: {  	s8 =	sshrl.u32 s8, $0x3;
	s10 =	ssub.s32 s4, s30;
	s9 =	sshrl.u32 s11, $0x3  }
0xd: {  	s11 =	simm.s32 $0x280;
	s6 =	sadd.s32 s6, s5;
	s8 =	sadd.s32 s8, s5  }
0xe: {  	s4 =	sadd.s32 $0xC000, s29;
	s5 =	sor.u32 $0x1C05, s31;
	s6 =	sadd.s32 $0x2000, s6  }
0xf: {  	v0 =	vimm.f32 $1.000000000e+00;
	s7 =	sadd.s32 $0xC600, s8;
	s8 =	smax.u32 s10, $0x1;
	s10 =	simm.s32 $0x5  }
.LBB2_1:
0x10: {  	[spmem:s9], [sflag:s5] =	dma.local [hbm:s4], $0x50  }
0x11: {  	_ =	swait.ge [sflag:s10], $0x50  }
0x12: {  	[sflag:s10] =	ssyncset.done $0x0  }
0x13: {  	[sflag:s10] =	ssyncadd.s32 $0xFFFFFFB0  }
0x14: {  	[tilespmem:s11], [sflag:$0x5] =	stream.linear.gather [hbm4b:s6+s3], $0x2800, $0x38;
	[tilespmem:$0x2B00] =	vst v63  }
0x15: {  	_ =	swait.ge [sflag:s10], $0x2800  }
0x16: {  	[sflag:s10] =	ssyncset.done $0x0  }
0x17: {  	[sflag:s10] =	ssyncadd.s32 $0xFFFFD800  }
0x18: {  	[tilespmem:$0x2A80] =	vst v0  }
0x19: {  	[tilespmem:$0x2A90] =	vst v0  }
0x1a: {  	[tilespmem:$0x2AA0] =	vst v0  }
0x1b: {  	[tilespmem:$0x2AB0] =	vst v0  }
0x1c: {  	[tilespmem:$0x2AC0] =	vst v0  }
0x1d: {  	[tilespmem:$0x2AD0] =	vst v0  }
0x1e: {  	[tilespmem:$0x2AE0] =	vst v0  }
0x1f: {  	[tilespmem:$0x2AF0] =	vst v0  }
0x20: {  	s21 =	simm.s32 $0x280;
	[bflag:$0x0] =	sbarrier.arrive $0xFFFF  }
0x21: {  	[spmem:s2] =	stream.indirect.scatter.add.f32 [tilespmem:s13], [sflag:$0x1], $0x1, s21, s12, $0xb8;
	[tilespmem:$0x2B00] =	vst v63  }
0x22: {  	s29 =	simm.s32 $0x300  }
0x23: {  	[spmem:s2] =	stream.indirect.scatter.add.f32 [tilespmem:s13], [sflag:$0x2], $0x1, s29, s12, $0xb8;
	[tilespmem:$0x2B00] =	vst v63  }
0x24: {  	s30 =	simm.s32 $0x380  }
0x25: {  	[spmem:s2] =	stream.indirect.scatter.add.f32 [tilespmem:s13], [sflag:$0x3], $0x1, s30, s12, $0xb8;
	[tilespmem:$0x2B00] =	vst v63  }
0x26: {  	s31 =	simm.s32 $0x400  }
0x27: {  	[spmem:s2] =	stream.indirect.scatter.add.f32 [tilespmem:s13], [sflag:$0x4], $0x1, s31, s12, $0xb8;
	[tilespmem:$0x2B00] =	vst v63  }
0x28: {  	_ =	swait.ge [sflag:s14], $0x80  }
0x29: {  	[sflag:s14] =	ssyncset.done $0x0  }
0x2a: {  	[sflag:s14] =	ssyncadd.s32 $0xFFFFFF80  }
0x2b: {  	_ =	swait.ge [sflag:s15], $0x80  }
0x2c: {  	[sflag:s15] =	ssyncset.done $0x0  }
0x2d: {  	[sflag:s15] =	ssyncadd.s32 $0xFFFFFF80  }
0x2e: {  	_ =	swait.ge [sflag:s16], $0x80  }
0x2f: {  	[sflag:s16] =	ssyncset.done $0x0  }
0x30: {  	[sflag:s16] =	ssyncadd.s32 $0xFFFFFF80  }
0x31: {  	_ =	swait.ge [sflag:s17], $0x80  }
0x32: {  	s22 =	simm.s32 $0x1000;
	s21 =	simm.s32 $0x200;
	[sflag:s17] =	ssyncset.done $0x0  }
.LBB2_2:
0x33: {  	s23 =	sadd.s32 $0x280, s21  }
0x34: {  	[sflag:s17] =	ssyncadd.s32 $0xFFFFFF80;
	s24 =	smov.u32 s22;
	s25 =	sadd.s32 $0x800, s22  }
0x35: {  	[spmem:s2] =	stream.indirect.scatter.add.f32 [tilespmem:s13], [sflag:$0x1], $0x1, s23, s12, $0xb8;
	[tilespmem:$0x2B00] =	vst v63  }
0x36: {  	p0 =	sne.s32 s22, $0x9800;
	s22 =	sadd.s32 $0x300, s21  }
0x37: {  	[spmem:s2] =	stream.indirect.scatter.add.f32 [tilespmem:s13], [sflag:$0x2], $0x1, s22, s12, $0xb8;
	[tilespmem:$0x2B00] =	vst v63  }
0x38: {  	s22 =	sadd.s32 $0x380, s21  }
0x39: {  	[spmem:s2] =	stream.indirect.scatter.add.f32 [tilespmem:s13], [sflag:$0x3], $0x1, s22, s12, $0xb8;
	[tilespmem:$0x2B00] =	vst v63  }
0x3a: {  	s21 =	sadd.s32 $0x400, s21  }
0x3b: {  	[spmem:s2] =	stream.indirect.scatter.add.f32 [tilespmem:s13], [sflag:$0x4], $0x1, s21, s12, $0xb8;
	[tilespmem:$0x2B00] =	vst v63  }
0x3c: {  	_ =	swait.ge [sflag:s14], $0x80  }
0x3d: {  	[sflag:s14] =	ssyncset.done $0x0  }
0x3e: {  	[sflag:s14] =	ssyncadd.s32 $0xFFFFFF80  }
0x3f: {  	_ =	swait.ge [sflag:s15], $0x80  }
0x40: {  	[sflag:s15] =	ssyncset.done $0x0  }
0x41: {  	[sflag:s15] =	ssyncadd.s32 $0xFFFFFF80  }
.Ltmp0:
0x42: {  	_ =	swait.ge [sflag:s16], $0x80;
	(pc) =	sbr.rel @p0 .LBB2_2-.Ltmp0, $4  }
0x43: {  	[sflag:s16] =	ssyncset.done $0x0  }
0x44: {  	[sflag:s16] =	ssyncadd.s32 $0xFFFFFF80  }
0x45: {  	_ =	swait.ge [sflag:s17], $0x80  }
0x46: {  	s22 =	smov.u32 s25;
	s21 =	sshra.s32 s24, $0x2;
	[sflag:s17] =	ssyncset.done $0x0  }
0x47: {  	s22 =	sadd.s32 $0x280, s21;
	[sflag:s17] =	ssyncadd.s32 $0xFFFFFF80  }
0x48: {  	[spmem:s2] =	stream.indirect.scatter.add.f32 [tilespmem:s13], [sflag:$0x1], $0x1, s22, s12, $0xb8;
	[tilespmem:$0x2B00] =	vst v63  }
0x49: {  	s29 =	sadd.s32 $0x300, s21  }
0x4a: {  	[spmem:s2] =	stream.indirect.scatter.add.f32 [tilespmem:s13], [sflag:$0x2], $0x1, s29, s12, $0xb8;
	[tilespmem:$0x2B00] =	vst v63  }
0x4b: {  	s30 =	sadd.s32 $0x380, s21  }
0x4c: {  	[spmem:s2] =	stream.indirect.scatter.add.f32 [tilespmem:s13], [sflag:$0x3], $0x1, s30, s12, $0xb8;
	[tilespmem:$0x2B00] =	vst v63  }
0x4d: {  	s31 =	sadd.s32 $0x400, s21  }
0x4e: {  	[spmem:s2] =	stream.indirect.scatter.add.f32 [tilespmem:s13], [sflag:$0x4], $0x1, s31, s12, $0xb8;
	[tilespmem:$0x2B00] =	vst v63  }
0x4f: {  	_ =	swait.ge [sflag:s14], $0x80  }
0x50: {  	[sflag:s14] =	ssyncset.done $0x0  }
0x51: {  	[sflag:s14] =	ssyncadd.s32 $0xFFFFFF80  }
0x52: {  	_ =	swait.ge [sflag:s15], $0x80  }
0x53: {  	[sflag:s15] =	ssyncset.done $0x0  }
0x54: {  	[sflag:s15] =	ssyncadd.s32 $0xFFFFFF80  }
0x55: {  	_ =	swait.ge [sflag:s16], $0x80  }
0x56: {  	[sflag:s16] =	ssyncset.done $0x0  }
0x57: {  	[sflag:s16] =	ssyncadd.s32 $0xFFFFFF80  }
0x58: {  	_ =	swait.ge [sflag:s17], $0x80  }
0x59: {  	s20 =	sadd.s32 $0x1, s20;
	[sflag:s17] =	ssyncset.done $0x0  }
0x5a: {  	p0 =	sne.s32 s20, s8;
	[sflag:s17] =	ssyncadd.s32 $0xFFFFFF80  }
.Ltmp1:
0x5b: {  	[bflag:$0x0] =	sbarrier.arrive $0xFFFF;
	(pc) =	sbr.rel @p0 .LBB2_1-.Ltmp1, $4  }
0x5c: {  	[hbm:s7@s18], [sflag:s5] =	dma.strided [spmem:s9@s19], $0x50, s14, $0x10   }
0x5d: {  	_ =	swait.ge [sflag:s10], $0x50  }
0x5e: {  	[sflag:s10] =	ssyncset.done $0x0  }
0x5f: {  	[sflag:s10] =	ssyncadd.s32 $0xFFFFFFB0  }
0x60: {  	_ =	sfence.sel $0x180000  }
0x61: {  	[bflag:$0x0] =	sbarrier.arrive $0xFFFF  }
0x62: {  	p0 =	sne.s32 s0, $0x0;
	_ =	strace $0x90000047  }
0x63: {  	s0 =	sadd.s32 @!p0 $0x100000, s1;
	[bflag:$0x2] =	sbarrier.arrive $0xFFFF  }
0x64: {  	[sflag:s0] =	ssyncadd.tile.s32 @!p0 $0x1;
	_ =	shalt  }
.Lfunc_end2:
_tile_overlayer_lowered:
.L_overlay_start_2:
0x65: {  	(tag) =	ssettag $0x2  }
0x66: {  	s0 =	rddreg [dreg:$0x0];
	s2 =	stileid.u32  }
0x67: {  	s1 =	rddreg [dreg:$0x1];
	p0 =	sne.s32 s2, $0x0  }
0x68: {  	s3 =	rddreg [dreg:$0x2];
	[bflag:$0x3] =	sbarrier.arrive $0xFFFF;
	s2 =	simm.s32 @!p0 $0x1C05  }
0x69: {  	[timem:s3], [sflag:s2] =	dma.local @!p0 [hbm:s0], s1  }
0x6a: {  	s0 =	simm.s32 @!p0 $0x5  }
0x6b: {  	_ =	swait.ge @!p0 [sflag:s0], s1  }
0x6c: {  	s1 =	ssub.s32 @!p0 $0x0, s1;
	[sflag:s0] =	ssyncset.done @!p0 $0x0  }
0x6d: {  	[sflag:s0] =	ssyncadd.s32 @!p0 s1  }
0x6e: {  	[bflag:$0x3] =	sbarrier.arrive $0xFFFF  }
0x6f: {  	_ =	shalt  }

// kernel: kernel.9.cloned.1.call-start
scs
__scs_entry_jumppad:
0x0: {  	(pc) =	sbr.rel $0x88, $3  }
0x1: {  	(tag) =	ssettag $0x0;
	lr =	simm.s32 $0x1  }
0x2: {  	[smem:$0x3F99] =	sst lr;
	_ =	strace $0xD0000000  }
0x3: {  	_ = 	snop  }
0x4: {  	_ = 	snop  }
0x5: {  	_ = 	snop  }
0x6: {  	_ = 	snop  }
0x7: {  	_ = 	snop  }
__scs_overlays_trampoline_lowered:
0x8: {  	[smem:$0x3FA8] =	sst s0  }
0x9: {  	[smem:$0x3FA9] =	sst s1  }
0xa: {  	[smem:$0x3FAA] =	sst s2  }
0xb: {  	[smem:$0x3FAB] =	sst s3  }
0xc: {  	[smem:$0x3FAC] =	sst s4  }
0xd: {  	[smem:$0x3FAD] =	sst s5  }
0xe: {  	[smem:$0x3FAE] =	sst s6  }
0xf: {  	[smem:$0x3FAF] =	sst s7  }
0x10: {  	[smem:$0x3FB0] =	sst s8  }
0x11: {  	[smem:$0x3FB1] =	sst s9;
	s0 =	simm.s32 @!p0 $0x0  }
0x12: {  	s1 =	sld [smem:$0x3F97];
	s0 =	simm.s32 @p0 $0x1  }
0x13: {  	[smem:$0x3FB2] =	sst s0;
	s0 =	simm.s32 @!p1 $0x0  }
0x14: {  	s2 =	sld [smem:$0x3F96];
	s0 =	simm.s32 @p1 $0x1  }
0x15: {  	[smem:$0x3FB3] =	sst s0;
	s0 =	simm.s32 @!p2 $0x0  }
0x16: {  	s3 =	sld [smem:$0x3FDB];
	s0 =	simm.s32 @p2 $0x1  }
0x17: {  	s4 =	simm.s32 $0x1BF5;
	[smem:$0x3FB5] =	sst s0  }
0x18: {  	s0 =	sld [smem:$0x3F98];
	_ =	swait.ge [sflag:s4], $0x0  }
0x19: {  	s7 =	sld [smem:$0x3F99]  }
0x1a: {  	s8 =	sadd.s32 $0xFFFFE003, lr  }
0x1b: {  	s9 =	sadd.s32 $0xFFFFFEF7, lr;
	s5 =	simm.s32 $0xFFFFFFFF;
	p2 =	slt.u32 s8, $0xFFFFF086  }
0x1c: {  	p1 =	slt.u32 s9, $0xF7A;
	s5 =	simm.s32 @!p2 $0x0  }
0x1d: {  	s5 =	simm.s32 @p1 $0x1;
	p0 =	seq.s32 s7, s2  }
0x1e: {  	s7 =	smul.u32 @!p0 $0xF7A, s2;
	p2 =	seq.s32 @!p0 s5, $0x0  }
0x1f: {  	s9 =	smul.u32 $0xF7A, s1;
	s8 =	simm.s32 @!p0 $0x1BF5;
	p2 =	por !p2, p0  }
0x20: {  	[sflag:s8] =	ssyncset.s32 @!p0 $0xFFFFF086;
	s6 =	sadd.s32 @!p0 s3, s7;
	s7 =	simm.s32 @!p0 $0x108  }
0x21: {  	s3 =	sadd.s32 s3, s9;
	s6 =	sadd.s32 @!p0 $0x88, s6;
	s7 =	simm.s32 @p2 $0x1082  }
0x22: {  	[simem:s7], [sflag:s8] =	dma.local @!p0 [hbm:s6], $0xF7A  }
0x23: {  	s9 =	sor.u32 $0xD0000000, s2;
	s6 =	simm.s32 $0x108;
	_ =	swait.ge @!p0 [sflag:s8], $0x0  }
0x24: {  	s3 =	sadd.s32 $0x88, s3;
	s6 =	simm.s32 @!p1 $0x1082;
	[sflag:s4] =	ssyncset.s32 $0xFFFFF086  }
0x25: {  	[simem:s6], [sflag:s4] =	dma.local [hbm:s3], $0xF7A  }
0x26: {  	[smem:$0x3F99] =	sst s1;
	(tag) =	ssettag s2;
	_ =	strace s9  }
0x27: {  	s1 =	sld [smem:$0x3FA9]  }
0x28: {  	s2 =	sld [smem:$0x3FAA]  }
0x29: {  	s4 =	sld [smem:$0x3FAC]  }
0x2a: {  	p0 =	seq.s32 s5, $0x0;
	s5 =	sld [smem:$0x3FAD]  }
0x2b: {  	s6 =	sld [smem:$0x3FAE]  }
0x2c: {  	s7 =	sld [smem:$0x3FAF]  }
0x2d: {  	s3 =	simm.s32 $0x108;
	s8 =	sld [smem:$0x3FB0]  }
0x2e: {  	s3 =	simm.s32 @!p0 $0x1082;
	s9 =	sld [smem:$0x3FB1]  }
0x2f: {  	lr =	sadd.s32 s0, s3;
	s0 =	sld [smem:$0x3FA8]  }
0x30: {  	s3 =	sld [smem:$0x3FAB]  }
0x31: {  	[smem:$0x3FB4] =	sst s10  }
0x32: {  	s10 =	sld [smem:$0x3FB2];
	_ =	sdelay $0x3  }
0x33: {  	p0 =	seq.s32 s10, $0x1;
	s10 =	sld [smem:$0x3FB4];
	_ =	sdelay $0x3  }
0x34: {  	[smem:$0x3FB4] =	sst s10  }
0x35: {  	s10 =	sld [smem:$0x3FB3];
	_ =	sdelay $0x3  }
0x36: {  	p1 =	seq.s32 s10, $0x1;
	s10 =	sld [smem:$0x3FB4];
	_ =	sdelay $0x3  }
0x37: {  	[smem:$0x3FB4] =	sst s10  }
0x38: {  	s10 =	sld [smem:$0x3FB5]  }
0x39: {  	_ = 	snop;
	(pc) =	sbr.ind lr, $3  }
0x3a: {  	_ = 	snop  }
0x3b: {  	_ = 	snop  }
0x3c: {  	p2 =	seq.s32 s10, $0x1;
	s10 =	sld [smem:$0x3FB4]  }
0x3d: {  	_ =	shalt  }
0x3e: {  	_ =	shalt  }
0x3f: {  	_ =	shalt  }
0x40: {  	_ =	shalt  }
0x41: {  	_ =	shalt  }
0x42: {  	_ =	shalt  }
0x43: {  	_ =	shalt  }
0x44: {  	_ =	shalt  }
0x45: {  	_ =	shalt  }
0x46: {  	_ =	shalt  }
0x47: {  	_ =	shalt  }
0x48: {  	_ =	shalt  }
0x49: {  	_ =	shalt  }
0x4a: {  	_ =	shalt  }
0x4b: {  	_ =	shalt  }
0x4c: {  	_ =	shalt  }
0x4d: {  	_ =	shalt  }
0x4e: {  	_ =	shalt  }
0x4f: {  	_ =	shalt  }
0x50: {  	_ =	shalt  }
0x51: {  	_ =	shalt  }
0x52: {  	_ =	shalt  }
0x53: {  	_ =	shalt  }
0x54: {  	_ =	shalt  }
0x55: {  	_ =	shalt  }
0x56: {  	_ =	shalt  }
0x57: {  	_ =	shalt  }
0x58: {  	_ =	shalt  }
0x59: {  	_ =	shalt  }
0x5a: {  	_ =	shalt  }
0x5b: {  	_ =	shalt  }
0x5c: {  	_ =	shalt  }
0x5d: {  	_ =	shalt  }
0x5e: {  	_ =	shalt  }
0x5f: {  	_ =	shalt  }
0x60: {  	_ =	shalt  }
0x61: {  	_ =	shalt  }
0x62: {  	_ =	shalt  }
0x63: {  	_ =	shalt  }
0x64: {  	_ =	shalt  }
0x65: {  	_ =	shalt  }
0x66: {  	_ =	shalt  }
0x67: {  	_ =	shalt  }
0x68: {  	_ =	shalt  }
0x69: {  	_ =	shalt  }
0x6a: {  	_ =	shalt  }
0x6b: {  	_ =	shalt  }
0x6c: {  	_ =	shalt  }
0x6d: {  	_ =	shalt  }
0x6e: {  	_ =	shalt  }
0x6f: {  	_ =	shalt  }
0x70: {  	_ =	shalt  }
0x71: {  	_ =	shalt  }
0x72: {  	_ =	shalt  }
0x73: {  	_ =	shalt  }
0x74: {  	_ =	shalt  }
0x75: {  	_ =	shalt  }
0x76: {  	_ =	shalt  }
0x77: {  	_ =	shalt  }
0x78: {  	_ =	shalt  }
0x79: {  	_ =	shalt  }
0x7a: {  	_ =	shalt  }
0x7b: {  	_ =	shalt  }
0x7c: {  	_ =	shalt  }
0x7d: {  	_ =	shalt  }
0x7e: {  	_ =	shalt  }
0x7f: {  	_ =	shalt  }
0x80: {  	_ =	shalt  }
0x81: {  	_ =	shalt  }
0x82: {  	_ =	shalt  }
0x83: {  	_ =	shalt  }
0x84: {  	_ =	shalt  }
0x85: {  	_ =	shalt  }
0x86: {  	_ =	shalt  }
0x87: {  	_ =	shalt  }
.Lfunc_end0:
.L_simem_size_0:
called_computation.1_lowered:
.L_overlay_start_0:
0x88: {  	s2 =	sld [smem:$0x3FD9]  }
0x89: {  	s3 =	sld [smem:$0x3FFE];
	_ =	sdelay $0x1  }
0x8a: {  	s1 =	srdreg.scid  }
0x8b: {  	s0 =	sand.u32 $0x1, s1  }
0x8c: {  	s16 =	sshll.u32 s0, $0xA;
	s2 =	sadd.s32 s3, s2  }
0x8d: {  	s2 =	sadd.s32 s2, s16  }
0x8e: {  	[smem:$0x3FC0] =	sst s2  }
0x8f: {  	_ = 	snop  }
0x90: {  	(tm) =	ssettm $0x1  }
0x91: {  	s17 =	sld [smem:$0x3FFB];
	_ =	sdelay $0x3  }
0x92: {  	_ =	strace s17  }
0x93: {  	s2 =	sld [smem:$0x3FFC];
	_ =	sdelay $0x3  }
0x94: {  	_ =	strace s2  }
0x95: {  	s2 =	sld [smem:$0x3FFD];
	_ =	sdelay $0x3  }
0x96: {  	_ =	strace s2  }
0x97: {  	_ =	strace $0x8FFFFFFF  }
0x98: {  	s18 =	sld [smem:$0x3FDB];
	_ =	sdelay $0x1  }
0x99: {  	s19 =	simm.s32 $_scs_section_size  }
0x9a: {  	s4 =	simm.s32 $_size__tile_overlayer_lowered;
	s5 =	simm.s32 $_tile_overlayer_lowered  }
0x9b: {  	s22 =	simm.s32 $0x1BFF;
	s21 =	sshll.u32 s5, $0x1;
	s2 =	sadd.s32 s19, s18  }
0x9c: {  	s6 =	simm.s32 $0x0;
	s20 =	sshll.u32 s4, $0x1;
	s4 =	sadd.s32 s21, s2  }
0x9d: {  	[timem:s6], [sflag:s22] =	dma.local [hbm:s4], s20  }
0x9e: {  	_ =	swait.ge [sflag:s22], s20  }
0x9f: {  	s3 =	ssub.s32 $0x0, s20;
	[sflag:s22] =	ssyncset.done $0x0  }
0xa0: {  	[sflag:s22] =	ssyncadd.s32 s3;
	_ =	sdelay $0x1  }
0xa1: {  	s23 =	simm.s32 $0x1B8B  }
0xa2: {  	_ =	swait.ge [sflag:s23], $0x1  }
0xa3: {  	[sflag:s23] =	ssyncset.done $0x0  }
0xa4: {  	s25 =	simm.s32 $0x1B8E;
	s24 =	sld [smem:$0x3FFE];
	[sflag:s23] =	ssyncadd.s32 $0xFFFFFFFF  }
0xa5: {  	s26 =	simm.s32 $execute0_lowered;
	[smem:$0x3FD2] =	sst s25  }
0xa6: {  	s4 =	sshll.u32 s26, $0x1;
	_ =	strace $0x80000049;
	[dreg:$0x1] =	wrdreg $0xFFFFFFFF  }
0xa7: {  	s28 =	simm.s32 $_size_execute0_lowered;
	s2 =	sadd.s32 s2, s4;
	[dreg:$0x0] =	wrdreg $0x0  }
0xa8: {  	s4 =	sshll.u32 s28, $0x1;
	[dreg:$0x2] =	wrdreg s2  }
0xa9: {  	[dreg:$0x3] =	wrdreg s4  }
0xaa: {  	[dreg:$0x4] =	wrdreg $0xC0  }
0xab: {  	_ =	task [dreg:s6], $0x5FFFF  }
0xac: {  	[dreg:$0x1] =	wrdreg $0xFFFFFFFF  }
0xad: {  	[dreg:$0x0] =	wrdreg $0x60  }
0xae: {  	[dreg:$0x2] =	wrdreg s24  }
0xaf: {  	[dreg:$0x3] =	wrdreg $0x0  }
0xb0: {  	[dreg:$0x4] =	wrdreg $0x140000  }
0xb1: {  	[dreg:$0x5] =	wrdreg $0x9  }
0xb2: {  	_ =	task.clear_ibuf [dreg:s6], $0x6FFFF;
	_ =	strace $0x90000049  }
0xb3: {  	s29 =	simm.s32 $0x9;
	_ =	strace $0x8000004B  }
0xb4: {  	_ =	swait.ge [sflag:s29], $0x1  }
0xb5: {  	[sflag:s29] =	ssyncadd.s32 $0xFFFFFFFF  }
0xb6: {  	_ =	strace $0x9000004B  }
0xb7: {  	_ =	sfence  }
0xb8: {  	s30 =	sld [smem:$0x0];
	_ =	sdelay $0x2  }
0xb9: {  	s31 =	sshll.u32 s1, $0xD;
	s1 =	sshrl.u32 s1, $0x2  }
0xba: {  	s3 =	sand.u32 $0x4000, s31;
	s1 =	sadd.s32 s1, s30  }
0xbb: {  	s0 =	sor.u32 s3, s0;
	s1 =	sshll.u32 s1, $0x11  }
0xbc: {  	s0 =	sor.u32 s1, s0  }
0xbd: {  	s0 =	sadd.s32 $0x8F2B, s0  }
0xbe: {  	[sflag:s0] =	ssyncadd.remote.s32 $0x1  }
0xbf: {  	_ =	sfence.sel $0xFFFF  }
0xc0: {  	[dreg:$0x0] =	wrdreg $0xFFFFFFFF;
	(pc) =	sbr.abs _section_cstart, $3  }
0xc1: {  	[dreg:$0x1] =	wrdreg $0xFFFFFFFF  }
0xc2: {  	_ =	task.clear_ibuf [dreg:s6], $0x2FFFF;
	_ =	strace $0x9FFFFFFF  }
0xc3: {  	(tm) =	ssettm $0x7FFFFFFF  }
tec
execute0_lowered:
.L_overlay_start_1:
0x0: {  	(tag) =	ssettag $0x1  }
0x1: {  	s0 =	rddreg [dreg:$0x0]  }
0x2: {  	s1 =	rddreg [dreg:$0x1];
	s3 =	srdreg.scid  }
0x3: {  	s2 =	rddreg [dreg:$0x2];
	s14 =	stileid.u32  }
0x4: {  	s28 =	simm.s32 $0x6;
	s29 =	simm.s32 $0x1AE80;
	s31 =	simm.s32 $0x1CE80  }
0x5: {  	s30 =	simm.s32 $0x7;
	s4 =	sand.u32 $0x1, s3;
	s5 =	smul.u32 $0x14000, s14  }
0x6: {  	s3 =	simm.s32 $0x0;
	s7 =	sadd.s32 $0xD000, s0;
	s8 =	smul.u32 $0x500, s14  }
0x7: {  	s9 =	sadd.s32 $0x2000, s0;
	s13 =	smul.u32 $0x2800, s14;
	s10 =	sshll.u32 s4, $0x7  }
0x8: {  	s6 =	sshll.u32 s4, $0x4;
	s8 =	sor.u32 s10, s8;
	s10 =	smul.u32 $0x140000, s4  }
0x9: {  	s11 =	ssub.s32 $0x2, s4;
	s6 =	sor.u32 s14, s6;
	s4 =	smul.u32 $0x28000, s4  }
0xa: {  	[smem:$0x7FF] =	sst s3;
	s12 =	sshrl.u32 s11, $0x1;
	s6 =	smul.u32 $0x2800, s6  }
0xb: {  	s11 =	ssub.s32 s11, s12;
	s8 =	sshrl.u32 s8, $0x3;
	s4 =	sadd.s32 s13, s4  }
0xc: {  	s8 =	sadd.s32 s8, s0;
	s13 =	sadd.s32 $0xC600, s0;
	s6 =	sshrl.u32 s6, $0x3  }
0xd: {  	s18 =	sor.u32 $0x380, s4;
	s22 =	sor.u32 $0x300, s4;
	s15 =	sadd.s32 s7, s6  }
0xe: {  	s24 =	sor.u32 $0x10, s6;
	s25 =	sadd.s32 s9, s6;
	[dreg:$0x4] =	wrdreg s15  }
0xf: {  	s23 =	sor.u32 $0x280, s4;
	[dreg:$0x5] =	wrdreg s25;
	s26 =	sadd.s32 s7, s24  }
0x10: {  	s16 =	sor.u32 $0x20, s6;
	s12 =	sadd.s32 s9, s24;
	[dreg:$0x6] =	wrdreg s26  }
0x11: {  	s6 =	sor.u32 $0x30, s6;
	s17 =	sadd.s32 s7, s16;
	[dreg:$0x7] =	wrdreg s12  }
0x12: {  	s4 =	sor.u32 $0x200, s4;
	s19 =	sadd.s32 s7, s6;
	[dreg:$0x8] =	wrdreg s17  }
0x13: {  	s20 =	sshrl.u32 s18, $0x3;
	s6 =	sadd.s32 s9, s6;
	[dreg:$0xa] =	wrdreg s19  }
0x14: {  	s4 =	sshrl.u32 s4, $0x3;
	s21 =	sadd.s32 s20, s9;
	[dreg:$0xb] =	wrdreg s6  }
0x15: {  	s12 =	sadd.s32 s9, s16;
	[dreg:$0xc] =	wrdreg s21;
	s6 =	sshrl.u32 s22, $0x3  }
0x16: {  	s19 =	sadd.s32 s4, s9;
	s26 =	smul.u32 $0x280, s14;
	s22 =	sadd.s32 $0x17000, s0  }
0x17: {  	s16 =	sshll.u32 s14, $0x6;
	[dreg:$0x9] =	wrdreg s12;
	s12 =	sadd.s32 s20, s7  }
0x18: {  	s24 =	sadd.s32 s6, s9;
	s6 =	sadd.s32 s6, s7;
	[dreg:$0xd] =	wrdreg s12  }
0x19: {  	s20 =	sadd.s32 s4, s7;
	[dreg:$0xe] =	wrdreg s24;
	s12 =	sshrl.u32 s23, $0x3  }
0x1a: {  	[dreg:$0xf] =	wrdreg s6;
	s21 =	sadd.s32 s26, s2;
	s6 =	simm.s32 $0x16A80  }
0x1b: {  	s25 =	sadd.s32 s12, s9;
	s17 =	sadd.s32 s12, s7;
	s9 =	sadd.s32 s5, s10  }
0x1c: {  	s5 =	sshrl.u32 s5, $0x3;
	s10 =	sshrl.u32 s26, $0x3;
	s12 =	smul.u32 $0x50000, s14  }
0x1d: {  	s14 =	sor.u32 $0x1C0A, s16;
	s26 =	smax.u32 s11, $0x1;
	s11 =	simm.s32 $0x16D80  }
0x1e: {  	s16 =	simm.s32 $0x0;
	[dreg:$0x10] =	wrdreg s25;
	s5 =	sadd.s32 s5, s0  }
0x1f: {  	s7 =	sadd.s32 s10, s0;
	s4 =	sshrl.u32 s9, $0x3;
	s25 =	sadd.s32 $0x66200, s8  }
0x20: {  	s8 =	simm.s32 $0x16B00;
	_ =	strace $0x8000004A;
	[dreg:$0x11] =	wrdreg s13  }
0x21: {  	s10 =	simm.s32 $0x16B80;
	s9 =	simm.s32 $0x4;
	[dreg:$0x15] =	wrdreg s21  }
0x22: {  	s4 =	sadd.s32 s4, s0;
	s15 =	sshrl.u32 s12, $0x2;
	[dreg:$0x18] =	wrdreg s25  }
0x23: {  	s18 =	sadd.s32 $0x3E200, s5;
	s23 =	sadd.s32 $0xC000, s7;
	[dreg:$0x19] =	wrdreg s26  }
0x24: {  	s26 =	simm.s32 $0x18E80;
	s21 =	simm.s32 $0x1;
	[dreg:$0x14] =	wrdreg s14  }
0x25: {  	s5 =	simm.s32 $0x16E00;
	s7 =	simm.s32 $0x3;
	[dreg:$0x1a] =	wrdreg s17  }
.Ltmp0:
0x26: {  	s25 =	simm.s32 $0x9;
	[dreg:$0x13] =	wrdreg s18;
	(pc) =	sbr.rel .LBB2_1-.Ltmp0, $4  }
0x27: {  	s12 =	simm.s32 $0x8;
	s0 =	sadd.s32 s15, s1;
	[dreg:$0x16] =	wrdreg s23  }
0x28: {  	s24 =	sadd.s32 $0x66C00, s4;
	s15 =	simm.s32 $0xA;
	s23 =	simm.s32 $0x40  }
0x29: {  	s18 =	simm.s32 $0x80;
	s4 =	simm.s32 $0x2;
	[dreg:$0x12] =	wrdreg s0  }
0x2a: {  	[dreg:$0x17] =	wrdreg s24;
	s0 =	simm.s32 $0x14280;
	s24 =	simm.s32 $0x16E80  }
.LBB2_4:
0x2b: {  	_ =	swait.ge [sflag:s25], $0x80  }
0x2c: {  	[sflag:s25] =	ssyncset.done $0x0  }
0x2d: {  	[sflag:s25] =	ssyncadd.s32 $0xFFFFFF80  }
0x2e: {  	[bflag:$0x0] =	sbarrier.arrive $0xFFFF  }
0x2f: {  	s14 =	rddreg [dreg:$0x14]  }
0x30: {  	s13 =	rddreg [dreg:$0x17]  }
0x31: {  	s15 =	rddreg [dreg:$0x1c]  }
0x32: {  	[hbm:s13], [sflag:s14] =	dma.local [spmem:s15], $0x2800  }
0x33: {  	s15 =	simm.s32 $0xA  }
0x34: {  	_ =	swait.ge [sflag:s15], $0x2800  }
0x35: {  	s16 =	simm.s32 $0x20;
	[sflag:s15] =	ssyncset.done $0x0;
	s13 =	rddreg [dreg:$0x18]  }
0x36: {  	s17 =	simm.s32 $0x10;
	s3 =	rddreg [dreg:$0x1d];
	[sflag:s15] =	ssyncadd.s32 $0xFFFFD800  }
0x37: {  	[hbm:s13@s16], [sflag:s14] =	dma.strided [spmem:s3@s17], $0x50, s21, $0x10   }
0x38: {  	s17 =	rddreg [dreg:$0x1a];
	_ =	swait.ge [sflag:s15], $0x50  }
0x39: {  	s13 =	rddreg [dreg:$0x1b]  }
0x3a: {  	s3 =	rddreg [dreg:$0x19];
	s16 =	sadd.s32 $0x1, s13  }
0x3b: {  	p0 =	sne.s32 s16, s3  }
.Ltmp1:
0x3c: {  	_ = 	snop;
	(pc) =	sbr.rel @!p0 .LBB2_5-.Ltmp1, $3  }
0x3d: {  	_ =	sdelay $0x1  }
0x3e: {  	[sflag:s15] =	ssyncset.done $0x0  }
0x3f: {  	[sflag:s15] =	ssyncadd.s32 $0xFFFFFFB0  }
.LBB2_1:
0x40: {  	[dreg:$0x1b] =	wrdreg s16  }
0x41: {  	s13 =	rddreg [dreg:$0x12]  }
0x42: {  	s3 =	rddreg [dreg:$0x13];
	s13 =	sshrl.u32 s13, $0x3  }
0x43: {  	[dreg:$0x1c] =	wrdreg s13  }
0x44: {  	[spmem:s13], [sflag:s14] =	dma.local [hbm:s3], $0x2800  }
0x45: {  	_ =	swait.ge [sflag:s15], $0x2800  }
0x46: {  	s3 =	rddreg [dreg:$0x15]  }
0x47: {  	[sflag:s15] =	ssyncset.done $0x0;
	s16 =	rddreg [dreg:$0x16];
	s3 =	sshrl.u32 s3, $0x3  }
0x48: {  	[sflag:s15] =	ssyncadd.s32 $0xFFFFD800;
	[dreg:$0x1d] =	wrdreg s3  }
0x49: {  	[spmem:s3], [sflag:s14] =	dma.local [hbm:s16], $0x50  }
0x4a: {  	_ =	swait.ge [sflag:s15], $0x50  }
0x4b: {  	[sflag:s15] =	ssyncset.done $0x0  }
0x4c: {  	s3 =	simm.s32 $0x0;
	s14 =	rddreg [dreg:$0x11];
	[sflag:s15] =	ssyncadd.s32 $0xFFFFFFB0  }
0x4d: {  	[tilespmem:s0], [sflag:$0xA] =	stream.linear.gather [hbm4b:s14+s3], $0x2780, $0x38;
	[tilespmem:$0x1EE80] =	vst v63  }
0x4e: {  	_ =	swait.ge [sflag:s15], $0x2780  }
0x4f: {  	[sflag:s15] =	ssyncset.done $0x0  }
0x50: {  	[sflag:s15] =	ssyncadd.s32 $0xFFFFD880  }
0x51: {  	[bflag:$0x0] =	sbarrier.arrive $0xFFFF  }
0x52: {  	s14 =	simm.s32 $0x16A00;
	s16 =	rddreg [dreg:$0x4]  }
0x53: {  	[tilespmem:s14], [sflag:$0x5] =	stream.linear.gather [hbm4b:s16+s3], $0x80, $0x38;
	[tilespmem:$0x1EE80] =	vst v63  }
0x54: {  	s15 =	rddreg [dreg:$0x5];
	s16 =	simm.s32 $0x16C00  }
0x55: {  	[tilespmem:s16], [sflag:$0x5] =	stream.linear.gather [hbm4b:s15+s3], $0x80, $0x38;
	[tilespmem:$0x1EE80] =	vst v63  }
0x56: {  	s16 =	rddreg [dreg:$0x6]  }
0x57: {  	[tilespmem:s6], [sflag:$0x6] =	stream.linear.gather [hbm4b:s16+s3], $0x80, $0x38;
	[tilespmem:$0x1EE80] =	vst v63  }
0x58: {  	s15 =	rddreg [dreg:$0x7];
	s16 =	simm.s32 $0x16C80  }
0x59: {  	[tilespmem:s16], [sflag:$0x6] =	stream.linear.gather [hbm4b:s15+s3], $0x80, $0x38;
	[tilespmem:$0x1EE80] =	vst v63  }
0x5a: {  	s16 =	rddreg [dreg:$0x8]  }
0x5b: {  	[tilespmem:s8], [sflag:$0x7] =	stream.linear.gather [hbm4b:s16+s3], $0x80, $0x38;
	[tilespmem:$0x1EE80] =	vst v63  }
0x5c: {  	s15 =	rddreg [dreg:$0x9];
	s16 =	simm.s32 $0x16D00  }
0x5d: {  	[tilespmem:s16], [sflag:$0x7] =	stream.linear.gather [hbm4b:s15+s3], $0x80, $0x38;
	[tilespmem:$0x1EE80] =	vst v63  }
0x5e: {  	s16 =	rddreg [dreg:$0xa]  }
0x5f: {  	[tilespmem:s10], [sflag:$0x8] =	stream.linear.gather [hbm4b:s16+s3], $0x80, $0x38;
	[tilespmem:$0x1EE80] =	vst v63  }
0x60: {  	s15 =	rddreg [dreg:$0xb];
	s16 =	simm.s32 $0x5  }
0x61: {  	[tilespmem:s11], [sflag:$0x8] =	stream.linear.gather [hbm4b:s15+s3], $0x80, $0x38;
	[tilespmem:$0x1EE80] =	vst v63  }
0x62: {  	_ =	swait.ge [sflag:s16], $0x80  }
0x63: {  	[sflag:s16] =	ssyncset.done $0x0  }
0x64: {  	[sflag:s16] =	ssyncadd.s32 $0xFFFFFF80  }
0x65: {  	_ =	swait.ge [sflag:s16], $0x80  }
0x66: {  	[sflag:s16] =	ssyncset.done $0x0  }
0x67: {  	[sflag:s16] =	ssyncadd.s32 $0xFFFFFF80  }
0x68: {  	[tilespmem:s24], [sflag:$0x1] =	stream.indirect.gather [hbm4b:s22+s23], $0x80, s14, s23, $0xb8;
	[tilespmem:$0x1EE80] =	vst v63  }
0x69: {  	s15 =	simm.s32 $0x16A40  }
0x6a: {  	[tilespmem:s26], [sflag:$0x1] =	stream.indirect.gather [hbm4b:s22+s23], $0x80, s15, s23, $0xb8;
	[tilespmem:$0x1EE80] =	vst v63  }
0x6b: {  	_ =	swait.ge [sflag:s28], $0x80  }
0x6c: {  	[sflag:s28] =	ssyncset.done $0x0  }
0x6d: {  	[sflag:s28] =	ssyncadd.s32 $0xFFFFFF80  }
0x6e: {  	_ =	swait.ge [sflag:s28], $0x80  }
0x6f: {  	[sflag:s28] =	ssyncset.done $0x0  }
0x70: {  	[sflag:s28] =	ssyncadd.s32 $0xFFFFFF80  }
0x71: {  	[tilespmem:s29], [sflag:$0x2] =	stream.indirect.gather [hbm4b:s22+s23], $0x80, s6, s23, $0xb8;
	[tilespmem:$0x1EE80] =	vst v63  }
0x72: {  	s13 =	simm.s32 $0x0;
	s16 =	simm.s32 $0x16AC0  }
0x73: {  	[tilespmem:s31], [sflag:$0x2] =	stream.indirect.gather [hbm4b:s22+s23], $0x80, s16, s23, $0xb8;
	[tilespmem:$0x1EE80] =	vst v63  }
.LBB2_2:
0x74: {  	_ =	swait.ge [sflag:s21], $0x2000  }
0x75: {  	[sflag:s21] =	ssyncset.done $0x0  }
0x76: {  	[sflag:s21] =	ssyncadd.s32 $0xFFFFE000  }
0x77: {  	_ =	swait.ge [sflag:s21], $0x2000  }
0x78: {  	[sflag:s21] =	ssyncset.done $0x0  }
0x79: {  	s14 =	simm.s32 $0x16C00;
	[sflag:s21] =	ssyncadd.s32 $0xFFFFE000  }
0x7a: {  	[spmem:s1] =	stream.indirect.scatter.add.f32 [tilespmem:s24], [sflag:$0x3], $0x80, s14, s23, $0xb8;
	[tilespmem:$0x1EE80] =	vst v63  }
0x7b: {  	s15 =	simm.s32 $0x16C40  }
0x7c: {  	[spmem:s1] =	stream.indirect.scatter.add.f32 [tilespmem:s26], [sflag:$0x3], $0x80, s15, s23, $0xb8;
	[tilespmem:$0x1EE80] =	vst v63  }
0x7d: {  	v0 =	vld [tilespmem:$0x16C00];
	_ =	sdelay $0x5  }
0x7e: {  	v1 =	vld [tilespmem:$0x16C10];
	_ =	sdelay $0x1  }
0x7f: {  	v0 =	vld.idx.msk [tilespmem:v0+s0+$0x0], $0xffff;
	_ =	sdelay $0x3  }
0x80: {  	v2 =	vld [tilespmem:$0x16C20]  }
0x81: {  	[tilespmem:$0x16E00] =	vst v0  }
0x82: {  	v0 =	vld.idx.msk [tilespmem:v1+s0+$0x0], $0xffff;
	_ =	sdelay $0x3  }
0x83: {  	v35 =	vld [tilespmem:$0x16C30]  }
0x84: {  	[tilespmem:$0x16E10] =	vst v0  }
0x85: {  	v0 =	vld.idx.msk [tilespmem:v2+s0+$0x0], $0xffff;
	_ =	sdelay $0x3  }
0x86: {  	v36 =	vld [tilespmem:$0x16C40]  }
0x87: {  	[tilespmem:$0x16E20] =	vst v0  }
0x88: {  	v0 =	vld.idx.msk [tilespmem:v35+s0+$0x0], $0xffff;
	_ =	sdelay $0x3  }
0x89: {  	v37 =	vld [tilespmem:$0x16C50]  }
0x8a: {  	[tilespmem:$0x16E30] =	vst v0  }
0x8b: {  	v0 =	vld.idx.msk [tilespmem:v36+s0+$0x0], $0xffff;
	_ =	sdelay $0x3  }
0x8c: {  	v38 =	vld [tilespmem:$0x16C60]  }
0x8d: {  	[tilespmem:$0x16E40] =	vst v0  }
0x8e: {  	v0 =	vld.idx.msk [tilespmem:v37+s0+$0x0], $0xffff;
	_ =	sdelay $0x3  }
0x8f: {  	v39 =	vld [tilespmem:$0x16C70]  }
0x90: {  	[tilespmem:$0x16E50] =	vst v0  }
0x91: {  	v0 =	vld.idx.msk [tilespmem:v38+s0+$0x0], $0xffff;
	_ =	sdelay $0x4  }
0x92: {  	[tilespmem:$0x16E60] =	vst v0  }
0x93: {  	v0 =	vld.idx.msk [tilespmem:v39+s0+$0x0], $0xffff;
	_ =	sdelay $0x4  }
0x94: {  	s16 =	simm.s32 $0x16A00;
	[tilespmem:$0x16E70] =	vst v0  }
0x95: {  	[spmem:s2] =	stream.indirect.scatter.add.f32 [tilespmem:s5], [sflag:$0x9], $0x1, s16, s18, $0xb8;
	[tilespmem:$0x1EE80] =	vst v63  }
0x96: {  	_ =	swait.ge [sflag:s7], $0x2000  }
0x97: {  	[sflag:s7] =	ssyncset.done $0x0  }
0x98: {  	[sflag:s7] =	ssyncadd.s32 $0xFFFFE000  }
0x99: {  	_ =	swait.ge [sflag:s7], $0x2000  }
0x9a: {  	[sflag:s7] =	ssyncset.done $0x0  }
0x9b: {  	[sflag:s7] =	ssyncadd.s32 $0xFFFFE000  }
0x9c: {  	_ =	swait.ge [sflag:s30], $0x80  }
0x9d: {  	[sflag:s30] =	ssyncset.done $0x0  }
0x9e: {  	[sflag:s30] =	ssyncadd.s32 $0xFFFFFF80  }
0x9f: {  	_ =	swait.ge [sflag:s30], $0x80  }
0xa0: {  	[sflag:s30] =	ssyncset.done $0x0  }
0xa1: {  	[sflag:s30] =	ssyncadd.s32 $0xFFFFFF80  }
0xa2: {  	[tilespmem:s24], [sflag:$0x1] =	stream.indirect.gather [hbm4b:s22+s23], $0x80, s8, s23, $0xb8;
	[tilespmem:$0x1EE80] =	vst v63  }
0xa3: {  	s15 =	simm.s32 $0x16B40  }
0xa4: {  	[tilespmem:s26], [sflag:$0x1] =	stream.indirect.gather [hbm4b:s22+s23], $0x80, s15, s23, $0xb8;
	[tilespmem:$0x1EE80] =	vst v63  }
0xa5: {  	p0 =	seq.s32 s13, $0x4C0;
	_ =	swait.ge [sflag:s25], $0x80  }
0xa6: {  	s14 =	sadd.s32 @!p0 s13, s20;
	[sflag:s25] =	ssyncset.done $0x0  }
0xa7: {  	s16 =	simm.s32 @!p0 $0x16A00;
	s15 =	simm.s32 @!p0 $0x0;
	[sflag:s25] =	ssyncadd.s32 $0xFFFFFF80  }
0xa8: {  	[tilespmem:s16], [sflag:$0x5] =	stream.linear.gather @!p0 [hbm4b:s14+s15], $0x80, $0x38;
	[tilespmem:$0x1EE80] =	vst v63  }
0xa9: {  	s14 =	sadd.s32 @!p0 s13, s19;
	s16 =	simm.s32 @!p0 $0x16C00  }
0xaa: {  	[tilespmem:s16], [sflag:$0x5] =	stream.linear.gather @!p0 [hbm4b:s14+s15], $0x80, $0x38;
	[tilespmem:$0x1EE80] =	vst v63  }
0xab: {  	_ =	swait.ge [sflag:s4], $0x2000  }
0xac: {  	[sflag:s4] =	ssyncset.done $0x0  }
0xad: {  	[sflag:s4] =	ssyncadd.s32 $0xFFFFE000  }
0xae: {  	_ =	swait.ge [sflag:s4], $0x2000  }
0xaf: {  	[sflag:s4] =	ssyncset.done $0x0  }
0xb0: {  	s16 =	simm.s32 $0x16C80;
	[sflag:s4] =	ssyncadd.s32 $0xFFFFE000  }
0xb1: {  	[spmem:s1] =	stream.indirect.scatter.add.f32 [tilespmem:s29], [sflag:$0x4], $0x80, s16, s23, $0xb8;
	[tilespmem:$0x1EE80] =	vst v63  }
0xb2: {  	s16 =	simm.s32 $0x16CC0  }
0xb3: {  	[spmem:s1] =	stream.indirect.scatter.add.f32 [tilespmem:s31], [sflag:$0x4], $0x80, s16, s23, $0xb8;
	[tilespmem:$0x1EE80] =	vst v63  }
0xb4: {  	v40 =	vld [tilespmem:$0x16C80];
	_ =	sdelay $0x5  }
0xb5: {  	v41 =	vld [tilespmem:$0x16C90];
	_ =	sdelay $0x1  }
0xb6: {  	v0 =	vld.idx.msk [tilespmem:v40+s0+$0x0], $0xffff;
	_ =	sdelay $0x3  }
0xb7: {  	v42 =	vld [tilespmem:$0x16CA0]  }
0xb8: {  	[tilespmem:$0x16E00] =	vst v0  }
0xb9: {  	v0 =	vld.idx.msk [tilespmem:v41+s0+$0x0], $0xffff;
	_ =	sdelay $0x3  }
0xba: {  	v43 =	vld [tilespmem:$0x16CB0]  }
0xbb: {  	[tilespmem:$0x16E10] =	vst v0  }
0xbc: {  	v0 =	vld.idx.msk [tilespmem:v42+s0+$0x0], $0xffff;
	_ =	sdelay $0x3  }
0xbd: {  	v44 =	vld [tilespmem:$0x16CC0]  }
0xbe: {  	[tilespmem:$0x16E20] =	vst v0  }
0xbf: {  	v0 =	vld.idx.msk [tilespmem:v43+s0+$0x0], $0xffff;
	_ =	sdelay $0x3  }
0xc0: {  	v45 =	vld [tilespmem:$0x16CD0]  }
0xc1: {  	[tilespmem:$0x16E30] =	vst v0  }
0xc2: {  	v0 =	vld.idx.msk [tilespmem:v44+s0+$0x0], $0xffff;
	_ =	sdelay $0x3  }
0xc3: {  	v46 =	vld [tilespmem:$0x16CE0]  }
0xc4: {  	[tilespmem:$0x16E40] =	vst v0  }
0xc5: {  	v0 =	vld.idx.msk [tilespmem:v45+s0+$0x0], $0xffff;
	_ =	sdelay $0x3  }
0xc6: {  	v47 =	vld [tilespmem:$0x16CF0]  }
0xc7: {  	[tilespmem:$0x16E50] =	vst v0  }
0xc8: {  	v0 =	vld.idx.msk [tilespmem:v46+s0+$0x0], $0xffff;
	_ =	sdelay $0x4  }
0xc9: {  	[tilespmem:$0x16E60] =	vst v0  }
0xca: {  	v0 =	vld.idx.msk [tilespmem:v47+s0+$0x0], $0xffff;
	_ =	sdelay $0x4  }
0xcb: {  	[tilespmem:$0x16E70] =	vst v0  }
0xcc: {  	[spmem:s2] =	stream.indirect.scatter.add.f32 [tilespmem:s5], [sflag:$0x9], $0x1, s6, s18, $0xb8;
	[tilespmem:$0x1EE80] =	vst v63  }
0xcd: {  	_ =	swait.ge [sflag:s9], $0x2000  }
0xce: {  	[sflag:s9] =	ssyncset.done $0x0  }
0xcf: {  	[sflag:s9] =	ssyncadd.s32 $0xFFFFE000  }
0xd0: {  	_ =	swait.ge [sflag:s9], $0x2000  }
0xd1: {  	[sflag:s9] =	ssyncset.done $0x0  }
0xd2: {  	[sflag:s9] =	ssyncadd.s32 $0xFFFFE000  }
0xd3: {  	_ =	swait.ge [sflag:s12], $0x80  }
0xd4: {  	[sflag:s12] =	ssyncset.done $0x0  }
0xd5: {  	[sflag:s12] =	ssyncadd.s32 $0xFFFFFF80  }
0xd6: {  	_ =	swait.ge [sflag:s12], $0x80  }
0xd7: {  	[sflag:s12] =	ssyncset.done $0x0  }
0xd8: {  	[sflag:s12] =	ssyncadd.s32 $0xFFFFFF80  }
0xd9: {  	[tilespmem:s29], [sflag:$0x2] =	stream.indirect.gather [hbm4b:s22+s23], $0x80, s10, s23, $0xb8;
	[tilespmem:$0x1EE80] =	vst v63  }
0xda: {  	s16 =	simm.s32 $0x16BC0  }
0xdb: {  	[tilespmem:s31], [sflag:$0x2] =	stream.indirect.gather [hbm4b:s22+s23], $0x80, s16, s23, $0xb8;
	[tilespmem:$0x1EE80] =	vst v63  }
0xdc: {  	_ =	swait.ge [sflag:s25], $0x80  }
0xdd: {  	[sflag:s25] =	ssyncset.done $0x0  }
0xde: {  	s14 =	sadd.s32 @!p0 s13, s17;
	s16 =	simm.s32 @!p0 $0x16A80;
	[sflag:s25] =	ssyncadd.s32 $0xFFFFFF80  }
0xdf: {  	[tilespmem:s16], [sflag:$0x6] =	stream.linear.gather @!p0 [hbm4b:s14+s15], $0x80, $0x38;
	[tilespmem:$0x1EE80] =	vst v63  }
0xe0: {  	s14 =	rddreg [dreg:$0x10]  }
0xe1: {  	s16 =	simm.s32 @!p0 $0x16C80;
	s14 =	sadd.s32 @!p0 s13, s14  }
0xe2: {  	[tilespmem:s16], [sflag:$0x6] =	stream.linear.gather @!p0 [hbm4b:s14+s15], $0x80, $0x38;
	[tilespmem:$0x1EE80] =	vst v63  }
0xe3: {  	_ =	swait.ge [sflag:s21], $0x2000  }
0xe4: {  	[sflag:s21] =	ssyncset.done $0x0  }
0xe5: {  	[sflag:s21] =	ssyncadd.s32 $0xFFFFE000  }
0xe6: {  	_ =	swait.ge [sflag:s21], $0x2000  }
0xe7: {  	[sflag:s21] =	ssyncset.done $0x0  }
0xe8: {  	s16 =	simm.s32 $0x16D00;
	[sflag:s21] =	ssyncadd.s32 $0xFFFFE000  }
0xe9: {  	[spmem:s1] =	stream.indirect.scatter.add.f32 [tilespmem:s24], [sflag:$0x3], $0x80, s16, s23, $0xb8;
	[tilespmem:$0x1EE80] =	vst v63  }
0xea: {  	s15 =	simm.s32 $0x16D40  }
0xeb: {  	[spmem:s1] =	stream.indirect.scatter.add.f32 [tilespmem:s26], [sflag:$0x3], $0x80, s15, s23, $0xb8;
	[tilespmem:$0x1EE80] =	vst v63  }
0xec: {  	v48 =	vld [tilespmem:$0x16D00];
	_ =	sdelay $0x5  }
0xed: {  	v49 =	vld [tilespmem:$0x16D10];
	_ =	sdelay $0x1  }
0xee: {  	v0 =	vld.idx.msk [tilespmem:v48+s0+$0x0], $0xffff;
	_ =	sdelay $0x3  }
0xef: {  	v50 =	vld [tilespmem:$0x16D20]  }
0xf0: {  	[tilespmem:$0x16E00] =	vst v0  }
0xf1: {  	v0 =	vld.idx.msk [tilespmem:v49+s0+$0x0], $0xffff;
	_ =	sdelay $0x3  }
0xf2: {  	v51 =	vld [tilespmem:$0x16D30]  }
0xf3: {  	[tilespmem:$0x16E10] =	vst v0  }
0xf4: {  	v0 =	vld.idx.msk [tilespmem:v50+s0+$0x0], $0xffff;
	_ =	sdelay $0x3  }
0xf5: {  	v52 =	vld [tilespmem:$0x16D40]  }
0xf6: {  	[tilespmem:$0x16E20] =	vst v0  }
0xf7: {  	v0 =	vld.idx.msk [tilespmem:v51+s0+$0x0], $0xffff;
	_ =	sdelay $0x3  }
0xf8: {  	v53 =	vld [tilespmem:$0x16D50]  }
0xf9: {  	[tilespmem:$0x16E30] =	vst v0  }
0xfa: {  	v0 =	vld.idx.msk [tilespmem:v52+s0+$0x0], $0xffff;
	_ =	sdelay $0x3  }
0xfb: {  	v54 =	vld [tilespmem:$0x16D60]  }
0xfc: {  	[tilespmem:$0x16E40] =	vst v0  }
0xfd: {  	v0 =	vld.idx.msk [tilespmem:v53+s0+$0x0], $0xffff;
	_ =	sdelay $0x3  }
0xfe: {  	v55 =	vld [tilespmem:$0x16D70]  }
0xff: {  	[tilespmem:$0x16E50] =	vst v0  }
0x100: {  	v0 =	vld.idx.msk [tilespmem:v54+s0+$0x0], $0xffff;
	_ =	sdelay $0x4  }
0x101: {  	[tilespmem:$0x16E60] =	vst v0  }
0x102: {  	v0 =	vld.idx.msk [tilespmem:v55+s0+$0x0], $0xffff;
	_ =	sdelay $0x4  }
0x103: {  	[tilespmem:$0x16E70] =	vst v0  }
0x104: {  	[spmem:s2] =	stream.indirect.scatter.add.f32 [tilespmem:s5], [sflag:$0x9], $0x1, s8, s18, $0xb8;
	[tilespmem:$0x1EE80] =	vst v63  }
0x105: {  	_ =	swait.ge [sflag:s7], $0x2000  }
0x106: {  	[sflag:s7] =	ssyncset.done $0x0  }
0x107: {  	[sflag:s7] =	ssyncadd.s32 $0xFFFFE000  }
0x108: {  	_ =	swait.ge [sflag:s7], $0x2000  }
0x109: {  	p1 =	sne.s32 s13, $0x4C0;
	[sflag:s7] =	ssyncset.done $0x0  }
0x10a: {  	s14 =	simm.s32 @p1 $0x5;
	[sflag:s7] =	ssyncadd.s32 $0xFFFFE000  }
0x10b: {  	_ =	swait.ge @p1 [sflag:s14], $0x80  }
0x10c: {  	[sflag:s14] =	ssyncset.done @p1 $0x0  }
0x10d: {  	[sflag:s14] =	ssyncadd.s32 @p1 $0xFFFFFF80  }
0x10e: {  	_ =	swait.ge @p1 [sflag:s14], $0x80  }
0x10f: {  	s16 =	simm.s32 @p1 $0x16E80;
	[sflag:s14] =	ssyncset.done @p1 $0x0  }
0x110: {  	s15 =	simm.s32 @p1 $0x16A00;
	[sflag:s14] =	ssyncadd.s32 @p1 $0xFFFFFF80;
	s14 =	simm.s32 @p1 $0x40  }
0x111: {  	[tilespmem:s16], [sflag:$0x1] =	stream.indirect.gather @p1 [hbm4b:s22+s14], $0x80, s15, s14, $0xb8;
	[tilespmem:$0x1EE80] =	vst v63  }
0x112: {  	s15 =	simm.s32 @p1 $0x16A40;
	s16 =	simm.s32 @p1 $0x18E80  }
0x113: {  	[tilespmem:s16], [sflag:$0x1] =	stream.indirect.gather @p1 [hbm4b:s22+s14], $0x80, s15, s14, $0xb8;
	[tilespmem:$0x1EE80] =	vst v63  }
0x114: {  	s14 =	simm.s32 @p1 $0x9  }
0x115: {  	_ =	swait.ge @p1 [sflag:s14], $0x80  }
0x116: {  	[sflag:s14] =	ssyncset.done @p1 $0x0  }
0x117: {  	[sflag:s14] =	ssyncadd.s32 @p1 $0xFFFFFF80;
	s14 =	rddreg [dreg:$0xf]  }
0x118: {  	s15 =	simm.s32 @p1 $0x0;
	s16 =	simm.s32 @p1 $0x16B00;
	s14 =	sadd.s32 @p1 s13, s14  }
0x119: {  	[tilespmem:s16], [sflag:$0x7] =	stream.linear.gather @p1 [hbm4b:s14+s15], $0x80, $0x38;
	[tilespmem:$0x1EE80] =	vst v63  }
0x11a: {  	s14 =	rddreg [dreg:$0xe]  }
0x11b: {  	s16 =	simm.s32 @p1 $0x16D00;
	s14 =	sadd.s32 @p1 s13, s14  }
0x11c: {  	[tilespmem:s16], [sflag:$0x7] =	stream.linear.gather @p1 [hbm4b:s14+s15], $0x80, $0x38;
	[tilespmem:$0x1EE80] =	vst v63  }
0x11d: {  	s14 =	simm.s32 @!p1 $0x9  }
0x11e: {  	_ =	swait.ge @!p1 [sflag:s14], $0x80  }
0x11f: {  	[sflag:s14] =	ssyncset.done @!p1 $0x0  }
0x120: {  	[sflag:s14] =	ssyncadd.s32 @!p1 $0xFFFFFF80  }
0x121: {  	_ =	swait.ge [sflag:s4], $0x2000  }
0x122: {  	[sflag:s4] =	ssyncset.done $0x0  }
0x123: {  	[sflag:s4] =	ssyncadd.s32 $0xFFFFE000  }
0x124: {  	_ =	swait.ge [sflag:s4], $0x2000  }
0x125: {  	[sflag:s4] =	ssyncset.done $0x0  }
0x126: {  	[sflag:s4] =	ssyncadd.s32 $0xFFFFE000  }
0x127: {  	[spmem:s1] =	stream.indirect.scatter.add.f32 [tilespmem:s29], [sflag:$0x4], $0x80, s11, s23, $0xb8;
	[tilespmem:$0x1EE80] =	vst v63  }
0x128: {  	s16 =	simm.s32 $0x16DC0  }
0x129: {  	[spmem:s1] =	stream.indirect.scatter.add.f32 [tilespmem:s31], [sflag:$0x4], $0x80, s16, s23, $0xb8;
	[tilespmem:$0x1EE80] =	vst v63  }
0x12a: {  	v56 =	vld [tilespmem:$0x16D80];
	_ =	sdelay $0x5  }
0x12b: {  	v57 =	vld [tilespmem:$0x16D90];
	_ =	sdelay $0x1  }
0x12c: {  	v0 =	vld.idx.msk [tilespmem:v56+s0+$0x0], $0xffff;
	_ =	sdelay $0x3  }
0x12d: {  	v58 =	vld [tilespmem:$0x16DA0]  }
0x12e: {  	[tilespmem:$0x16E00] =	vst v0  }
0x12f: {  	v0 =	vld.idx.msk [tilespmem:v57+s0+$0x0], $0xffff;
	_ =	sdelay $0x3  }
0x130: {  	v59 =	vld [tilespmem:$0x16DB0]  }
0x131: {  	[tilespmem:$0x16E10] =	vst v0  }
0x132: {  	v0 =	vld.idx.msk [tilespmem:v58+s0+$0x0], $0xffff;
	_ =	sdelay $0x3  }
0x133: {  	v60 =	vld [tilespmem:$0x16DC0]  }
0x134: {  	[tilespmem:$0x16E20] =	vst v0  }
0x135: {  	v0 =	vld.idx.msk [tilespmem:v59+s0+$0x0], $0xffff;
	_ =	sdelay $0x3  }
0x136: {  	v61 =	vld [tilespmem:$0x16DD0]  }
0x137: {  	[tilespmem:$0x16E30] =	vst v0  }
0x138: {  	v0 =	vld.idx.msk [tilespmem:v60+s0+$0x0], $0xffff;
	_ =	sdelay $0x3  }
0x139: {  	v62 =	vld [tilespmem:$0x16DE0]  }
0x13a: {  	[tilespmem:$0x16E40] =	vst v0  }
0x13b: {  	v0 =	vld.idx.msk [tilespmem:v61+s0+$0x0], $0xffff;
	_ =	sdelay $0x3  }
0x13c: {  	v63 =	vld [tilespmem:$0x16DF0]  }
0x13d: {  	[tilespmem:$0x16E50] =	vst v0  }
0x13e: {  	v0 =	vld.idx.msk [tilespmem:v62+s0+$0x0], $0xffff;
	_ =	sdelay $0x4  }
0x13f: {  	[tilespmem:$0x16E60] =	vst v0  }
0x140: {  	v0 =	vld.idx.msk [tilespmem:v63+s0+$0x0], $0xffff;
	_ =	sdelay $0x4  }
0x141: {  	[tilespmem:$0x16E70] =	vst v0  }
0x142: {  	[spmem:s2] =	stream.indirect.scatter.add.f32 [tilespmem:s5], [sflag:$0x9], $0x1, s10, s18, $0xb8;
	[tilespmem:$0x1EE80] =	vst v63  }
0x143: {  	_ =	swait.ge [sflag:s9], $0x2000  }
.Ltmp2:
0x144: {  	[sflag:s9] =	ssyncset.done $0x0;
	(pc) =	sbr.rel @p0 .LBB2_4-.Ltmp2, $4  }
0x145: {  	[sflag:s9] =	ssyncadd.s32 $0xFFFFE000  }
0x146: {  	_ =	swait.ge [sflag:s9], $0x2000  }
0x147: {  	[sflag:s9] =	ssyncset.done $0x0  }
0x148: {  	[sflag:s9] =	ssyncadd.s32 $0xFFFFE000  }
0x149: {  	_ =	swait.ge [sflag:s28], $0x80  }
0x14a: {  	[sflag:s28] =	ssyncset.done $0x0  }
0x14b: {  	[sflag:s28] =	ssyncadd.s32 $0xFFFFFF80  }
0x14c: {  	_ =	swait.ge [sflag:s28], $0x80  }
0x14d: {  	[sflag:s28] =	ssyncset.done $0x0  }
0x14e: {  	[sflag:s28] =	ssyncadd.s32 $0xFFFFFF80  }
0x14f: {  	[tilespmem:s29], [sflag:$0x2] =	stream.indirect.gather [hbm4b:s22+s23], $0x80, s6, s23, $0xb8;
	[tilespmem:$0x1EE80] =	vst v63  }
0x150: {  	s14 =	simm.s32 $0x16AC0  }
0x151: {  	[tilespmem:s31], [sflag:$0x2] =	stream.indirect.gather [hbm4b:s22+s23], $0x80, s14, s23, $0xb8;
	[tilespmem:$0x1EE80] =	vst v63  }
0x152: {  	_ =	swait.ge [sflag:s25], $0x80  }
.Ltmp3:
0x153: {  	[sflag:s25] =	ssyncset.done $0x0;
	s15 =	rddreg [dreg:$0xd];
	(pc) =	sbr.rel .LBB2_2-.Ltmp3, $4  }
0x154: {  	s16 =	rddreg [dreg:$0xc];
	[sflag:s25] =	ssyncadd.s32 $0xFFFFFF80;
	s14 =	sadd.s32 s13, s15  }
0x155: {  	[tilespmem:s10], [sflag:$0x8] =	stream.linear.gather [hbm4b:s14+s3], $0x80, $0x38;
	[tilespmem:$0x1EE80] =	vst v63  }
0x156: {  	s14 =	sadd.s32 s13, s16;
	s13 =	sadd.s32 $0x40, s13  }
0x157: {  	[tilespmem:s11], [sflag:$0x8] =	stream.linear.gather [hbm4b:s14+s3], $0x80, $0x38;
	[tilespmem:$0x1EE80] =	vst v63  }
.LBB2_5:
0x158: {  	_ =	sfence.sel $0x180000  }
0x159: {  	[bflag:$0x0] =	sbarrier.arrive $0xFFFF  }
0x15a: {  	_ =	strace $0x9000004A  }
0x15b: {  	s0 =	stileid.u32;
	[bflag:$0x2] =	sbarrier.arrive $0xFFFF  }
0x15c: {  	p0 =	sne.s32 s0, $0x0;
	s0 =	rddreg [dreg:$0x3]  }
0x15d: {  	s0 =	sadd.s32 @!p0 $0x100000, s0  }
0x15e: {  	[sflag:s0] =	ssyncadd.tile.s32 @!p0 $0x1;
	_ =	shalt  }
.Lfunc_end2:
_tile_overlayer_lowered:
.L_overlay_start_2:
0x15f: {  	(tag) =	ssettag $0x2  }
0x160: {  	s0 =	rddreg [dreg:$0x0];
	s2 =	stileid.u32  }
0x161: {  	s1 =	rddreg [dreg:$0x1];
	p0 =	sne.s32 s2, $0x0  }
0x162: {  	s3 =	rddreg [dreg:$0x2];
	[bflag:$0x3] =	sbarrier.arrive $0xFFFF;
	s2 =	simm.s32 @!p0 $0x1C0A  }
0x163: {  	[timem:s3], [sflag:s2] =	dma.local @!p0 [hbm:s0], s1  }
0x164: {  	s0 =	simm.s32 @!p0 $0xA  }
0x165: {  	_ =	swait.ge @!p0 [sflag:s0], s1  }
0x166: {  	s1 =	ssub.s32 @!p0 $0x0, s1;
	[sflag:s0] =	ssyncset.done @!p0 $0x0  }
0x167: {  	[sflag:s0] =	ssyncadd.s32 @!p0 s1  }
0x168: {  	[bflag:$0x3] =	sbarrier.arrive $0xFFFF  }
0x169: {  	_ =	shalt  }

</sc_bundles>
